<compile_context>
chip_gen: v7x
topology: tpu7x:2x2x1
jax: 0.10.2.dev20260603
libtpu: 0.0.44.dev20260713+nightly
codegen_flags: <defaults>
</compile_context>

<pallas_src>
import functools

import jax
import jax.numpy as jnp
from jax import lax
from jax.experimental import pallas as pl
from jax.experimental.pallas import tpu as pltpu
from jax.experimental.pallas import tpu_sc as plsc

N = 10000
E = 320000
G = 64
D_IN = 128
D_H = 16
NCLS = 10

NC = 2
NS = 16
NW = NC * NS

NP = 10240
EPT = 10240
EPAD = EPT * NW
CHUNK = 128
RPT = EPT // CHUNK
SC_ROWS = 16
NSC = RPT // SC_ROWS
ZROWS = NP // NS

_mesh = plsc.VectorSubcoreMesh(core_axis_name="c", subcore_axis_name="s")
_sc_params = pltpu.CompilerParams(use_tc_tiling_on_sc=False)



NBUF = 8
LAG = 4
NG = RPT // NBUF


def _hist_body(dst_hbm, zero_hbm, ones_hbm, out_hbm, dstv, rows, acc, *sems):
    c = lax.axis_index("c")
    s = lax.axis_index("s")
    pltpu.sync_copy(zero_hbm.at[pl.ds(s * ZROWS, ZROWS)],
                    acc.at[pl.ds(s * ZROWS, ZROWS)])
    pltpu.sync_copy(ones_hbm, rows)
    w = c * NS + s
    pltpu.sync_copy(dst_hbm.at[pl.ds(w * RPT, RPT)], dstv)
    plsc.subcore_barrier()

    def s_start(k, b):
        pltpu.async_copy(rows, acc.at[dstv.at[k]], sems[b], add=True)

    def s_wait(k, b):
        pltpu.make_async_copy(rows, acc.at[dstv.at[k]], sems[b]).wait()

    def group(g, _):
        for b in range(NBUF):
            k = g * NBUF + b

            @pl.when(k >= NBUF)
            def _():
                s_wait(k - NBUF, b)

            s_start(k, b)
        return _

    lax.fori_loop(0, NG, group, None, unroll=False)
    for b in range(NBUF):
        s_wait(RPT - NBUF + b, b)
    plsc.subcore_barrier()
    pltpu.sync_copy(acc.at[pl.ds(s * ZROWS, ZROWS)],
                    out_hbm.at[c, pl.ds(s * ZROWS, ZROWS)])


_sc_hist = pl.kernel(
    _hist_body,
    out_type=jax.ShapeDtypeStruct((NC, NP, D_H), jnp.float32),
    mesh=_mesh,
    compiler_params=_sc_params,
    scratch_types=[
        pltpu.VMEM((RPT, CHUNK), jnp.int32),
        pltpu.VMEM((CHUNK, D_H), jnp.float32),
        pltpu.VMEM_SHARED((NP, D_H), jnp.float32),
    ] + [pltpu.SemaphoreType.DMA] * NBUF,
)


def _agg_body(hp_hbm, src_hbm, dst_hbm, zero_hbm, out_hbm,
              srcv, dstv, rows, acc, hps, *sems):
    gsem = sems[:NBUF]
    ssem = sems[NBUF:]
    c = lax.axis_index("c")
    s = lax.axis_index("s")
    pltpu.sync_copy(zero_hbm.at[pl.ds(s * ZROWS, ZROWS)],
                    acc.at[pl.ds(s * ZROWS, ZROWS)])

    @pl.when(s < NS - 1)
    def _stage_full():
        pltpu.sync_copy(hp_hbm.at[pl.ds(s * ZROWS, ZROWS)],
                        hps.at[pl.ds(s * ZROWS, ZROWS)])

    @pl.when(s == NS - 1)
    def _stage_tail():
        pltpu.sync_copy(hp_hbm.at[pl.ds((NS - 1) * ZROWS,
                                        N - (NS - 1) * ZROWS)],
                        hps.at[pl.ds((NS - 1) * ZROWS,
                                     N - (NS - 1) * ZROWS)])
        pltpu.sync_copy(zero_hbm.at[pl.ds(N, NP - N)],
                        hps.at[pl.ds(N, NP - N)])

    w = c * NS + s
    pltpu.sync_copy(src_hbm.at[pl.ds(w * RPT, RPT)], srcv)
    pltpu.sync_copy(dst_hbm.at[pl.ds(w * RPT, RPT)], dstv)
    plsc.subcore_barrier()

    def g_start(k, b):
        pltpu.async_copy(hps.at[srcv.at[k]], rows.at[b], gsem[b])

    def g_wait(k, b):
        pltpu.make_async_copy(hps.at[srcv.at[k]], rows.at[b],
                              gsem[b]).wait()

    def s_start(k, b):
        pltpu.async_copy(rows.at[b], acc.at[dstv.at[k]], ssem[b], add=True)

    def s_wait(k, b):
        pltpu.make_async_copy(rows.at[b], acc.at[dstv.at[k]],
                              ssem[b]).wait()

    for b in range(LAG):
        g_start(b, b)

    def group(g, _):
        for b in range(NBUF):
            k = g * NBUF + b
            b2 = (b + LAG) % NBUF
            g_wait(k, b)
            s_start(k, b)

            @pl.when(k >= NBUF - LAG)
            def _():
                s_wait(k + LAG - NBUF, b2)

            @pl.when(k + LAG < RPT)
            def _():
                g_start(k + LAG, b2)

        return _

    lax.fori_loop(0, NG, group, None, unroll=False)
    for j in range(NBUF - LAG):
        k = RPT - (NBUF - LAG) + j
        s_wait(k, k % NBUF)
    plsc.subcore_barrier()
    pltpu.sync_copy(acc.at[pl.ds(s * ZROWS, ZROWS)],
                    out_hbm.at[c, pl.ds(s * ZROWS, ZROWS)])


_sc_agg = pl.kernel(
    _agg_body,
    out_type=jax.ShapeDtypeStruct((NC, NP, D_H), jnp.float32),
    mesh=_mesh,
    compiler_params=_sc_params,
    scratch_types=[
        pltpu.VMEM((RPT, CHUNK), jnp.int32),
        pltpu.VMEM((RPT, CHUNK), jnp.int32),
        pltpu.VMEM((NBUF, CHUNK, D_H), jnp.float32),
        pltpu.VMEM_SHARED((NP, D_H), jnp.float32),
        pltpu.VMEM_SHARED((NP, D_H), jnp.float32),
    ] + [pltpu.SemaphoreType.DMA] * (2 * NBUF),
)



_R = 1000
_GRID = N // _R


def _tca_body(x_ref, w1_ref, h1_ref):
    h1_ref[...] = jnp.dot(x_ref[...], w1_ref[...],
                          preferred_element_type=jnp.float32)


_tca = pl.pallas_call(
    _tca_body,
    grid=(_GRID,),
    in_specs=[
        pl.BlockSpec((_R, D_IN), lambda i: (i, 0)),
        pl.BlockSpec((D_IN, D_H), lambda i: (0, 0)),
    ],
    out_specs=pl.BlockSpec((_R, D_H), lambda i: (i, 0)),
    out_shape=jax.ShapeDtypeStruct((N, D_H), jnp.float32),
)


def _tcb_body(h1_ref, d0_ref, d1_ref, h1p_ref, dinv_ref):
    dinv = lax.rsqrt(d0_ref[0] + d1_ref[0] + 1.0)
    h1p_ref[...] = h1_ref[...] * dinv
    dinv_ref[...] = dinv


_tcb = pl.pallas_call(
    _tcb_body,
    grid=(_GRID,),
    in_specs=[
        pl.BlockSpec((_R, D_H), lambda i: (i, 0)),
        pl.BlockSpec((1, _R, D_H), lambda i: (0, i, 0)),
        pl.BlockSpec((1, _R, D_H), lambda i: (1, i, 0)),
    ],
    out_specs=[
        pl.BlockSpec((_R, D_H), lambda i: (i, 0)),
        pl.BlockSpec((_R, D_H), lambda i: (i, 0)),
    ],
    out_shape=[
        jax.ShapeDtypeStruct((N, D_H), jnp.float32),
        jax.ShapeDtypeStruct((N, D_H), jnp.float32),
    ],
)


def _tc2_body(s0_ref, s1_ref, h1p_ref, dinv_ref, b1_ref, w2_ref, h2p_ref):
    dinv = dinv_ref[...]
    a = dinv * (s0_ref[0] + s1_ref[0] + h1p_ref[...]) + b1_ref[...]
    r = jnp.maximum(a, 0.0)
    h2 = jnp.dot(r, w2_ref[...], preferred_element_type=jnp.float32)
    h2p_ref[...] = h2 * dinv


_tc2 = pl.pallas_call(
    _tc2_body,
    grid=(_GRID,),
    in_specs=[
        pl.BlockSpec((1, _R, D_H), lambda i: (0, i, 0)),
        pl.BlockSpec((1, _R, D_H), lambda i: (1, i, 0)),
        pl.BlockSpec((_R, D_H), lambda i: (i, 0)),
        pl.BlockSpec((_R, D_H), lambda i: (i, 0)),
        pl.BlockSpec((1, D_H), lambda i: (0, 0)),
        pl.BlockSpec((D_H, D_H), lambda i: (0, 0)),
    ],
    out_specs=pl.BlockSpec((_R, D_H), lambda i: (i, 0)),
    out_shape=jax.ShapeDtypeStruct((N, D_H), jnp.float32),
)


def _tc3_body(s0_ref, s1_ref, h2p_ref, dinv_ref, b2_ref, batch_ref,
              wf_ref, bf_ref, out_ref, psum_ref, cnt_ref):
    i = pl.program_id(0)

    @pl.when(i == 0)
    def _init():
        psum_ref[...] = jnp.zeros_like(psum_ref)
        cnt_ref[...] = jnp.zeros_like(cnt_ref)

    dinv = dinv_ref[...]
    out2 = dinv * (s0_ref[0] + s1_ref[0] + h2p_ref[...]) + b2_ref[...]
    b = batch_ref[...].reshape(1, _R)
    onehot = (lax.broadcasted_iota(jnp.int32, (G, _R), 0) == b
              ).astype(jnp.float32)
    psum_ref[...] += jnp.dot(onehot, out2, preferred_element_type=jnp.float32)
    cnt_ref[...] += jnp.dot(onehot, jnp.ones((_R, D_H), jnp.float32),
                            preferred_element_type=jnp.float32)

    @pl.when(i == _GRID - 1)
    def _fin():
        pooled = psum_ref[...] / jnp.maximum(cnt_ref[...], 1.0)
        out_ref[...] = jnp.dot(pooled, wf_ref[...],
                               preferred_element_type=jnp.float32) + bf_ref[...]


_tc3 = pl.pallas_call(
    _tc3_body,
    grid=(_GRID,),
    in_specs=[
        pl.BlockSpec((1, _R, D_H), lambda i: (0, i, 0)),
        pl.BlockSpec((1, _R, D_H), lambda i: (1, i, 0)),
        pl.BlockSpec((_R, D_H), lambda i: (i, 0)),
        pl.BlockSpec((_R, D_H), lambda i: (i, 0)),
        pl.BlockSpec((1, D_H), lambda i: (0, 0)),
        pl.BlockSpec((1, 1, _R), lambda i: (i, 0, 0)),
        pl.BlockSpec((D_H, NCLS), lambda i: (0, 0)),
        pl.BlockSpec((1, NCLS), lambda i: (0, 0)),
    ],
    out_specs=pl.BlockSpec((G, NCLS), lambda i: (0, 0)),
    out_shape=jax.ShapeDtypeStruct((G, NCLS), jnp.float32),
    scratch_shapes=[
        pltpu.VMEM((G, D_H), jnp.float32),
        pltpu.VMEM((G, D_H), jnp.float32),
    ],
)



def kernel(x, edge_index, batch, W1, b1, W2, b2, Wf, bf):
    pad = jnp.full((EPAD - E,), NP - 1, dtype=jnp.int32)
    src2d = jnp.concatenate([edge_index[0], pad]).reshape(-1, CHUNK)
    dst2d = jnp.concatenate([edge_index[1], pad]).reshape(-1, CHUNK)
    batchp = batch.reshape(_GRID, 1, _R)
    zeros_np = jnp.zeros((NP, D_H), jnp.float32)
    ones_chunk = jnp.ones((CHUNK, D_H), jnp.float32)

    h1 = _tca(x, W1)
    deg = _sc_hist(dst2d, zeros_np, ones_chunk)
    h1p, dinv = _tcb(h1, deg, deg)
    s1 = _sc_agg(h1p, src2d, dst2d, zeros_np)
    h2p = _tc2(s1, s1, h1p, dinv, b1.reshape(1, D_H), W2)
    s2 = _sc_agg(h2p, src2d, dst2d, zeros_np)
    return _tc3(s2, s2, h2p, dinv, b2.reshape(1, D_H),
                batchp, Wf, bf.reshape(1, NCLS))

# --- scband reference (transcript-rebuilt; emitter-appended) ---
"""Pipeline reference for scband-gcnpredictor-net-12756052869668 (READ-ONLY COPY).

The authoritative reference and input builder live on the scoring server;
editing this copy changes nothing except your own understanding.
"""

import jax, jax.numpy as jnp
import numpy as np

N = 10000
E = 320000
G = 64
D_IN = 128
D_H = 16
NUM_CLASSES = 10


def setup_inputs(seed: int = 0) -> dict:
    key = jax.random.key(seed)
    ks = jax.random.split(key, 10)
    x = jax.random.normal(ks[0], (N, D_IN), dtype=jnp.float32)
    edge_index = jax.random.randint(ks[1], (2, E), 0, N, dtype=jnp.int32)
    batch = jnp.sort(jax.random.randint(ks[2], (N,), 0, G, dtype=jnp.int32))
    W1 = jax.random.normal(ks[3], (D_IN, D_H), dtype=jnp.float32) * (1.0 / np.sqrt(D_IN))
    b1 = jnp.zeros((D_H,), dtype=jnp.float32)
    W2 = jax.random.normal(ks[4], (D_H, D_H), dtype=jnp.float32) * (1.0 / np.sqrt(D_H))
    b2 = jnp.zeros((D_H,), dtype=jnp.float32)
    Wf = jax.random.normal(ks[5], (D_H, NUM_CLASSES), dtype=jnp.float32) * (1.0 / np.sqrt(D_H))
    bf = jnp.zeros((NUM_CLASSES,), dtype=jnp.float32)
    return {"x": x, "edge_index": edge_index, "batch": batch,
            "W1": W1, "b1": b1, "W2": W2, "b2": b2, "Wf": Wf, "bf": bf}


def reference(x, edge_index, batch, W1, b1, W2, b2, Wf, bf):
    # GCNConv with added self-loops and symmetric normalization (PyG semantics)
    loop = jnp.arange(N, dtype=edge_index.dtype)
    src = jnp.concatenate([edge_index[0], loop])
    dst = jnp.concatenate([edge_index[1], loop])
    deg = jnp.zeros((N,), dtype=x.dtype).at[dst].add(1.0)
    dinv = jax.lax.rsqrt(deg)  # deg >= 1 due to self-loops
    norm = dinv[src] * dinv[dst]

    def gcn_conv(h, W, b):
        h = h @ W
        msgs = h[src] * norm[:, None]
        out = jnp.zeros((N, W.shape[1]), dtype=h.dtype).at[dst].add(msgs)
        return out + b

    h = jax.nn.relu(gcn_conv(x, W1, b1))
    h = gcn_conv(h, W2, b2)

    # global_mean_pool over graph ids
    cnt = jnp.zeros((G,), dtype=h.dtype).at[batch].add(1.0)
    summed = jnp.zeros((G, D_H), dtype=h.dtype).at[batch].add(h)
    pooled = summed / jnp.maximum(cnt, 1.0)[:, None]

    return pooled @ Wf + bf

if __name__ == "__main__":
    import jax
    _d = setup_inputs()
    print(jax.jit(kernel)(*tuple(_d.values())))

</pallas_src>

<mosaic_0001>
#map = affine_map<(d0, d1) -> (0, 0)>
#map1 = affine_map<(d0, d1) -> (0, 0, 0)>
module attributes {stable_mosaic.version = 14 : i64} {
  func.func @_hist_body(%arg0: i32, %arg1: i32, %arg2: memref<2560x128xi32, #tpu.memory_space<hbm>>, %arg3: memref<10240x16xf32, #tpu.memory_space<hbm>>, %arg4: memref<128x16xf32, #tpu.memory_space<hbm>>, %arg5: memref<2x10240x16xf32, #tpu.memory_space<hbm>>, %arg6: memref<80x128xi32, #tpu.memory_space<vmem>>, %arg7: memref<128x16xf32, #tpu.memory_space<vmem>>, %arg8: memref<10240x16xf32, #tpu.memory_space<vmem_shared>>, %arg9: memref<!tpu.dma_semaphore, #tpu.memory_space<semaphore_mem>>, %arg10: memref<!tpu.dma_semaphore, #tpu.memory_space<semaphore_mem>>, %arg11: memref<!tpu.dma_semaphore, #tpu.memory_space<semaphore_mem>>, %arg12: memref<!tpu.dma_semaphore, #tpu.memory_space<semaphore_mem>>, %arg13: memref<!tpu.dma_semaphore, #tpu.memory_space<semaphore_mem>>, %arg14: memref<!tpu.dma_semaphore, #tpu.memory_space<semaphore_mem>>, %arg15: memref<!tpu.dma_semaphore, #tpu.memory_space<semaphore_mem>>, %arg16: memref<!tpu.dma_semaphore, #tpu.memory_space<semaphore_mem>>) attributes {dimension_semantics = [#tpu.dimension_semantics<core_parallel>, #tpu.dimension_semantics<subcore_parallel>], iteration_bounds = array<i64: 2, 16>, scalar_prefetch = 0 : i64, scratch_operands = 11 : i64, tpu.core_type = #tpu.core_type<sc_vector_subcore>, window_params = [{transform_indices = #map}, {transform_indices = #map}, {transform_indices = #map}, {transform_indices = #map1}]} {
    %mul3A = arith.constant 640 : i32
    %mul3A_0 = arith.muli %arg1, %mul3A : i32
    %mul3A_1 = arith.constant 640 : i32
    %mul3A_2 = arith.muli %arg1, %mul3A_1 : i32
    "tpu.region"() ({
      %run_scoped3A = tpu.sem_alloc : memref<!tpu.dma_semaphore, #tpu.memory_space<semaphore_mem>>
      %dma_start3A = arith.constant 0 : i32
      %dma_start3A_71 = tpu.memref_slice %arg8[%mul3A_2, %dma_start3A] : memref<10240x16xf32, #tpu.memory_space<vmem_shared>> -> memref<640x16xf32, #tpu.memory_space<vmem_shared>>
      %dma_start3A_72 = arith.constant 0 : i32
      %dma_start3A_73 = tpu.memref_slice %arg3[%mul3A_0, %dma_start3A_72] : memref<10240x16xf32, #tpu.memory_space<hbm>> -> memref<640x16xf32, #tpu.memory_space<hbm>>
      tpu.enqueue_dma source(%dma_start3A_73 : memref<640x16xf32, #tpu.memory_space<hbm>>) target(%dma_start3A_71 : memref<640x16xf32, #tpu.memory_space<vmem_shared>>) target_semaphore(%run_scoped3A : memref<!tpu.dma_semaphore, #tpu.memory_space<semaphore_mem>>)
      %dma_wait3A_74 = arith.constant 0 : i32
      %dma_wait3A_75 = tpu.memref_slice %arg8[%mul3A_2, %dma_wait3A_74] : memref<10240x16xf32, #tpu.memory_space<vmem_shared>> -> memref<640x16xf32, #tpu.memory_space<vmem_shared>>
      %dma_wait3A_76 = arith.constant 0 : i32
      %dma_wait3A_77 = tpu.memref_slice %arg3[%mul3A_0, %dma_wait3A_76] : memref<10240x16xf32, #tpu.memory_space<hbm>> -> memref<640x16xf32, #tpu.memory_space<hbm>>
      tpu.wait_dma2 semaphore(%run_scoped3A : memref<!tpu.dma_semaphore, #tpu.memory_space<semaphore_mem>>) src(%dma_wait3A_77 : memref<640x16xf32, #tpu.memory_space<hbm>>) dst(%dma_wait3A_75 : memref<640x16xf32, #tpu.memory_space<vmem_shared>>)
      tpu.yield
    }) : () -> ()
    "tpu.region"() ({
      %run_scoped3A = tpu.sem_alloc : memref<!tpu.dma_semaphore, #tpu.memory_space<semaphore_mem>>
      tpu.enqueue_dma source(%arg4 : memref<128x16xf32, #tpu.memory_space<hbm>>) target(%arg7 : memref<128x16xf32, #tpu.memory_space<vmem>>) target_semaphore(%run_scoped3A : memref<!tpu.dma_semaphore, #tpu.memory_space<semaphore_mem>>)
      tpu.wait_dma2 semaphore(%run_scoped3A : memref<!tpu.dma_semaphore, #tpu.memory_space<semaphore_mem>>) src(%arg4 : memref<128x16xf32, #tpu.memory_space<hbm>>) dst(%arg7 : memref<128x16xf32, #tpu.memory_space<vmem>>)
      tpu.yield
    }) : () -> ()
    %mul3A_3 = arith.constant 16 : i32
    %mul3A_4 = arith.muli %arg0, %mul3A_3 : i32
    %add3A = arith.addi %mul3A_4, %arg1 : i32
    %mul3A_5 = arith.constant 80 : i32
    %mul3A_6 = arith.muli %add3A, %mul3A_5 : i32
    "tpu.region"() ({
      %run_scoped3A = tpu.sem_alloc : memref<!tpu.dma_semaphore, #tpu.memory_space<semaphore_mem>>
      %dma_start3A = arith.constant 0 : i32
      %dma_start3A_71 = tpu.memref_slice %arg2[%mul3A_6, %dma_start3A] : memref<2560x128xi32, #tpu.memory_space<hbm>> -> memref<80x128xi32, #tpu.memory_space<hbm>>
      %dma_start3A_72 = arith.constant 0 : i32
      %dma_start3A_73 = tpu.memref_slice %arg2[%mul3A_6, %dma_start3A_72] : memref<2560x128xi32, #tpu.memory_space<hbm>> -> memref<80x128xi32, #tpu.memory_space<hbm>>
      tpu.enqueue_dma source(%dma_start3A_73 : memref<80x128xi32, #tpu.memory_space<hbm>>) target(%arg6 : memref<80x128xi32, #tpu.memory_space<vmem>>) target_semaphore(%run_scoped3A : memref<!tpu.dma_semaphore, #tpu.memory_space<semaphore_mem>>)
      %dma_wait3A_74 = arith.constant 0 : i32
      %dma_wait3A_75 = tpu.memref_slice %arg2[%mul3A_6, %dma_wait3A_74] : memref<2560x128xi32, #tpu.memory_space<hbm>> -> memref<80x128xi32, #tpu.memory_space<hbm>>
      %dma_wait3A_76 = arith.constant 0 : i32
      %dma_wait3A_77 = tpu.memref_slice %arg2[%mul3A_6, %dma_wait3A_76] : memref<2560x128xi32, #tpu.memory_space<hbm>> -> memref<80x128xi32, #tpu.memory_space<hbm>>
      tpu.wait_dma2 semaphore(%run_scoped3A : memref<!tpu.dma_semaphore, #tpu.memory_space<semaphore_mem>>) src(%dma_wait3A_77 : memref<80x128xi32, #tpu.memory_space<hbm>>) dst(%arg6 : memref<80x128xi32, #tpu.memory_space<vmem>>)
      tpu.yield
    }) : () -> ()
    %barrier3A = arith.constant 0 : index
    tpu.barrier barrier_id(%barrier3A)
    %scan3A = arith.constant 0 : i32
    %scan3A_7 = arith.constant 10 : i32
    %scan3A_8 = arith.addi %scan3A, %scan3A_7 : i32
    %scan3A_9 = arith.constant 1 : i32
    scf.for %scan3A_71 = %scan3A to %scan3A_8 step %scan3A_9  : i32 {
      %mul3A_72 = arith.constant 8 : i32
      %mul3A_73 = arith.muli %scan3A_71, %mul3A_72 : i32
      %add3A_74 = arith.constant 0 : i32
      %add3A_75 = arith.addi %mul3A_73, %add3A_74 : i32
      %ge3A = arith.constant 8 : i32
      %ge3A_76 = arith.cmpi sge, %add3A_75, %ge3A : i32
      %convert_element_type3A = arith.extui %ge3A_76 : i1 to i32
      %cond3A = arith.constant 0 : i32
      %cond3A_77 = arith.cmpi ne, %convert_element_type3A, %cond3A : i32
      scf.if %cond3A_77 {
        %sub3A = arith.constant 8 : i32
        %sub3A_188 = arith.subi %add3A_75, %sub3A : i32
        %dma_wait3A_189 = arith.constant 0 : i32
        %dma_wait3A_190 = tpu.memref_slice %arg6[%sub3A_188, %dma_wait3A_189] : memref<80x128xi32, #tpu.memory_space<vmem>> -> memref<1x128xi32, #tpu.memory_space<vmem>>
        %dma_wait3A_191 = tpu.memref_squeeze %dma_wait3A_190 : memref<1x128xi32, #tpu.memory_space<vmem>> -> memref<128xi32, #tpu.memory_space<vmem>>
        %dma_wait3A_192 = arith.constant 0 : i32
        %dma_wait3A_193 = arith.constant 0 : i32
        %dma_wait3A_194 = tpu.memref_slice %arg8[%dma_wait3A_192, %dma_wait3A_193] : memref<10240x16xf32, #tpu.memory_space<vmem_shared>> -> memref<10240x16xf32, #tpu.memory_space<vmem_shared>>
        tpu.wait_indirect_dma semaphore(%arg9 : memref<!tpu.dma_semaphore, #tpu.memory_space<semaphore_mem>>) src(%arg7 : memref<128x16xf32, #tpu.memory_space<vmem>>) dst(%dma_wait3A_194 : memref<10240x16xf32, #tpu.memory_space<vmem_shared>>)
      } else {
      }
      %dma_start3A = arith.constant 0 : i32
      %dma_start3A_78 = tpu.memref_slice %arg6[%add3A_75, %dma_start3A] : memref<80x128xi32, #tpu.memory_space<vmem>> -> memref<1x128xi32, #tpu.memory_space<vmem>>
      %dma_start3A_79 = tpu.memref_squeeze %dma_start3A_78 : memref<1x128xi32, #tpu.memory_space<vmem>> -> memref<128xi32, #tpu.memory_space<vmem>>
      %dma_start3A_80 = arith.constant 0 : i32
      %dma_start3A_81 = arith.constant 0 : i32
      %dma_start3A_82 = tpu.memref_slice %arg8[%dma_start3A_80, %dma_start3A_81] : memref<10240x16xf32, #tpu.memory_space<vmem_shared>> -> memref<10240x16xf32, #tpu.memory_space<vmem_shared>>
      tpu.enqueue_indirect_dma source(%arg7 : memref<128x16xf32, #tpu.memory_space<vmem>>) target(%dma_start3A_82 : memref<10240x16xf32, #tpu.memory_space<vmem_shared>>) offsets(%dma_start3A_79 : memref<128xi32, #tpu.memory_space<vmem>>) semaphore(%arg9 : memref<!tpu.dma_semaphore, #tpu.memory_space<semaphore_mem>>) {add = true}
      %mul3A_83 = arith.constant 8 : i32
      %mul3A_84 = arith.muli %scan3A_71, %mul3A_83 : i32
      %add3A_85 = arith.constant 1 : i32
      %add3A_86 = arith.addi %mul3A_84, %add3A_85 : i32
      %ge3A_87 = arith.constant 8 : i32
      %ge3A_88 = arith.cmpi sge, %add3A_86, %ge3A_87 : i32
      %convert_element_type3A_89 = arith.extui %ge3A_88 : i1 to i32
      %cond3A_90 = arith.constant 0 : i32
      %cond3A_91 = arith.cmpi ne, %convert_element_type3A_89, %cond3A_90 : i32
      scf.if %cond3A_91 {
        %sub3A = arith.constant 8 : i32
        %sub3A_188 = arith.subi %add3A_86, %sub3A : i32
        %dma_wait3A_189 = arith.constant 0 : i32
        %dma_wait3A_190 = tpu.memref_slice %arg6[%sub3A_188, %dma_wait3A_189] : memref<80x128xi32, #tpu.memory_space<vmem>> -> memref<1x128xi32, #tpu.memory_space<vmem>>
        %dma_wait3A_191 = tpu.memref_squeeze %dma_wait3A_190 : memref<1x128xi32, #tpu.memory_space<vmem>> -> memref<128xi32, #tpu.memory_space<vmem>>
        %dma_wait3A_192 = arith.constant 0 : i32
        %dma_wait3A_193 = arith.constant 0 : i32
        %dma_wait3A_194 = tpu.memref_slice %arg8[%dma_wait3A_192, %dma_wait3A_193] : memref<10240x16xf32, #tpu.memory_space<vmem_shared>> -> memref<10240x16xf32, #tpu.memory_space<vmem_shared>>
        tpu.wait_indirect_dma semaphore(%arg10 : memref<!tpu.dma_semaphore, #tpu.memory_space<semaphore_mem>>) src(%arg7 : memref<128x16xf32, #tpu.memory_space<vmem>>) dst(%dma_wait3A_194 : memref<10240x16xf32, #tpu.memory_space<vmem_shared>>)
      } else {
      }
      %dma_start3A_92 = arith.constant 0 : i32
      %dma_start3A_93 = tpu.memref_slice %arg6[%add3A_86, %dma_start3A_92] : memref<80x128xi32, #tpu.memory_space<vmem>> -> memref<1x128xi32, #tpu.memory_space<vmem>>
      %dma_start3A_94 = tpu.memref_squeeze %dma_start3A_93 : memref<1x128xi32, #tpu.memory_space<vmem>> -> memref<128xi32, #tpu.memory_space<vmem>>
      %dma_start3A_95 = arith.constant 0 : i32
      %dma_start3A_96 = arith.constant 0 : i32
      %dma_start3A_97 = tpu.memref_slice %arg8[%dma_start3A_95, %dma_start3A_96] : memref<10240x16xf32, #tpu.memory_space<vmem_shared>> -> memref<10240x16xf32, #tpu.memory_space<vmem_shared>>
      tpu.enqueue_indirect_dma source(%arg7 : memref<128x16xf32, #tpu.memory_space<vmem>>) target(%dma_start3A_97 : memref<10240x16xf32, #tpu.memory_space<vmem_shared>>) offsets(%dma_start3A_94 : memref<128xi32, #tpu.memory_space<vmem>>) semaphore(%arg10 : memref<!tpu.dma_semaphore, #tpu.memory_space<semaphore_mem>>) {add = true}
      %mul3A_98 = arith.constant 8 : i32
      %mul3A_99 = arith.muli %scan3A_71, %mul3A_98 : i32
      %add3A_100 = arith.constant 2 : i32
      %add3A_101 = arith.addi %mul3A_99, %add3A_100 : i32
      %ge3A_102 = arith.constant 8 : i32
      %ge3A_103 = arith.cmpi sge, %add3A_101, %ge3A_102 : i32
      %convert_element_type3A_104 = arith.extui %ge3A_103 : i1 to i32
      %cond3A_105 = arith.constant 0 : i32
      %cond3A_106 = arith.cmpi ne, %convert_element_type3A_104, %cond3A_105 : i32
      scf.if %cond3A_106 {
        %sub3A = arith.constant 8 : i32
        %sub3A_188 = arith.subi %add3A_101, %sub3A : i32
        %dma_wait3A_189 = arith.constant 0 : i32
        %dma_wait3A_190 = tpu.memref_slice %arg6[%sub3A_188, %dma_wait3A_189] : memref<80x128xi32, #tpu.memory_space<vmem>> -> memref<1x128xi32, #tpu.memory_space<vmem>>
        %dma_wait3A_191 = tpu.memref_squeeze %dma_wait3A_190 : memref<1x128xi32, #tpu.memory_space<vmem>> -> memref<128xi32, #tpu.memory_space<vmem>>
        %dma_wait3A_192 = arith.constant 0 : i32
        %dma_wait3A_193 = arith.constant 0 : i32
        %dma_wait3A_194 = tpu.memref_slice %arg8[%dma_wait3A_192, %dma_wait3A_193] : memref<10240x16xf32, #tpu.memory_space<vmem_shared>> -> memref<10240x16xf32, #tpu.memory_space<vmem_shared>>
        tpu.wait_indirect_dma semaphore(%arg11 : memref<!tpu.dma_semaphore, #tpu.memory_space<semaphore_mem>>) src(%arg7 : memref<128x16xf32, #tpu.memory_space<vmem>>) dst(%dma_wait3A_194 : memref<10240x16xf32, #tpu.memory_space<vmem_shared>>)
      } else {
      }
      %dma_start3A_107 = arith.constant 0 : i32
      %dma_start3A_108 = tpu.memref_slice %arg6[%add3A_101, %dma_start3A_107] : memref<80x128xi32, #tpu.memory_space<vmem>> -> memref<1x128xi32, #tpu.memory_space<vmem>>
      %dma_start3A_109 = tpu.memref_squeeze %dma_start3A_108 : memref<1x128xi32, #tpu.memory_space<vmem>> -> memref<128xi32, #tpu.memory_space<vmem>>
      %dma_start3A_110 = arith.constant 0 : i32
      %dma_start3A_111 = arith.constant 0 : i32
      %dma_start3A_112 = tpu.memref_slice %arg8[%dma_start3A_110, %dma_start3A_111] : memref<10240x16xf32, #tpu.memory_space<vmem_shared>> -> memref<10240x16xf32, #tpu.memory_space<vmem_shared>>
      tpu.enqueue_indirect_dma source(%arg7 : memref<128x16xf32, #tpu.memory_space<vmem>>) target(%dma_start3A_112 : memref<10240x16xf32, #tpu.memory_space<vmem_shared>>) offsets(%dma_start3A_109 : memref<128xi32, #tpu.memory_space<vmem>>) semaphore(%arg11 : memref<!tpu.dma_semaphore, #tpu.memory_space<semaphore_mem>>) {add = true}
      %mul3A_113 = arith.constant 8 : i32
      %mul3A_114 = arith.muli %scan3A_71, %mul3A_113 : i32
      %add3A_115 = arith.constant 3 : i32
      %add3A_116 = arith.addi %mul3A_114, %add3A_115 : i32
      %ge3A_117 = arith.constant 8 : i32
      %ge3A_118 = arith.cmpi sge, %add3A_116, %ge3A_117 : i32
      %convert_element_type3A_119 = arith.extui %ge3A_118 : i1 to i32
      %cond3A_120 = arith.constant 0 : i32
      %cond3A_121 = arith.cmpi ne, %convert_element_type3A_119, %cond3A_120 : i32
      scf.if %cond3A_121 {
        %sub3A = arith.constant 8 : i32
        %sub3A_188 = arith.subi %add3A_116, %sub3A : i32
        %dma_wait3A_189 = arith.constant 0 : i32
        %dma_wait3A_190 = tpu.memref_slice %arg6[%sub3A_188, %dma_wait3A_189] : memref<80x128xi32, #tpu.memory_space<vmem>> -> memref<1x128xi32, #tpu.memory_space<vmem>>
        %dma_wait3A_191 = tpu.memref_squeeze %dma_wait3A_190 : memref<1x128xi32, #tpu.memory_space<vmem>> -> memref<128xi32, #tpu.memory_space<vmem>>
        %dma_wait3A_192 = arith.constant 0 : i32
        %dma_wait3A_193 = arith.constant 0 : i32
        %dma_wait3A_194 = tpu.memref_slice %arg8[%dma_wait3A_192, %dma_wait3A_193] : memref<10240x16xf32, #tpu.memory_space<vmem_shared>> -> memref<10240x16xf32, #tpu.memory_space<vmem_shared>>
        tpu.wait_indirect_dma semaphore(%arg12 : memref<!tpu.dma_semaphore, #tpu.memory_space<semaphore_mem>>) src(%arg7 : memref<128x16xf32, #tpu.memory_space<vmem>>) dst(%dma_wait3A_194 : memref<10240x16xf32, #tpu.memory_space<vmem_shared>>)
      } else {
      }
      %dma_start3A_122 = arith.constant 0 : i32
      %dma_start3A_123 = tpu.memref_slice %arg6[%add3A_116, %dma_start3A_122] : memref<80x128xi32, #tpu.memory_space<vmem>> -> memref<1x128xi32, #tpu.memory_space<vmem>>
      %dma_start3A_124 = tpu.memref_squeeze %dma_start3A_123 : memref<1x128xi32, #tpu.memory_space<vmem>> -> memref<128xi32, #tpu.memory_space<vmem>>
      %dma_start3A_125 = arith.constant 0 : i32
      %dma_start3A_126 = arith.constant 0 : i32
      %dma_start3A_127 = tpu.memref_slice %arg8[%dma_start3A_125, %dma_start3A_126] : memref<10240x16xf32, #tpu.memory_space<vmem_shared>> -> memref<10240x16xf32, #tpu.memory_space<vmem_shared>>
      tpu.enqueue_indirect_dma source(%arg7 : memref<128x16xf32, #tpu.memory_space<vmem>>) target(%dma_start3A_127 : memref<10240x16xf32, #tpu.memory_space<vmem_shared>>) offsets(%dma_start3A_124 : memref<128xi32, #tpu.memory_space<vmem>>) semaphore(%arg12 : memref<!tpu.dma_semaphore, #tpu.memory_space<semaphore_mem>>) {add = true}
      %mul3A_128 = arith.constant 8 : i32
      %mul3A_129 = arith.muli %scan3A_71, %mul3A_128 : i32
      %add3A_130 = arith.constant 4 : i32
      %add3A_131 = arith.addi %mul3A_129, %add3A_130 : i32
      %ge3A_132 = arith.constant 8 : i32
      %ge3A_133 = arith.cmpi sge, %add3A_131, %ge3A_132 : i32
      %convert_element_type3A_134 = arith.extui %ge3A_133 : i1 to i32
      %cond3A_135 = arith.constant 0 : i32
      %cond3A_136 = arith.cmpi ne, %convert_element_type3A_134, %cond3A_135 : i32
      scf.if %cond3A_136 {
        %sub3A = arith.constant 8 : i32
        %sub3A_188 = arith.subi %add3A_131, %sub3A : i32
        %dma_wait3A_189 = arith.constant 0 : i32
        %dma_wait3A_190 = tpu.memref_slice %arg6[%sub3A_188, %dma_wait3A_189] : memref<80x128xi32, #tpu.memory_space<vmem>> -> memref<1x128xi32, #tpu.memory_space<vmem>>
        %dma_wait3A_191 = tpu.memref_squeeze %dma_wait3A_190 : memref<1x128xi32, #tpu.memory_space<vmem>> -> memref<128xi32, #tpu.memory_space<vmem>>
        %dma_wait3A_192 = arith.constant 0 : i32
        %dma_wait3A_193 = arith.constant 0 : i32
        %dma_wait3A_194 = tpu.memref_slice %arg8[%dma_wait3A_192, %dma_wait3A_193] : memref<10240x16xf32, #tpu.memory_space<vmem_shared>> -> memref<10240x16xf32, #tpu.memory_space<vmem_shared>>
        tpu.wait_indirect_dma semaphore(%arg13 : memref<!tpu.dma_semaphore, #tpu.memory_space<semaphore_mem>>) src(%arg7 : memref<128x16xf32, #tpu.memory_space<vmem>>) dst(%dma_wait3A_194 : memref<10240x16xf32, #tpu.memory_space<vmem_shared>>)
      } else {
      }
      %dma_start3A_137 = arith.constant 0 : i32
      %dma_start3A_138 = tpu.memref_slice %arg6[%add3A_131, %dma_start3A_137] : memref<80x128xi32, #tpu.memory_space<vmem>> -> memref<1x128xi32, #tpu.memory_space<vmem>>
      %dma_start3A_139 = tpu.memref_squeeze %dma_start3A_138 : memref<1x128xi32, #tpu.memory_space<vmem>> -> memref<128xi32, #tpu.memory_space<vmem>>
      %dma_start3A_140 = arith.constant 0 : i32
      %dma_start3A_141 = arith.constant 0 : i32
      %dma_start3A_142 = tpu.memref_slice %arg8[%dma_start3A_140, %dma_start3A_141] : memref<10240x16xf32, #tpu.memory_space<vmem_shared>> -> memref<10240x16xf32, #tpu.memory_space<vmem_shared>>
      tpu.enqueue_indirect_dma source(%arg7 : memref<128x16xf32, #tpu.memory_space<vmem>>) target(%dma_start3A_142 : memref<10240x16xf32, #tpu.memory_space<vmem_shared>>) offsets(%dma_start3A_139 : memref<128xi32, #tpu.memory_space<vmem>>) semaphore(%arg13 : memref<!tpu.dma_semaphore, #tpu.memory_space<semaphore_mem>>) {add = true}
      %mul3A_143 = arith.constant 8 : i32
      %mul3A_144 = arith.muli %scan3A_71, %mul3A_143 : i32
      %add3A_145 = arith.constant 5 : i32
      %add3A_146 = arith.addi %mul3A_144, %add3A_145 : i32
      %ge3A_147 = arith.constant 8 : i32
      %ge3A_148 = arith.cmpi sge, %add3A_146, %ge3A_147 : i32
      %convert_element_type3A_149 = arith.extui %ge3A_148 : i1 to i32
      %cond3A_150 = arith.constant 0 : i32
      %cond3A_151 = arith.cmpi ne, %convert_element_type3A_149, %cond3A_150 : i32
      scf.if %cond3A_151 {
        %sub3A = arith.constant 8 : i32
        %sub3A_188 = arith.subi %add3A_146, %sub3A : i32
        %dma_wait3A_189 = arith.constant 0 : i32
        %dma_wait3A_190 = tpu.memref_slice %arg6[%sub3A_188, %dma_wait3A_189] : memref<80x128xi32, #tpu.memory_space<vmem>> -> memref<1x128xi32, #tpu.memory_space<vmem>>
        %dma_wait3A_191 = tpu.memref_squeeze %dma_wait3A_190 : memref<1x128xi32, #tpu.memory_space<vmem>> -> memref<128xi32, #tpu.memory_space<vmem>>
        %dma_wait3A_192 = arith.constant 0 : i32
        %dma_wait3A_193 = arith.constant 0 : i32
        %dma_wait3A_194 = tpu.memref_slice %arg8[%dma_wait3A_192, %dma_wait3A_193] : memref<10240x16xf32, #tpu.memory_space<vmem_shared>> -> memref<10240x16xf32, #tpu.memory_space<vmem_shared>>
        tpu.wait_indirect_dma semaphore(%arg14 : memref<!tpu.dma_semaphore, #tpu.memory_space<semaphore_mem>>) src(%arg7 : memref<128x16xf32, #tpu.memory_space<vmem>>) dst(%dma_wait3A_194 : memref<10240x16xf32, #tpu.memory_space<vmem_shared>>)
      } else {
      }
      %dma_start3A_152 = arith.constant 0 : i32
      %dma_start3A_153 = tpu.memref_slice %arg6[%add3A_146, %dma_start3A_152] : memref<80x128xi32, #tpu.memory_space<vmem>> -> memref<1x128xi32, #tpu.memory_space<vmem>>
      %dma_start3A_154 = tpu.memref_squeeze %dma_start3A_153 : memref<1x128xi32, #tpu.memory_space<vmem>> -> memref<128xi32, #tpu.memory_space<vmem>>
      %dma_start3A_155 = arith.constant 0 : i32
      %dma_start3A_156 = arith.constant 0 : i32
      %dma_start3A_157 = tpu.memref_slice %arg8[%dma_start3A_155, %dma_start3A_156] : memref<10240x16xf32, #tpu.memory_space<vmem_shared>> -> memref<10240x16xf32, #tpu.memory_space<vmem_shared>>
      tpu.enqueue_indirect_dma source(%arg7 : memref<128x16xf32, #tpu.memory_space<vmem>>) target(%dma_start3A_157 : memref<10240x16xf32, #tpu.memory_space<vmem_shared>>) offsets(%dma_start3A_154 : memref<128xi32, #tpu.memory_space<vmem>>) semaphore(%arg14 : memref<!tpu.dma_semaphore, #tpu.memory_space<semaphore_mem>>) {add = true}
      %mul3A_158 = arith.constant 8 : i32
      %mul3A_159 = arith.muli %scan3A_71, %mul3A_158 : i32
      %add3A_160 = arith.constant 6 : i32
      %add3A_161 = arith.addi %mul3A_159, %add3A_160 : i32
      %ge3A_162 = arith.constant 8 : i32
      %ge3A_163 = arith.cmpi sge, %add3A_161, %ge3A_162 : i32
      %convert_element_type3A_164 = arith.extui %ge3A_163 : i1 to i32
      %cond3A_165 = arith.constant 0 : i32
      %cond3A_166 = arith.cmpi ne, %convert_element_type3A_164, %cond3A_165 : i32
      scf.if %cond3A_166 {
        %sub3A = arith.constant 8 : i32
        %sub3A_188 = arith.subi %add3A_161, %sub3A : i32
        %dma_wait3A_189 = arith.constant 0 : i32
        %dma_wait3A_190 = tpu.memref_slice %arg6[%sub3A_188, %dma_wait3A_189] : memref<80x128xi32, #tpu.memory_space<vmem>> -> memref<1x128xi32, #tpu.memory_space<vmem>>
        %dma_wait3A_191 = tpu.memref_squeeze %dma_wait3A_190 : memref<1x128xi32, #tpu.memory_space<vmem>> -> memref<128xi32, #tpu.memory_space<vmem>>
        %dma_wait3A_192 = arith.constant 0 : i32
        %dma_wait3A_193 = arith.constant 0 : i32
        %dma_wait3A_194 = tpu.memref_slice %arg8[%dma_wait3A_192, %dma_wait3A_193] : memref<10240x16xf32, #tpu.memory_space<vmem_shared>> -> memref<10240x16xf32, #tpu.memory_space<vmem_shared>>
        tpu.wait_indirect_dma semaphore(%arg15 : memref<!tpu.dma_semaphore, #tpu.memory_space<semaphore_mem>>) src(%arg7 : memref<128x16xf32, #tpu.memory_space<vmem>>) dst(%dma_wait3A_194 : memref<10240x16xf32, #tpu.memory_space<vmem_shared>>)
      } else {
      }
      %dma_start3A_167 = arith.constant 0 : i32
      %dma_start3A_168 = tpu.memref_slice %arg6[%add3A_161, %dma_start3A_167] : memref<80x128xi32, #tpu.memory_space<vmem>> -> memref<1x128xi32, #tpu.memory_space<vmem>>
      %dma_start3A_169 = tpu.memref_squeeze %dma_start3A_168 : memref<1x128xi32, #tpu.memory_space<vmem>> -> memref<128xi32, #tpu.memory_space<vmem>>
      %dma_start3A_170 = arith.constant 0 : i32
      %dma_start3A_171 = arith.constant 0 : i32
      %dma_start3A_172 = tpu.memref_slice %arg8[%dma_start3A_170, %dma_start3A_171] : memref<10240x16xf32, #tpu.memory_space<vmem_shared>> -> memref<10240x16xf32, #tpu.memory_space<vmem_shared>>
      tpu.enqueue_indirect_dma source(%arg7 : memref<128x16xf32, #tpu.memory_space<vmem>>) target(%dma_start3A_172 : memref<10240x16xf32, #tpu.memory_space<vmem_shared>>) offsets(%dma_start3A_169 : memref<128xi32, #tpu.memory_space<vmem>>) semaphore(%arg15 : memref<!tpu.dma_semaphore, #tpu.memory_space<semaphore_mem>>) {add = true}
      %mul3A_173 = arith.constant 8 : i32
      %mul3A_174 = arith.muli %scan3A_71, %mul3A_173 : i32
      %add3A_175 = arith.constant 7 : i32
      %add3A_176 = arith.addi %mul3A_174, %add3A_175 : i32
      %ge3A_177 = arith.constant 8 : i32
      %ge3A_178 = arith.cmpi sge, %add3A_176, %ge3A_177 : i32
      %convert_element_type3A_179 = arith.extui %ge3A_178 : i1 to i32
      %cond3A_180 = arith.constant 0 : i32
      %cond3A_181 = arith.cmpi ne, %convert_element_type3A_179, %cond3A_180 : i32
      scf.if %cond3A_181 {
        %sub3A = arith.constant 8 : i32
        %sub3A_188 = arith.subi %add3A_176, %sub3A : i32
        %dma_wait3A_189 = arith.constant 0 : i32
        %dma_wait3A_190 = tpu.memref_slice %arg6[%sub3A_188, %dma_wait3A_189] : memref<80x128xi32, #tpu.memory_space<vmem>> -> memref<1x128xi32, #tpu.memory_space<vmem>>
        %dma_wait3A_191 = tpu.memref_squeeze %dma_wait3A_190 : memref<1x128xi32, #tpu.memory_space<vmem>> -> memref<128xi32, #tpu.memory_space<vmem>>
        %dma_wait3A_192 = arith.constant 0 : i32
        %dma_wait3A_193 = arith.constant 0 : i32
        %dma_wait3A_194 = tpu.memref_slice %arg8[%dma_wait3A_192, %dma_wait3A_193] : memref<10240x16xf32, #tpu.memory_space<vmem_shared>> -> memref<10240x16xf32, #tpu.memory_space<vmem_shared>>
        tpu.wait_indirect_dma semaphore(%arg16 : memref<!tpu.dma_semaphore, #tpu.memory_space<semaphore_mem>>) src(%arg7 : memref<128x16xf32, #tpu.memory_space<vmem>>) dst(%dma_wait3A_194 : memref<10240x16xf32, #tpu.memory_space<vmem_shared>>)
      } else {
      }
      %dma_start3A_182 = arith.constant 0 : i32
      %dma_start3A_183 = tpu.memref_slice %arg6[%add3A_176, %dma_start3A_182] : memref<80x128xi32, #tpu.memory_space<vmem>> -> memref<1x128xi32, #tpu.memory_space<vmem>>
      %dma_start3A_184 = tpu.memref_squeeze %dma_start3A_183 : memref<1x128xi32, #tpu.memory_space<vmem>> -> memref<128xi32, #tpu.memory_space<vmem>>
      %dma_start3A_185 = arith.constant 0 : i32
      %dma_start3A_186 = arith.constant 0 : i32
      %dma_start3A_187 = tpu.memref_slice %arg8[%dma_start3A_185, %dma_start3A_186] : memref<10240x16xf32, #tpu.memory_space<vmem_shared>> -> memref<10240x16xf32, #tpu.memory_space<vmem_shared>>
      tpu.enqueue_indirect_dma source(%arg7 : memref<128x16xf32, #tpu.memory_space<vmem>>) target(%dma_start3A_187 : memref<10240x16xf32, #tpu.memory_space<vmem_shared>>) offsets(%dma_start3A_184 : memref<128xi32, #tpu.memory_space<vmem>>) semaphore(%arg16 : memref<!tpu.dma_semaphore, #tpu.memory_space<semaphore_mem>>) {add = true}
    }
    %scan3A_10 = arith.constant 10 : i32
    %dma_wait3A = arith.constant 72 : i32
    %dma_wait3A_11 = arith.constant 0 : i32
    %dma_wait3A_12 = tpu.memref_slice %arg6[%dma_wait3A, %dma_wait3A_11] : memref<80x128xi32, #tpu.memory_space<vmem>> -> memref<1x128xi32, #tpu.memory_space<vmem>>
    %dma_wait3A_13 = tpu.memref_squeeze %dma_wait3A_12 : memref<1x128xi32, #tpu.memory_space<vmem>> -> memref<128xi32, #tpu.memory_space<vmem>>
    %dma_wait3A_14 = arith.constant 0 : i32
    %dma_wait3A_15 = arith.constant 0 : i32
    %dma_wait3A_16 = tpu.memref_slice %arg8[%dma_wait3A_14, %dma_wait3A_15] : memref<10240x16xf32, #tpu.memory_space<vmem_shared>> -> memref<10240x16xf32, #tpu.memory_space<vmem_shared>>
    tpu.wait_indirect_dma semaphore(%arg9 : memref<!tpu.dma_semaphore, #tpu.memory_space<semaphore_mem>>) src(%arg7 : memref<128x16xf32, #tpu.memory_space<vmem>>) dst(%dma_wait3A_16 : memref<10240x16xf32, #tpu.memory_space<vmem_shared>>)
    %dma_wait3A_17 = arith.constant 73 : i32
    %dma_wait3A_18 = arith.constant 0 : i32
    %dma_wait3A_19 = tpu.memref_slice %arg6[%dma_wait3A_17, %dma_wait3A_18] : memref<80x128xi32, #tpu.memory_space<vmem>> -> memref<1x128xi32, #tpu.memory_space<vmem>>
    %dma_wait3A_20 = tpu.memref_squeeze %dma_wait3A_19 : memref<1x128xi32, #tpu.memory_space<vmem>> -> memref<128xi32, #tpu.memory_space<vmem>>
    %dma_wait3A_21 = arith.constant 0 : i32
    %dma_wait3A_22 = arith.constant 0 : i32
    %dma_wait3A_23 = tpu.memref_slice %arg8[%dma_wait3A_21, %dma_wait3A_22] : memref<10240x16xf32, #tpu.memory_space<vmem_shared>> -> memref<10240x16xf32, #tpu.memory_space<vmem_shared>>
    tpu.wait_indirect_dma semaphore(%arg10 : memref<!tpu.dma_semaphore, #tpu.memory_space<semaphore_mem>>) src(%arg7 : memref<128x16xf32, #tpu.memory_space<vmem>>) dst(%dma_wait3A_23 : memref<10240x16xf32, #tpu.memory_space<vmem_shared>>)
    %dma_wait3A_24 = arith.constant 74 : i32
    %dma_wait3A_25 = arith.constant 0 : i32
    %dma_wait3A_26 = tpu.memref_slice %arg6[%dma_wait3A_24, %dma_wait3A_25] : memref<80x128xi32, #tpu.memory_space<vmem>> -> memref<1x128xi32, #tpu.memory_space<vmem>>
    %dma_wait3A_27 = tpu.memref_squeeze %dma_wait3A_26 : memref<1x128xi32, #tpu.memory_space<vmem>> -> memref<128xi32, #tpu.memory_space<vmem>>
    %dma_wait3A_28 = arith.constant 0 : i32
    %dma_wait3A_29 = arith.constant 0 : i32
    %dma_wait3A_30 = tpu.memref_slice %arg8[%dma_wait3A_28, %dma_wait3A_29] : memref<10240x16xf32, #tpu.memory_space<vmem_shared>> -> memref<10240x16xf32, #tpu.memory_space<vmem_shared>>
    tpu.wait_indirect_dma semaphore(%arg11 : memref<!tpu.dma_semaphore, #tpu.memory_space<semaphore_mem>>) src(%arg7 : memref<128x16xf32, #tpu.memory_space<vmem>>) dst(%dma_wait3A_30 : memref<10240x16xf32, #tpu.memory_space<vmem_shared>>)
    %dma_wait3A_31 = arith.constant 75 : i32
    %dma_wait3A_32 = arith.constant 0 : i32
    %dma_wait3A_33 = tpu.memref_slice %arg6[%dma_wait3A_31, %dma_wait3A_32] : memref<80x128xi32, #tpu.memory_space<vmem>> -> memref<1x128xi32, #tpu.memory_space<vmem>>
    %dma_wait3A_34 = tpu.memref_squeeze %dma_wait3A_33 : memref<1x128xi32, #tpu.memory_space<vmem>> -> memref<128xi32, #tpu.memory_space<vmem>>
    %dma_wait3A_35 = arith.constant 0 : i32
    %dma_wait3A_36 = arith.constant 0 : i32
    %dma_wait3A_37 = tpu.memref_slice %arg8[%dma_wait3A_35, %dma_wait3A_36] : memref<10240x16xf32, #tpu.memory_space<vmem_shared>> -> memref<10240x16xf32, #tpu.memory_space<vmem_shared>>
    tpu.wait_indirect_dma semaphore(%arg12 : memref<!tpu.dma_semaphore, #tpu.memory_space<semaphore_mem>>) src(%arg7 : memref<128x16xf32, #tpu.memory_space<vmem>>) dst(%dma_wait3A_37 : memref<10240x16xf32, #tpu.memory_space<vmem_shared>>)
    %dma_wait3A_38 = arith.constant 76 : i32
    %dma_wait3A_39 = arith.constant 0 : i32
    %dma_wait3A_40 = tpu.memref_slice %arg6[%dma_wait3A_38, %dma_wait3A_39] : memref<80x128xi32, #tpu.memory_space<vmem>> -> memref<1x128xi32, #tpu.memory_space<vmem>>
    %dma_wait3A_41 = tpu.memref_squeeze %dma_wait3A_40 : memref<1x128xi32, #tpu.memory_space<vmem>> -> memref<128xi32, #tpu.memory_space<vmem>>
    %dma_wait3A_42 = arith.constant 0 : i32
    %dma_wait3A_43 = arith.constant 0 : i32
    %dma_wait3A_44 = tpu.memref_slice %arg8[%dma_wait3A_42, %dma_wait3A_43] : memref<10240x16xf32, #tpu.memory_space<vmem_shared>> -> memref<10240x16xf32, #tpu.memory_space<vmem_shared>>
    tpu.wait_indirect_dma semaphore(%arg13 : memref<!tpu.dma_semaphore, #tpu.memory_space<semaphore_mem>>) src(%arg7 : memref<128x16xf32, #tpu.memory_space<vmem>>) dst(%dma_wait3A_44 : memref<10240x16xf32, #tpu.memory_space<vmem_shared>>)
    %dma_wait3A_45 = arith.constant 77 : i32
    %dma_wait3A_46 = arith.constant 0 : i32
    %dma_wait3A_47 = tpu.memref_slice %arg6[%dma_wait3A_45, %dma_wait3A_46] : memref<80x128xi32, #tpu.memory_space<vmem>> -> memref<1x128xi32, #tpu.memory_space<vmem>>
    %dma_wait3A_48 = tpu.memref_squeeze %dma_wait3A_47 : memref<1x128xi32, #tpu.memory_space<vmem>> -> memref<128xi32, #tpu.memory_space<vmem>>
    %dma_wait3A_49 = arith.constant 0 : i32
    %dma_wait3A_50 = arith.constant 0 : i32
    %dma_wait3A_51 = tpu.memref_slice %arg8[%dma_wait3A_49, %dma_wait3A_50] : memref<10240x16xf32, #tpu.memory_space<vmem_shared>> -> memref<10240x16xf32, #tpu.memory_space<vmem_shared>>
    tpu.wait_indirect_dma semaphore(%arg14 : memref<!tpu.dma_semaphore, #tpu.memory_space<semaphore_mem>>) src(%arg7 : memref<128x16xf32, #tpu.memory_space<vmem>>) dst(%dma_wait3A_51 : memref<10240x16xf32, #tpu.memory_space<vmem_shared>>)
    %dma_wait3A_52 = arith.constant 78 : i32
    %dma_wait3A_53 = arith.constant 0 : i32
    %dma_wait3A_54 = tpu.memref_slice %arg6[%dma_wait3A_52, %dma_wait3A_53] : memref<80x128xi32, #tpu.memory_space<vmem>> -> memref<1x128xi32, #tpu.memory_space<vmem>>
    %dma_wait3A_55 = tpu.memref_squeeze %dma_wait3A_54 : memref<1x128xi32, #tpu.memory_space<vmem>> -> memref<128xi32, #tpu.memory_space<vmem>>
    %dma_wait3A_56 = arith.constant 0 : i32
    %dma_wait3A_57 = arith.constant 0 : i32
    %dma_wait3A_58 = tpu.memref_slice %arg8[%dma_wait3A_56, %dma_wait3A_57] : memref<10240x16xf32, #tpu.memory_space<vmem_shared>> -> memref<10240x16xf32, #tpu.memory_space<vmem_shared>>
    tpu.wait_indirect_dma semaphore(%arg15 : memref<!tpu.dma_semaphore, #tpu.memory_space<semaphore_mem>>) src(%arg7 : memref<128x16xf32, #tpu.memory_space<vmem>>) dst(%dma_wait3A_58 : memref<10240x16xf32, #tpu.memory_space<vmem_shared>>)
    %dma_wait3A_59 = arith.constant 79 : i32
    %dma_wait3A_60 = arith.constant 0 : i32
    %dma_wait3A_61 = tpu.memref_slice %arg6[%dma_wait3A_59, %dma_wait3A_60] : memref<80x128xi32, #tpu.memory_space<vmem>> -> memref<1x128xi32, #tpu.memory_space<vmem>>
    %dma_wait3A_62 = tpu.memref_squeeze %dma_wait3A_61 : memref<1x128xi32, #tpu.memory_space<vmem>> -> memref<128xi32, #tpu.memory_space<vmem>>
    %dma_wait3A_63 = arith.constant 0 : i32
    %dma_wait3A_64 = arith.constant 0 : i32
    %dma_wait3A_65 = tpu.memref_slice %arg8[%dma_wait3A_63, %dma_wait3A_64] : memref<10240x16xf32, #tpu.memory_space<vmem_shared>> -> memref<10240x16xf32, #tpu.memory_space<vmem_shared>>
    tpu.wait_indirect_dma semaphore(%arg16 : memref<!tpu.dma_semaphore, #tpu.memory_space<semaphore_mem>>) src(%arg7 : memref<128x16xf32, #tpu.memory_space<vmem>>) dst(%dma_wait3A_65 : memref<10240x16xf32, #tpu.memory_space<vmem_shared>>)
    %barrier3A_66 = arith.constant 0 : index
    tpu.barrier barrier_id(%barrier3A_66)
    %mul3A_67 = arith.constant 640 : i32
    %mul3A_68 = arith.muli %arg1, %mul3A_67 : i32
    %mul3A_69 = arith.constant 640 : i32
    %mul3A_70 = arith.muli %arg1, %mul3A_69 : i32
    "tpu.region"() ({
      %run_scoped3A = tpu.sem_alloc : memref<!tpu.dma_semaphore, #tpu.memory_space<semaphore_mem>>
      %dma_start3A = arith.constant 0 : i32
      %dma_start3A_71 = tpu.memref_slice %arg5[%arg0, %mul3A_70, %dma_start3A] : memref<2x10240x16xf32, #tpu.memory_space<hbm>> -> memref<1x640x16xf32, #tpu.memory_space<hbm>>
      %dma_start3A_72 = tpu.memref_squeeze %dma_start3A_71 : memref<1x640x16xf32, #tpu.memory_space<hbm>> -> memref<640x16xf32, #tpu.memory_space<hbm>>
      %dma_start3A_73 = arith.constant 0 : i32
      %dma_start3A_74 = tpu.memref_slice %arg8[%mul3A_68, %dma_start3A_73] : memref<10240x16xf32, #tpu.memory_space<vmem_shared>> -> memref<640x16xf32, #tpu.memory_space<vmem_shared>>
      tpu.enqueue_dma source(%dma_start3A_74 : memref<640x16xf32, #tpu.memory_space<vmem_shared>>) target(%dma_start3A_72 : memref<640x16xf32, #tpu.memory_space<hbm>>) target_semaphore(%run_scoped3A : memref<!tpu.dma_semaphore, #tpu.memory_space<semaphore_mem>>)
      %dma_wait3A_75 = arith.constant 0 : i32
      %dma_wait3A_76 = tpu.memref_slice %arg5[%arg0, %mul3A_70, %dma_wait3A_75] : memref<2x10240x16xf32, #tpu.memory_space<hbm>> -> memref<1x640x16xf32, #tpu.memory_space<hbm>>
      %dma_wait3A_77 = tpu.memref_squeeze %dma_wait3A_76 : memref<1x640x16xf32, #tpu.memory_space<hbm>> -> memref<640x16xf32, #tpu.memory_space<hbm>>
      %dma_wait3A_78 = arith.constant 0 : i32
      %dma_wait3A_79 = tpu.memref_slice %arg8[%mul3A_68, %dma_wait3A_78] : memref<10240x16xf32, #tpu.memory_space<vmem_shared>> -> memref<640x16xf32, #tpu.memory_space<vmem_shared>>
      tpu.wait_dma2 semaphore(%run_scoped3A : memref<!tpu.dma_semaphore, #tpu.memory_space<semaphore_mem>>) src(%dma_wait3A_79 : memref<640x16xf32, #tpu.memory_space<vmem_shared>>) dst(%dma_wait3A_77 : memref<640x16xf32, #tpu.memory_space<hbm>>)
      tpu.yield
    }) : () -> ()
    return
  }
}

#map = affine_map<(d0, d1) -> (0, 0)>
#map1 = affine_map<(d0, d1) -> (0, 0, 0)>
module attributes {stable_mosaic.version = 14 : i64} {
  func.func @_agg_body(%arg0: i32, %arg1: i32, %arg2: memref<10000x16xf32, #tpu.memory_space<hbm>>, %arg3: memref<2560x128xi32, #tpu.memory_space<hbm>>, %arg4: memref<2560x128xi32, #tpu.memory_space<hbm>>, %arg5: memref<10240x16xf32, #tpu.memory_space<hbm>>, %arg6: memref<2x10240x16xf32, #tpu.memory_space<hbm>>, %arg7: memref<80x128xi32, #tpu.memory_space<vmem>>, %arg8: memref<80x128xi32, #tpu.memory_space<vmem>>, %arg9: memref<8x128x16xf32, #tpu.memory_space<vmem>>, %arg10: memref<10240x16xf32, #tpu.memory_space<vmem_shared>>, %arg11: memref<10240x16xf32, #tpu.memory_space<vmem_shared>>, %arg12: memref<!tpu.dma_semaphore, #tpu.memory_space<semaphore_mem>>, %arg13: memref<!tpu.dma_semaphore, #tpu.memory_space<semaphore_mem>>, %arg14: memref<!tpu.dma_semaphore, #tpu.memory_space<semaphore_mem>>, %arg15: memref<!tpu.dma_semaphore, #tpu.memory_space<semaphore_mem>>, %arg16: memref<!tpu.dma_semaphore, #tpu.memory_space<semaphore_mem>>, %arg17: memref<!tpu.dma_semaphore, #tpu.memory_space<semaphore_mem>>, %arg18: memref<!tpu.dma_semaphore, #tpu.memory_space<semaphore_mem>>, %arg19: memref<!tpu.dma_semaphore, #tpu.memory_space<semaphore_mem>>, %arg20: memref<!tpu.dma_semaphore, #tpu.memory_space<semaphore_mem>>, %arg21: memref<!tpu.dma_semaphore, #tpu.memory_space<semaphore_mem>>, %arg22: memref<!tpu.dma_semaphore, #tpu.memory_space<semaphore_mem>>, %arg23: memref<!tpu.dma_semaphore, #tpu.memory_space<semaphore_mem>>, %arg24: memref<!tpu.dma_semaphore, #tpu.memory_space<semaphore_mem>>, %arg25: memref<!tpu.dma_semaphore, #tpu.memory_space<semaphore_mem>>, %arg26: memref<!tpu.dma_semaphore, #tpu.memory_space<semaphore_mem>>, %arg27: memref<!tpu.dma_semaphore, #tpu.memory_space<semaphore_mem>>) attributes {dimension_semantics = [#tpu.dimension_semantics<core_parallel>, #tpu.dimension_semantics<subcore_parallel>], iteration_bounds = array<i64: 2, 16>, scalar_prefetch = 0 : i64, scratch_operands = 21 : i64, tpu.core_type = #tpu.core_type<sc_vector_subcore>, window_params = [{transform_indices = #map}, {transform_indices = #map}, {transform_indices = #map}, {transform_indices = #map}, {transform_indices = #map1}]} {
    %mul3A = arith.constant 640 : i32
    %mul3A_0 = arith.muli %arg1, %mul3A : i32
    %mul3A_1 = arith.constant 640 : i32
    %mul3A_2 = arith.muli %arg1, %mul3A_1 : i32
    "tpu.region"() ({
      %run_scoped3A = tpu.sem_alloc : memref<!tpu.dma_semaphore, #tpu.memory_space<semaphore_mem>>
      %dma_start3A_118 = arith.constant 0 : i32
      %dma_start3A_119 = tpu.memref_slice %arg10[%mul3A_2, %dma_start3A_118] : memref<10240x16xf32, #tpu.memory_space<vmem_shared>> -> memref<640x16xf32, #tpu.memory_space<vmem_shared>>
      %dma_start3A_120 = arith.constant 0 : i32
      %dma_start3A_121 = tpu.memref_slice %arg5[%mul3A_0, %dma_start3A_120] : memref<10240x16xf32, #tpu.memory_space<hbm>> -> memref<640x16xf32, #tpu.memory_space<hbm>>
      tpu.enqueue_dma source(%dma_start3A_121 : memref<640x16xf32, #tpu.memory_space<hbm>>) target(%dma_start3A_119 : memref<640x16xf32, #tpu.memory_space<vmem_shared>>) target_semaphore(%run_scoped3A : memref<!tpu.dma_semaphore, #tpu.memory_space<semaphore_mem>>)
      %dma_wait3A_122 = arith.constant 0 : i32
      %dma_wait3A_123 = tpu.memref_slice %arg10[%mul3A_2, %dma_wait3A_122] : memref<10240x16xf32, #tpu.memory_space<vmem_shared>> -> memref<640x16xf32, #tpu.memory_space<vmem_shared>>
      %dma_wait3A_124 = arith.constant 0 : i32
      %dma_wait3A_125 = tpu.memref_slice %arg5[%mul3A_0, %dma_wait3A_124] : memref<10240x16xf32, #tpu.memory_space<hbm>> -> memref<640x16xf32, #tpu.memory_space<hbm>>
      tpu.wait_dma2 semaphore(%run_scoped3A : memref<!tpu.dma_semaphore, #tpu.memory_space<semaphore_mem>>) src(%dma_wait3A_125 : memref<640x16xf32, #tpu.memory_space<hbm>>) dst(%dma_wait3A_123 : memref<640x16xf32, #tpu.memory_space<vmem_shared>>)
      tpu.yield
    }) : () -> ()
    %lt3A = arith.constant 15 : i32
    %lt3A_3 = arith.cmpi slt, %arg1, %lt3A : i32
    %convert_element_type3A = arith.extui %lt3A_3 : i1 to i32
    %cond3A = arith.constant 0 : i32
    %cond3A_4 = arith.cmpi ne, %convert_element_type3A, %cond3A : i32
    scf.if %cond3A_4 {
      %mul3A_118 = arith.constant 640 : i32
      %mul3A_119 = arith.muli %arg1, %mul3A_118 : i32
      %mul3A_120 = arith.constant 640 : i32
      %mul3A_121 = arith.muli %arg1, %mul3A_120 : i32
      "tpu.region"() ({
        %run_scoped3A = tpu.sem_alloc : memref<!tpu.dma_semaphore, #tpu.memory_space<semaphore_mem>>
        %dma_start3A_122 = arith.constant 0 : i32
        %dma_start3A_123 = tpu.memref_slice %arg11[%mul3A_121, %dma_start3A_122] : memref<10240x16xf32, #tpu.memory_space<vmem_shared>> -> memref<640x16xf32, #tpu.memory_space<vmem_shared>>
        %dma_start3A_124 = arith.constant 0 : i32
        %dma_start3A_125 = tpu.memref_slice %arg2[%mul3A_119, %dma_start3A_124] : memref<10000x16xf32, #tpu.memory_space<hbm>> -> memref<640x16xf32, #tpu.memory_space<hbm>>
        tpu.enqueue_dma source(%dma_start3A_125 : memref<640x16xf32, #tpu.memory_space<hbm>>) target(%dma_start3A_123 : memref<640x16xf32, #tpu.memory_space<vmem_shared>>) target_semaphore(%run_scoped3A : memref<!tpu.dma_semaphore, #tpu.memory_space<semaphore_mem>>)
        %dma_wait3A_126 = arith.constant 0 : i32
        %dma_wait3A_127 = tpu.memref_slice %arg11[%mul3A_121, %dma_wait3A_126] : memref<10240x16xf32, #tpu.memory_space<vmem_shared>> -> memref<640x16xf32, #tpu.memory_space<vmem_shared>>
        %dma_wait3A_128 = arith.constant 0 : i32
        %dma_wait3A_129 = tpu.memref_slice %arg2[%mul3A_119, %dma_wait3A_128] : memref<10000x16xf32, #tpu.memory_space<hbm>> -> memref<640x16xf32, #tpu.memory_space<hbm>>
        tpu.wait_dma2 semaphore(%run_scoped3A : memref<!tpu.dma_semaphore, #tpu.memory_space<semaphore_mem>>) src(%dma_wait3A_129 : memref<640x16xf32, #tpu.memory_space<hbm>>) dst(%dma_wait3A_127 : memref<640x16xf32, #tpu.memory_space<vmem_shared>>)
        tpu.yield
      }) : () -> ()
    } else {
    }
    %eq3A = arith.constant 15 : i32
    %eq3A_5 = arith.cmpi eq, %arg1, %eq3A : i32
    %convert_element_type3A_6 = arith.extui %eq3A_5 : i1 to i32
    %cond3A_7 = arith.constant 0 : i32
    %cond3A_8 = arith.cmpi ne, %convert_element_type3A_6, %cond3A_7 : i32
    scf.if %cond3A_8 {
      "tpu.region"() ({
        %run_scoped3A = tpu.sem_alloc : memref<!tpu.dma_semaphore, #tpu.memory_space<semaphore_mem>>
        %dma_start3A_118 = arith.constant 9600 : i32
        %dma_start3A_119 = arith.constant 0 : i32
        %dma_start3A_120 = tpu.memref_slice %arg11[%dma_start3A_118, %dma_start3A_119] : memref<10240x16xf32, #tpu.memory_space<vmem_shared>> -> memref<400x16xf32, #tpu.memory_space<vmem_shared>>
        %dma_start3A_121 = arith.constant 9600 : i32
        %dma_start3A_122 = arith.constant 0 : i32
        %dma_start3A_123 = tpu.memref_slice %arg2[%dma_start3A_121, %dma_start3A_122] : memref<10000x16xf32, #tpu.memory_space<hbm>> -> memref<400x16xf32, #tpu.memory_space<hbm>>
        tpu.enqueue_dma source(%dma_start3A_123 : memref<400x16xf32, #tpu.memory_space<hbm>>) target(%dma_start3A_120 : memref<400x16xf32, #tpu.memory_space<vmem_shared>>) target_semaphore(%run_scoped3A : memref<!tpu.dma_semaphore, #tpu.memory_space<semaphore_mem>>)
        %dma_wait3A_124 = arith.constant 9600 : i32
        %dma_wait3A_125 = arith.constant 0 : i32
        %dma_wait3A_126 = tpu.memref_slice %arg11[%dma_wait3A_124, %dma_wait3A_125] : memref<10240x16xf32, #tpu.memory_space<vmem_shared>> -> memref<400x16xf32, #tpu.memory_space<vmem_shared>>
        %dma_wait3A_127 = arith.constant 9600 : i32
        %dma_wait3A_128 = arith.constant 0 : i32
        %dma_wait3A_129 = tpu.memref_slice %arg2[%dma_wait3A_127, %dma_wait3A_128] : memref<10000x16xf32, #tpu.memory_space<hbm>> -> memref<400x16xf32, #tpu.memory_space<hbm>>
        tpu.wait_dma2 semaphore(%run_scoped3A : memref<!tpu.dma_semaphore, #tpu.memory_space<semaphore_mem>>) src(%dma_wait3A_129 : memref<400x16xf32, #tpu.memory_space<hbm>>) dst(%dma_wait3A_126 : memref<400x16xf32, #tpu.memory_space<vmem_shared>>)
        tpu.yield
      }) : () -> ()
      "tpu.region"() ({
        %run_scoped3A = tpu.sem_alloc : memref<!tpu.dma_semaphore, #tpu.memory_space<semaphore_mem>>
        %dma_start3A_118 = arith.constant 10000 : i32
        %dma_start3A_119 = arith.constant 0 : i32
        %dma_start3A_120 = tpu.memref_slice %arg11[%dma_start3A_118, %dma_start3A_119] : memref<10240x16xf32, #tpu.memory_space<vmem_shared>> -> memref<240x16xf32, #tpu.memory_space<vmem_shared>>
        %dma_start3A_121 = arith.constant 10000 : i32
        %dma_start3A_122 = arith.constant 0 : i32
        %dma_start3A_123 = tpu.memref_slice %arg5[%dma_start3A_121, %dma_start3A_122] : memref<10240x16xf32, #tpu.memory_space<hbm>> -> memref<240x16xf32, #tpu.memory_space<hbm>>
        tpu.enqueue_dma source(%dma_start3A_123 : memref<240x16xf32, #tpu.memory_space<hbm>>) target(%dma_start3A_120 : memref<240x16xf32, #tpu.memory_space<vmem_shared>>) target_semaphore(%run_scoped3A : memref<!tpu.dma_semaphore, #tpu.memory_space<semaphore_mem>>)
        %dma_wait3A_124 = arith.constant 10000 : i32
        %dma_wait3A_125 = arith.constant 0 : i32
        %dma_wait3A_126 = tpu.memref_slice %arg11[%dma_wait3A_124, %dma_wait3A_125] : memref<10240x16xf32, #tpu.memory_space<vmem_shared>> -> memref<240x16xf32, #tpu.memory_space<vmem_shared>>
        %dma_wait3A_127 = arith.constant 10000 : i32
        %dma_wait3A_128 = arith.constant 0 : i32
        %dma_wait3A_129 = tpu.memref_slice %arg5[%dma_wait3A_127, %dma_wait3A_128] : memref<10240x16xf32, #tpu.memory_space<hbm>> -> memref<240x16xf32, #tpu.memory_space<hbm>>
        tpu.wait_dma2 semaphore(%run_scoped3A : memref<!tpu.dma_semaphore, #tpu.memory_space<semaphore_mem>>) src(%dma_wait3A_129 : memref<240x16xf32, #tpu.memory_space<hbm>>) dst(%dma_wait3A_126 : memref<240x16xf32, #tpu.memory_space<vmem_shared>>)
        tpu.yield
      }) : () -> ()
    } else {
    }
    %mul3A_9 = arith.constant 16 : i32
    %mul3A_10 = arith.muli %arg0, %mul3A_9 : i32
    %add3A = arith.addi %mul3A_10, %arg1 : i32
    %mul3A_11 = arith.constant 80 : i32
    %mul3A_12 = arith.muli %add3A, %mul3A_11 : i32
    "tpu.region"() ({
      %run_scoped3A = tpu.sem_alloc : memref<!tpu.dma_semaphore, #tpu.memory_space<semaphore_mem>>
      %dma_start3A_118 = arith.constant 0 : i32
      %dma_start3A_119 = tpu.memref_slice %arg3[%mul3A_12, %dma_start3A_118] : memref<2560x128xi32, #tpu.memory_space<hbm>> -> memref<80x128xi32, #tpu.memory_space<hbm>>
      %dma_start3A_120 = arith.constant 0 : i32
      %dma_start3A_121 = tpu.memref_slice %arg3[%mul3A_12, %dma_start3A_120] : memref<2560x128xi32, #tpu.memory_space<hbm>> -> memref<80x128xi32, #tpu.memory_space<hbm>>
      tpu.enqueue_dma source(%dma_start3A_121 : memref<80x128xi32, #tpu.memory_space<hbm>>) target(%arg7 : memref<80x128xi32, #tpu.memory_space<vmem>>) target_semaphore(%run_scoped3A : memref<!tpu.dma_semaphore, #tpu.memory_space<semaphore_mem>>)
      %dma_wait3A_122 = arith.constant 0 : i32
      %dma_wait3A_123 = tpu.memref_slice %arg3[%mul3A_12, %dma_wait3A_122] : memref<2560x128xi32, #tpu.memory_space<hbm>> -> memref<80x128xi32, #tpu.memory_space<hbm>>
      %dma_wait3A_124 = arith.constant 0 : i32
      %dma_wait3A_125 = tpu.memref_slice %arg3[%mul3A_12, %dma_wait3A_124] : memref<2560x128xi32, #tpu.memory_space<hbm>> -> memref<80x128xi32, #tpu.memory_space<hbm>>
      tpu.wait_dma2 semaphore(%run_scoped3A : memref<!tpu.dma_semaphore, #tpu.memory_space<semaphore_mem>>) src(%dma_wait3A_125 : memref<80x128xi32, #tpu.memory_space<hbm>>) dst(%arg7 : memref<80x128xi32, #tpu.memory_space<vmem>>)
      tpu.yield
    }) : () -> ()
    %mul3A_13 = arith.constant 80 : i32
    %mul3A_14 = arith.muli %add3A, %mul3A_13 : i32
    "tpu.region"() ({
      %run_scoped3A = tpu.sem_alloc : memref<!tpu.dma_semaphore, #tpu.memory_space<semaphore_mem>>
      %dma_start3A_118 = arith.constant 0 : i32
      %dma_start3A_119 = tpu.memref_slice %arg4[%mul3A_14, %dma_start3A_118] : memref<2560x128xi32, #tpu.memory_space<hbm>> -> memref<80x128xi32, #tpu.memory_space<hbm>>
      %dma_start3A_120 = arith.constant 0 : i32
      %dma_start3A_121 = tpu.memref_slice %arg4[%mul3A_14, %dma_start3A_120] : memref<2560x128xi32, #tpu.memory_space<hbm>> -> memref<80x128xi32, #tpu.memory_space<hbm>>
      tpu.enqueue_dma source(%dma_start3A_121 : memref<80x128xi32, #tpu.memory_space<hbm>>) target(%arg8 : memref<80x128xi32, #tpu.memory_space<vmem>>) target_semaphore(%run_scoped3A : memref<!tpu.dma_semaphore, #tpu.memory_space<semaphore_mem>>)
      %dma_wait3A_122 = arith.constant 0 : i32
      %dma_wait3A_123 = tpu.memref_slice %arg4[%mul3A_14, %dma_wait3A_122] : memref<2560x128xi32, #tpu.memory_space<hbm>> -> memref<80x128xi32, #tpu.memory_space<hbm>>
      %dma_wait3A_124 = arith.constant 0 : i32
      %dma_wait3A_125 = tpu.memref_slice %arg4[%mul3A_14, %dma_wait3A_124] : memref<2560x128xi32, #tpu.memory_space<hbm>> -> memref<80x128xi32, #tpu.memory_space<hbm>>
      tpu.wait_dma2 semaphore(%run_scoped3A : memref<!tpu.dma_semaphore, #tpu.memory_space<semaphore_mem>>) src(%dma_wait3A_125 : memref<80x128xi32, #tpu.memory_space<hbm>>) dst(%arg8 : memref<80x128xi32, #tpu.memory_space<vmem>>)
      tpu.yield
    }) : () -> ()
    %barrier3A = arith.constant 0 : index
    tpu.barrier barrier_id(%barrier3A)
    %dma_start3A = arith.constant 0 : i32
    %dma_start3A_15 = arith.constant 0 : i32
    %dma_start3A_16 = arith.constant 0 : i32
    %dma_start3A_17 = arith.constant 0 : i32
    %dma_start3A_18 = tpu.memref_slice %arg9[%dma_start3A_15, %dma_start3A_16, %dma_start3A_17] : memref<8x128x16xf32, #tpu.memory_space<vmem>> -> memref<1x128x16xf32, #tpu.memory_space<vmem>>
    %dma_start3A_19 = tpu.memref_squeeze %dma_start3A_18 : memref<1x128x16xf32, #tpu.memory_space<vmem>> -> memref<128x16xf32, #tpu.memory_space<vmem>>
    %dma_start3A_20 = arith.constant 0 : i32
    %dma_start3A_21 = tpu.memref_slice %arg7[%dma_start3A, %dma_start3A_20] : memref<80x128xi32, #tpu.memory_space<vmem>> -> memref<1x128xi32, #tpu.memory_space<vmem>>
    %dma_start3A_22 = tpu.memref_squeeze %dma_start3A_21 : memref<1x128xi32, #tpu.memory_space<vmem>> -> memref<128xi32, #tpu.memory_space<vmem>>
    %dma_start3A_23 = arith.constant 0 : i32
    %dma_start3A_24 = arith.constant 0 : i32
    %dma_start3A_25 = tpu.memref_slice %arg11[%dma_start3A_23, %dma_start3A_24] : memref<10240x16xf32, #tpu.memory_space<vmem_shared>> -> memref<10240x16xf32, #tpu.memory_space<vmem_shared>>
    tpu.enqueue_indirect_dma source(%dma_start3A_25 : memref<10240x16xf32, #tpu.memory_space<vmem_shared>>) target(%dma_start3A_19 : memref<128x16xf32, #tpu.memory_space<vmem>>) offsets(%dma_start3A_22 : memref<128xi32, #tpu.memory_space<vmem>>) semaphore(%arg12 : memref<!tpu.dma_semaphore, #tpu.memory_space<semaphore_mem>>)
    %dma_start3A_26 = arith.constant 1 : i32
    %dma_start3A_27 = arith.constant 1 : i32
    %dma_start3A_28 = arith.constant 0 : i32
    %dma_start3A_29 = arith.constant 0 : i32
    %dma_start3A_30 = tpu.memref_slice %arg9[%dma_start3A_27, %dma_start3A_28, %dma_start3A_29] : memref<8x128x16xf32, #tpu.memory_space<vmem>> -> memref<1x128x16xf32, #tpu.memory_space<vmem>>
    %dma_start3A_31 = tpu.memref_squeeze %dma_start3A_30 : memref<1x128x16xf32, #tpu.memory_space<vmem>> -> memref<128x16xf32, #tpu.memory_space<vmem>>
    %dma_start3A_32 = arith.constant 0 : i32
    %dma_start3A_33 = tpu.memref_slice %arg7[%dma_start3A_26, %dma_start3A_32] : memref<80x128xi32, #tpu.memory_space<vmem>> -> memref<1x128xi32, #tpu.memory_space<vmem>>
    %dma_start3A_34 = tpu.memref_squeeze %dma_start3A_33 : memref<1x128xi32, #tpu.memory_space<vmem>> -> memref<128xi32, #tpu.memory_space<vmem>>
    %dma_start3A_35 = arith.constant 0 : i32
    %dma_start3A_36 = arith.constant 0 : i32
    %dma_start3A_37 = tpu.memref_slice %arg11[%dma_start3A_35, %dma_start3A_36] : memref<10240x16xf32, #tpu.memory_space<vmem_shared>> -> memref<10240x16xf32, #tpu.memory_space<vmem_shared>>
    tpu.enqueue_indirect_dma source(%dma_start3A_37 : memref<10240x16xf32, #tpu.memory_space<vmem_shared>>) target(%dma_start3A_31 : memref<128x16xf32, #tpu.memory_space<vmem>>) offsets(%dma_start3A_34 : memref<128xi32, #tpu.memory_space<vmem>>) semaphore(%arg13 : memref<!tpu.dma_semaphore, #tpu.memory_space<semaphore_mem>>)
    %dma_start3A_38 = arith.constant 2 : i32
    %dma_start3A_39 = arith.constant 2 : i32
    %dma_start3A_40 = arith.constant 0 : i32
    %dma_start3A_41 = arith.constant 0 : i32
    %dma_start3A_42 = tpu.memref_slice %arg9[%dma_start3A_39, %dma_start3A_40, %dma_start3A_41] : memref<8x128x16xf32, #tpu.memory_space<vmem>> -> memref<1x128x16xf32, #tpu.memory_space<vmem>>
    %dma_start3A_43 = tpu.memref_squeeze %dma_start3A_42 : memref<1x128x16xf32, #tpu.memory_space<vmem>> -> memref<128x16xf32, #tpu.memory_space<vmem>>
    %dma_start3A_44 = arith.constant 0 : i32
    %dma_start3A_45 = tpu.memref_slice %arg7[%dma_start3A_38, %dma_start3A_44] : memref<80x128xi32, #tpu.memory_space<vmem>> -> memref<1x128xi32, #tpu.memory_space<vmem>>
    %dma_start3A_46 = tpu.memref_squeeze %dma_start3A_45 : memref<1x128xi32, #tpu.memory_space<vmem>> -> memref<128xi32, #tpu.memory_space<vmem>>
    %dma_start3A_47 = arith.constant 0 : i32
    %dma_start3A_48 = arith.constant 0 : i32
    %dma_start3A_49 = tpu.memref_slice %arg11[%dma_start3A_47, %dma_start3A_48] : memref<10240x16xf32, #tpu.memory_space<vmem_shared>> -> memref<10240x16xf32, #tpu.memory_space<vmem_shared>>
    tpu.enqueue_indirect_dma source(%dma_start3A_49 : memref<10240x16xf32, #tpu.memory_space<vmem_shared>>) target(%dma_start3A_43 : memref<128x16xf32, #tpu.memory_space<vmem>>) offsets(%dma_start3A_46 : memref<128xi32, #tpu.memory_space<vmem>>) semaphore(%arg14 : memref<!tpu.dma_semaphore, #tpu.memory_space<semaphore_mem>>)
    %dma_start3A_50 = arith.constant 3 : i32
    %dma_start3A_51 = arith.constant 3 : i32
    %dma_start3A_52 = arith.constant 0 : i32
    %dma_start3A_53 = arith.constant 0 : i32
    %dma_start3A_54 = tpu.memref_slice %arg9[%dma_start3A_51, %dma_start3A_52, %dma_start3A_53] : memref<8x128x16xf32, #tpu.memory_space<vmem>> -> memref<1x128x16xf32, #tpu.memory_space<vmem>>
    %dma_start3A_55 = tpu.memref_squeeze %dma_start3A_54 : memref<1x128x16xf32, #tpu.memory_space<vmem>> -> memref<128x16xf32, #tpu.memory_space<vmem>>
    %dma_start3A_56 = arith.constant 0 : i32
    %dma_start3A_57 = tpu.memref_slice %arg7[%dma_start3A_50, %dma_start3A_56] : memref<80x128xi32, #tpu.memory_space<vmem>> -> memref<1x128xi32, #tpu.memory_space<vmem>>
    %dma_start3A_58 = tpu.memref_squeeze %dma_start3A_57 : memref<1x128xi32, #tpu.memory_space<vmem>> -> memref<128xi32, #tpu.memory_space<vmem>>
    %dma_start3A_59 = arith.constant 0 : i32
    %dma_start3A_60 = arith.constant 0 : i32
    %dma_start3A_61 = tpu.memref_slice %arg11[%dma_start3A_59, %dma_start3A_60] : memref<10240x16xf32, #tpu.memory_space<vmem_shared>> -> memref<10240x16xf32, #tpu.memory_space<vmem_shared>>
    tpu.enqueue_indirect_dma source(%dma_start3A_61 : memref<10240x16xf32, #tpu.memory_space<vmem_shared>>) target(%dma_start3A_55 : memref<128x16xf32, #tpu.memory_space<vmem>>) offsets(%dma_start3A_58 : memref<128xi32, #tpu.memory_space<vmem>>) semaphore(%arg15 : memref<!tpu.dma_semaphore, #tpu.memory_space<semaphore_mem>>)
    %scan3A = arith.constant 0 : i32
    %scan3A_62 = arith.constant 10 : i32
    %scan3A_63 = arith.addi %scan3A, %scan3A_62 : i32
    %scan3A_64 = arith.constant 1 : i32
    scf.for %scan3A_118 = %scan3A to %scan3A_63 step %scan3A_64  : i32 {
      %mul3A_119 = arith.constant 8 : i32
      %mul3A_120 = arith.muli %scan3A_118, %mul3A_119 : i32
      %add3A_121 = arith.constant 0 : i32
      %add3A_122 = arith.addi %mul3A_120, %add3A_121 : i32
      %dma_wait3A_123 = arith.constant 0 : i32
      %dma_wait3A_124 = arith.constant 0 : i32
      %dma_wait3A_125 = arith.constant 0 : i32
      %dma_wait3A_126 = tpu.memref_slice %arg9[%dma_wait3A_123, %dma_wait3A_124, %dma_wait3A_125] : memref<8x128x16xf32, #tpu.memory_space<vmem>> -> memref<1x128x16xf32, #tpu.memory_space<vmem>>
      %dma_wait3A_127 = tpu.memref_squeeze %dma_wait3A_126 : memref<1x128x16xf32, #tpu.memory_space<vmem>> -> memref<128x16xf32, #tpu.memory_space<vmem>>
      %dma_wait3A_128 = arith.constant 0 : i32
      %dma_wait3A_129 = tpu.memref_slice %arg7[%add3A_122, %dma_wait3A_128] : memref<80x128xi32, #tpu.memory_space<vmem>> -> memref<1x128xi32, #tpu.memory_space<vmem>>
      %dma_wait3A_130 = tpu.memref_squeeze %dma_wait3A_129 : memref<1x128xi32, #tpu.memory_space<vmem>> -> memref<128xi32, #tpu.memory_space<vmem>>
      %dma_wait3A_131 = arith.constant 0 : i32
      %dma_wait3A_132 = arith.constant 0 : i32
      %dma_wait3A_133 = tpu.memref_slice %arg11[%dma_wait3A_131, %dma_wait3A_132] : memref<10240x16xf32, #tpu.memory_space<vmem_shared>> -> memref<10240x16xf32, #tpu.memory_space<vmem_shared>>
      tpu.wait_indirect_dma semaphore(%arg12 : memref<!tpu.dma_semaphore, #tpu.memory_space<semaphore_mem>>) src(%dma_wait3A_133 : memref<10240x16xf32, #tpu.memory_space<vmem_shared>>) dst(%dma_wait3A_127 : memref<128x16xf32, #tpu.memory_space<vmem>>)
      %dma_start3A_134 = arith.constant 0 : i32
      %dma_start3A_135 = arith.constant 0 : i32
      %dma_start3A_136 = arith.constant 0 : i32
      %dma_start3A_137 = tpu.memref_slice %arg9[%dma_start3A_134, %dma_start3A_135, %dma_start3A_136] : memref<8x128x16xf32, #tpu.memory_space<vmem>> -> memref<1x128x16xf32, #tpu.memory_space<vmem>>
      %dma_start3A_138 = tpu.memref_squeeze %dma_start3A_137 : memref<1x128x16xf32, #tpu.memory_space<vmem>> -> memref<128x16xf32, #tpu.memory_space<vmem>>
      %dma_start3A_139 = arith.constant 0 : i32
      %dma_start3A_140 = tpu.memref_slice %arg8[%add3A_122, %dma_start3A_139] : memref<80x128xi32, #tpu.memory_space<vmem>> -> memref<1x128xi32, #tpu.memory_space<vmem>>
      %dma_start3A_141 = tpu.memref_squeeze %dma_start3A_140 : memref<1x128xi32, #tpu.memory_space<vmem>> -> memref<128xi32, #tpu.memory_space<vmem>>
      %dma_start3A_142 = arith.constant 0 : i32
      %dma_start3A_143 = arith.constant 0 : i32
      %dma_start3A_144 = tpu.memref_slice %arg10[%dma_start3A_142, %dma_start3A_143] : memref<10240x16xf32, #tpu.memory_space<vmem_shared>> -> memref<10240x16xf32, #tpu.memory_space<vmem_shared>>
      tpu.enqueue_indirect_dma source(%dma_start3A_138 : memref<128x16xf32, #tpu.memory_space<vmem>>) target(%dma_start3A_144 : memref<10240x16xf32, #tpu.memory_space<vmem_shared>>) offsets(%dma_start3A_141 : memref<128xi32, #tpu.memory_space<vmem>>) semaphore(%arg20 : memref<!tpu.dma_semaphore, #tpu.memory_space<semaphore_mem>>) {add = true}
      %ge3A = arith.constant 4 : i32
      %ge3A_145 = arith.cmpi sge, %add3A_122, %ge3A : i32
      %convert_element_type3A_146 = arith.extui %ge3A_145 : i1 to i32
      %cond3A_147 = arith.constant 0 : i32
      %cond3A_148 = arith.cmpi ne, %convert_element_type3A_146, %cond3A_147 : i32
      scf.if %cond3A_148 {
        %add3A_422 = arith.constant 4 : i32
        %add3A_423 = arith.addi %add3A_122, %add3A_422 : i32
        %sub3A = arith.constant 8 : i32
        %sub3A_424 = arith.subi %add3A_423, %sub3A : i32
        %dma_wait3A_425 = arith.constant 4 : i32
        %dma_wait3A_426 = arith.constant 0 : i32
        %dma_wait3A_427 = arith.constant 0 : i32
        %dma_wait3A_428 = tpu.memref_slice %arg9[%dma_wait3A_425, %dma_wait3A_426, %dma_wait3A_427] : memref<8x128x16xf32, #tpu.memory_space<vmem>> -> memref<1x128x16xf32, #tpu.memory_space<vmem>>
        %dma_wait3A_429 = tpu.memref_squeeze %dma_wait3A_428 : memref<1x128x16xf32, #tpu.memory_space<vmem>> -> memref<128x16xf32, #tpu.memory_space<vmem>>
        %dma_wait3A_430 = arith.constant 0 : i32
        %dma_wait3A_431 = tpu.memref_slice %arg8[%sub3A_424, %dma_wait3A_430] : memref<80x128xi32, #tpu.memory_space<vmem>> -> memref<1x128xi32, #tpu.memory_space<vmem>>
        %dma_wait3A_432 = tpu.memref_squeeze %dma_wait3A_431 : memref<1x128xi32, #tpu.memory_space<vmem>> -> memref<128xi32, #tpu.memory_space<vmem>>
        %dma_wait3A_433 = arith.constant 0 : i32
        %dma_wait3A_434 = arith.constant 0 : i32
        %dma_wait3A_435 = tpu.memref_slice %arg10[%dma_wait3A_433, %dma_wait3A_434] : memref<10240x16xf32, #tpu.memory_space<vmem_shared>> -> memref<10240x16xf32, #tpu.memory_space<vmem_shared>>
        tpu.wait_indirect_dma semaphore(%arg24 : memref<!tpu.dma_semaphore, #tpu.memory_space<semaphore_mem>>) src(%dma_wait3A_429 : memref<128x16xf32, #tpu.memory_space<vmem>>) dst(%dma_wait3A_435 : memref<10240x16xf32, #tpu.memory_space<vmem_shared>>)
      } else {
      }
      %add3A_149 = arith.constant 4 : i32
      %add3A_150 = arith.addi %add3A_122, %add3A_149 : i32
      %lt3A_151 = arith.constant 80 : i32
      %lt3A_152 = arith.cmpi slt, %add3A_150, %lt3A_151 : i32
      %convert_element_type3A_153 = arith.extui %lt3A_152 : i1 to i32
      %cond3A_154 = arith.constant 0 : i32
      %cond3A_155 = arith.cmpi ne, %convert_element_type3A_153, %cond3A_154 : i32
      scf.if %cond3A_155 {
        %add3A_422 = arith.constant 4 : i32
        %add3A_423 = arith.addi %add3A_122, %add3A_422 : i32
        %dma_start3A_424 = arith.constant 4 : i32
        %dma_start3A_425 = arith.constant 0 : i32
        %dma_start3A_426 = arith.constant 0 : i32
        %dma_start3A_427 = tpu.memref_slice %arg9[%dma_start3A_424, %dma_start3A_425, %dma_start3A_426] : memref<8x128x16xf32, #tpu.memory_space<vmem>> -> memref<1x128x16xf32, #tpu.memory_space<vmem>>
        %dma_start3A_428 = tpu.memref_squeeze %dma_start3A_427 : memref<1x128x16xf32, #tpu.memory_space<vmem>> -> memref<128x16xf32, #tpu.memory_space<vmem>>
        %dma_start3A_429 = arith.constant 0 : i32
        %dma_start3A_430 = tpu.memref_slice %arg7[%add3A_423, %dma_start3A_429] : memref<80x128xi32, #tpu.memory_space<vmem>> -> memref<1x128xi32, #tpu.memory_space<vmem>>
        %dma_start3A_431 = tpu.memref_squeeze %dma_start3A_430 : memref<1x128xi32, #tpu.memory_space<vmem>> -> memref<128xi32, #tpu.memory_space<vmem>>
        %dma_start3A_432 = arith.constant 0 : i32
        %dma_start3A_433 = arith.constant 0 : i32
        %dma_start3A_434 = tpu.memref_slice %arg11[%dma_start3A_432, %dma_start3A_433] : memref<10240x16xf32, #tpu.memory_space<vmem_shared>> -> memref<10240x16xf32, #tpu.memory_space<vmem_shared>>
        tpu.enqueue_indirect_dma source(%dma_start3A_434 : memref<10240x16xf32, #tpu.memory_space<vmem_shared>>) target(%dma_start3A_428 : memref<128x16xf32, #tpu.memory_space<vmem>>) offsets(%dma_start3A_431 : memref<128xi32, #tpu.memory_space<vmem>>) semaphore(%arg16 : memref<!tpu.dma_semaphore, #tpu.memory_space<semaphore_mem>>)
      } else {
      }
      %mul3A_156 = arith.constant 8 : i32
      %mul3A_157 = arith.muli %scan3A_118, %mul3A_156 : i32
      %add3A_158 = arith.constant 1 : i32
      %add3A_159 = arith.addi %mul3A_157, %add3A_158 : i32
      %dma_wait3A_160 = arith.constant 1 : i32
      %dma_wait3A_161 = arith.constant 0 : i32
      %dma_wait3A_162 = arith.constant 0 : i32
      %dma_wait3A_163 = tpu.memref_slice %arg9[%dma_wait3A_160, %dma_wait3A_161, %dma_wait3A_162] : memref<8x128x16xf32, #tpu.memory_space<vmem>> -> memref<1x128x16xf32, #tpu.memory_space<vmem>>
      %dma_wait3A_164 = tpu.memref_squeeze %dma_wait3A_163 : memref<1x128x16xf32, #tpu.memory_space<vmem>> -> memref<128x16xf32, #tpu.memory_space<vmem>>
      %dma_wait3A_165 = arith.constant 0 : i32
      %dma_wait3A_166 = tpu.memref_slice %arg7[%add3A_159, %dma_wait3A_165] : memref<80x128xi32, #tpu.memory_space<vmem>> -> memref<1x128xi32, #tpu.memory_space<vmem>>
      %dma_wait3A_167 = tpu.memref_squeeze %dma_wait3A_166 : memref<1x128xi32, #tpu.memory_space<vmem>> -> memref<128xi32, #tpu.memory_space<vmem>>
      %dma_wait3A_168 = arith.constant 0 : i32
      %dma_wait3A_169 = arith.constant 0 : i32
      %dma_wait3A_170 = tpu.memref_slice %arg11[%dma_wait3A_168, %dma_wait3A_169] : memref<10240x16xf32, #tpu.memory_space<vmem_shared>> -> memref<10240x16xf32, #tpu.memory_space<vmem_shared>>
      tpu.wait_indirect_dma semaphore(%arg13 : memref<!tpu.dma_semaphore, #tpu.memory_space<semaphore_mem>>) src(%dma_wait3A_170 : memref<10240x16xf32, #tpu.memory_space<vmem_shared>>) dst(%dma_wait3A_164 : memref<128x16xf32, #tpu.memory_space<vmem>>)
      %dma_start3A_171 = arith.constant 1 : i32
      %dma_start3A_172 = arith.constant 0 : i32
      %dma_start3A_173 = arith.constant 0 : i32
      %dma_start3A_174 = tpu.memref_slice %arg9[%dma_start3A_171, %dma_start3A_172, %dma_start3A_173] : memref<8x128x16xf32, #tpu.memory_space<vmem>> -> memref<1x128x16xf32, #tpu.memory_space<vmem>>
      %dma_start3A_175 = tpu.memref_squeeze %dma_start3A_174 : memref<1x128x16xf32, #tpu.memory_space<vmem>> -> memref<128x16xf32, #tpu.memory_space<vmem>>
      %dma_start3A_176 = arith.constant 0 : i32
      %dma_start3A_177 = tpu.memref_slice %arg8[%add3A_159, %dma_start3A_176] : memref<80x128xi32, #tpu.memory_space<vmem>> -> memref<1x128xi32, #tpu.memory_space<vmem>>
      %dma_start3A_178 = tpu.memref_squeeze %dma_start3A_177 : memref<1x128xi32, #tpu.memory_space<vmem>> -> memref<128xi32, #tpu.memory_space<vmem>>
      %dma_start3A_179 = arith.constant 0 : i32
      %dma_start3A_180 = arith.constant 0 : i32
      %dma_start3A_181 = tpu.memref_slice %arg10[%dma_start3A_179, %dma_start3A_180] : memref<10240x16xf32, #tpu.memory_space<vmem_shared>> -> memref<10240x16xf32, #tpu.memory_space<vmem_shared>>
      tpu.enqueue_indirect_dma source(%dma_start3A_175 : memref<128x16xf32, #tpu.memory_space<vmem>>) target(%dma_start3A_181 : memref<10240x16xf32, #tpu.memory_space<vmem_shared>>) offsets(%dma_start3A_178 : memref<128xi32, #tpu.memory_space<vmem>>) semaphore(%arg21 : memref<!tpu.dma_semaphore, #tpu.memory_space<semaphore_mem>>) {add = true}
      %ge3A_182 = arith.constant 4 : i32
      %ge3A_183 = arith.cmpi sge, %add3A_159, %ge3A_182 : i32
      %convert_element_type3A_184 = arith.extui %ge3A_183 : i1 to i32
      %cond3A_185 = arith.constant 0 : i32
      %cond3A_186 = arith.cmpi ne, %convert_element_type3A_184, %cond3A_185 : i32
      scf.if %cond3A_186 {
        %add3A_422 = arith.constant 4 : i32
        %add3A_423 = arith.addi %add3A_159, %add3A_422 : i32
        %sub3A = arith.constant 8 : i32
        %sub3A_424 = arith.subi %add3A_423, %sub3A : i32
        %dma_wait3A_425 = arith.constant 5 : i32
        %dma_wait3A_426 = arith.constant 0 : i32
        %dma_wait3A_427 = arith.constant 0 : i32
        %dma_wait3A_428 = tpu.memref_slice %arg9[%dma_wait3A_425, %dma_wait3A_426, %dma_wait3A_427] : memref<8x128x16xf32, #tpu.memory_space<vmem>> -> memref<1x128x16xf32, #tpu.memory_space<vmem>>
        %dma_wait3A_429 = tpu.memref_squeeze %dma_wait3A_428 : memref<1x128x16xf32, #tpu.memory_space<vmem>> -> memref<128x16xf32, #tpu.memory_space<vmem>>
        %dma_wait3A_430 = arith.constant 0 : i32
        %dma_wait3A_431 = tpu.memref_slice %arg8[%sub3A_424, %dma_wait3A_430] : memref<80x128xi32, #tpu.memory_space<vmem>> -> memref<1x128xi32, #tpu.memory_space<vmem>>
        %dma_wait3A_432 = tpu.memref_squeeze %dma_wait3A_431 : memref<1x128xi32, #tpu.memory_space<vmem>> -> memref<128xi32, #tpu.memory_space<vmem>>
        %dma_wait3A_433 = arith.constant 0 : i32
        %dma_wait3A_434 = arith.constant 0 : i32
        %dma_wait3A_435 = tpu.memref_slice %arg10[%dma_wait3A_433, %dma_wait3A_434] : memref<10240x16xf32, #tpu.memory_space<vmem_shared>> -> memref<10240x16xf32, #tpu.memory_space<vmem_shared>>
        tpu.wait_indirect_dma semaphore(%arg25 : memref<!tpu.dma_semaphore, #tpu.memory_space<semaphore_mem>>) src(%dma_wait3A_429 : memref<128x16xf32, #tpu.memory_space<vmem>>) dst(%dma_wait3A_435 : memref<10240x16xf32, #tpu.memory_space<vmem_shared>>)
      } else {
      }
      %add3A_187 = arith.constant 4 : i32
      %add3A_188 = arith.addi %add3A_159, %add3A_187 : i32
      %lt3A_189 = arith.constant 80 : i32
      %lt3A_190 = arith.cmpi slt, %add3A_188, %lt3A_189 : i32
      %convert_element_type3A_191 = arith.extui %lt3A_190 : i1 to i32
      %cond3A_192 = arith.constant 0 : i32
      %cond3A_193 = arith.cmpi ne, %convert_element_type3A_191, %cond3A_192 : i32
      scf.if %cond3A_193 {
        %add3A_422 = arith.constant 4 : i32
        %add3A_423 = arith.addi %add3A_159, %add3A_422 : i32
        %dma_start3A_424 = arith.constant 5 : i32
        %dma_start3A_425 = arith.constant 0 : i32
        %dma_start3A_426 = arith.constant 0 : i32
        %dma_start3A_427 = tpu.memref_slice %arg9[%dma_start3A_424, %dma_start3A_425, %dma_start3A_426] : memref<8x128x16xf32, #tpu.memory_space<vmem>> -> memref<1x128x16xf32, #tpu.memory_space<vmem>>
        %dma_start3A_428 = tpu.memref_squeeze %dma_start3A_427 : memref<1x128x16xf32, #tpu.memory_space<vmem>> -> memref<128x16xf32, #tpu.memory_space<vmem>>
        %dma_start3A_429 = arith.constant 0 : i32
        %dma_start3A_430 = tpu.memref_slice %arg7[%add3A_423, %dma_start3A_429] : memref<80x128xi32, #tpu.memory_space<vmem>> -> memref<1x128xi32, #tpu.memory_space<vmem>>
        %dma_start3A_431 = tpu.memref_squeeze %dma_start3A_430 : memref<1x128xi32, #tpu.memory_space<vmem>> -> memref<128xi32, #tpu.memory_space<vmem>>
        %dma_start3A_432 = arith.constant 0 : i32
        %dma_start3A_433 = arith.constant 0 : i32
        %dma_start3A_434 = tpu.memref_slice %arg11[%dma_start3A_432, %dma_start3A_433] : memref<10240x16xf32, #tpu.memory_space<vmem_shared>> -> memref<10240x16xf32, #tpu.memory_space<vmem_shared>>
        tpu.enqueue_indirect_dma source(%dma_start3A_434 : memref<10240x16xf32, #tpu.memory_space<vmem_shared>>) target(%dma_start3A_428 : memref<128x16xf32, #tpu.memory_space<vmem>>) offsets(%dma_start3A_431 : memref<128xi32, #tpu.memory_space<vmem>>) semaphore(%arg17 : memref<!tpu.dma_semaphore, #tpu.memory_space<semaphore_mem>>)
      } else {
      }
      %mul3A_194 = arith.constant 8 : i32
      %mul3A_195 = arith.muli %scan3A_118, %mul3A_194 : i32
      %add3A_196 = arith.constant 2 : i32
      %add3A_197 = arith.addi %mul3A_195, %add3A_196 : i32
      %dma_wait3A_198 = arith.constant 2 : i32
      %dma_wait3A_199 = arith.constant 0 : i32
      %dma_wait3A_200 = arith.constant 0 : i32
      %dma_wait3A_201 = tpu.memref_slice %arg9[%dma_wait3A_198, %dma_wait3A_199, %dma_wait3A_200] : memref<8x128x16xf32, #tpu.memory_space<vmem>> -> memref<1x128x16xf32, #tpu.memory_space<vmem>>
      %dma_wait3A_202 = tpu.memref_squeeze %dma_wait3A_201 : memref<1x128x16xf32, #tpu.memory_space<vmem>> -> memref<128x16xf32, #tpu.memory_space<vmem>>
      %dma_wait3A_203 = arith.constant 0 : i32
      %dma_wait3A_204 = tpu.memref_slice %arg7[%add3A_197, %dma_wait3A_203] : memref<80x128xi32, #tpu.memory_space<vmem>> -> memref<1x128xi32, #tpu.memory_space<vmem>>
      %dma_wait3A_205 = tpu.memref_squeeze %dma_wait3A_204 : memref<1x128xi32, #tpu.memory_space<vmem>> -> memref<128xi32, #tpu.memory_space<vmem>>
      %dma_wait3A_206 = arith.constant 0 : i32
      %dma_wait3A_207 = arith.constant 0 : i32
      %dma_wait3A_208 = tpu.memref_slice %arg11[%dma_wait3A_206, %dma_wait3A_207] : memref<10240x16xf32, #tpu.memory_space<vmem_shared>> -> memref<10240x16xf32, #tpu.memory_space<vmem_shared>>
      tpu.wait_indirect_dma semaphore(%arg14 : memref<!tpu.dma_semaphore, #tpu.memory_space<semaphore_mem>>) src(%dma_wait3A_208 : memref<10240x16xf32, #tpu.memory_space<vmem_shared>>) dst(%dma_wait3A_202 : memref<128x16xf32, #tpu.memory_space<vmem>>)
      %dma_start3A_209 = arith.constant 2 : i32
      %dma_start3A_210 = arith.constant 0 : i32
      %dma_start3A_211 = arith.constant 0 : i32
      %dma_start3A_212 = tpu.memref_slice %arg9[%dma_start3A_209, %dma_start3A_210, %dma_start3A_211] : memref<8x128x16xf32, #tpu.memory_space<vmem>> -> memref<1x128x16xf32, #tpu.memory_space<vmem>>
      %dma_start3A_213 = tpu.memref_squeeze %dma_start3A_212 : memref<1x128x16xf32, #tpu.memory_space<vmem>> -> memref<128x16xf32, #tpu.memory_space<vmem>>
      %dma_start3A_214 = arith.constant 0 : i32
      %dma_start3A_215 = tpu.memref_slice %arg8[%add3A_197, %dma_start3A_214] : memref<80x128xi32, #tpu.memory_space<vmem>> -> memref<1x128xi32, #tpu.memory_space<vmem>>
      %dma_start3A_216 = tpu.memref_squeeze %dma_start3A_215 : memref<1x128xi32, #tpu.memory_space<vmem>> -> memref<128xi32, #tpu.memory_space<vmem>>
      %dma_start3A_217 = arith.constant 0 : i32
      %dma_start3A_218 = arith.constant 0 : i32
      %dma_start3A_219 = tpu.memref_slice %arg10[%dma_start3A_217, %dma_start3A_218] : memref<10240x16xf32, #tpu.memory_space<vmem_shared>> -> memref<10240x16xf32, #tpu.memory_space<vmem_shared>>
      tpu.enqueue_indirect_dma source(%dma_start3A_213 : memref<128x16xf32, #tpu.memory_space<vmem>>) target(%dma_start3A_219 : memref<10240x16xf32, #tpu.memory_space<vmem_shared>>) offsets(%dma_start3A_216 : memref<128xi32, #tpu.memory_space<vmem>>) semaphore(%arg22 : memref<!tpu.dma_semaphore, #tpu.memory_space<semaphore_mem>>) {add = true}
      %ge3A_220 = arith.constant 4 : i32
      %ge3A_221 = arith.cmpi sge, %add3A_197, %ge3A_220 : i32
      %convert_element_type3A_222 = arith.extui %ge3A_221 : i1 to i32
      %cond3A_223 = arith.constant 0 : i32
      %cond3A_224 = arith.cmpi ne, %convert_element_type3A_222, %cond3A_223 : i32
      scf.if %cond3A_224 {
        %add3A_422 = arith.constant 4 : i32
        %add3A_423 = arith.addi %add3A_197, %add3A_422 : i32
        %sub3A = arith.constant 8 : i32
        %sub3A_424 = arith.subi %add3A_423, %sub3A : i32
        %dma_wait3A_425 = arith.constant 6 : i32
        %dma_wait3A_426 = arith.constant 0 : i32
        %dma_wait3A_427 = arith.constant 0 : i32
        %dma_wait3A_428 = tpu.memref_slice %arg9[%dma_wait3A_425, %dma_wait3A_426, %dma_wait3A_427] : memref<8x128x16xf32, #tpu.memory_space<vmem>> -> memref<1x128x16xf32, #tpu.memory_space<vmem>>
        %dma_wait3A_429 = tpu.memref_squeeze %dma_wait3A_428 : memref<1x128x16xf32, #tpu.memory_space<vmem>> -> memref<128x16xf32, #tpu.memory_space<vmem>>
        %dma_wait3A_430 = arith.constant 0 : i32
        %dma_wait3A_431 = tpu.memref_slice %arg8[%sub3A_424, %dma_wait3A_430] : memref<80x128xi32, #tpu.memory_space<vmem>> -> memref<1x128xi32, #tpu.memory_space<vmem>>
        %dma_wait3A_432 = tpu.memref_squeeze %dma_wait3A_431 : memref<1x128xi32, #tpu.memory_space<vmem>> -> memref<128xi32, #tpu.memory_space<vmem>>
        %dma_wait3A_433 = arith.constant 0 : i32
        %dma_wait3A_434 = arith.constant 0 : i32
        %dma_wait3A_435 = tpu.memref_slice %arg10[%dma_wait3A_433, %dma_wait3A_434] : memref<10240x16xf32, #tpu.memory_space<vmem_shared>> -> memref<10240x16xf32, #tpu.memory_space<vmem_shared>>
        tpu.wait_indirect_dma semaphore(%arg26 : memref<!tpu.dma_semaphore, #tpu.memory_space<semaphore_mem>>) src(%dma_wait3A_429 : memref<128x16xf32, #tpu.memory_space<vmem>>) dst(%dma_wait3A_435 : memref<10240x16xf32, #tpu.memory_space<vmem_shared>>)
      } else {
      }
      %add3A_225 = arith.constant 4 : i32
      %add3A_226 = arith.addi %add3A_197, %add3A_225 : i32
      %lt3A_227 = arith.constant 80 : i32
      %lt3A_228 = arith.cmpi slt, %add3A_226, %lt3A_227 : i32
      %convert_element_type3A_229 = arith.extui %lt3A_228 : i1 to i32
      %cond3A_230 = arith.constant 0 : i32
      %cond3A_231 = arith.cmpi ne, %convert_element_type3A_229, %cond3A_230 : i32
      scf.if %cond3A_231 {
        %add3A_422 = arith.constant 4 : i32
        %add3A_423 = arith.addi %add3A_197, %add3A_422 : i32
        %dma_start3A_424 = arith.constant 6 : i32
        %dma_start3A_425 = arith.constant 0 : i32
        %dma_start3A_426 = arith.constant 0 : i32
        %dma_start3A_427 = tpu.memref_slice %arg9[%dma_start3A_424, %dma_start3A_425, %dma_start3A_426] : memref<8x128x16xf32, #tpu.memory_space<vmem>> -> memref<1x128x16xf32, #tpu.memory_space<vmem>>
        %dma_start3A_428 = tpu.memref_squeeze %dma_start3A_427 : memref<1x128x16xf32, #tpu.memory_space<vmem>> -> memref<128x16xf32, #tpu.memory_space<vmem>>
        %dma_start3A_429 = arith.constant 0 : i32
        %dma_start3A_430 = tpu.memref_slice %arg7[%add3A_423, %dma_start3A_429] : memref<80x128xi32, #tpu.memory_space<vmem>> -> memref<1x128xi32, #tpu.memory_space<vmem>>
        %dma_start3A_431 = tpu.memref_squeeze %dma_start3A_430 : memref<1x128xi32, #tpu.memory_space<vmem>> -> memref<128xi32, #tpu.memory_space<vmem>>
        %dma_start3A_432 = arith.constant 0 : i32
        %dma_start3A_433 = arith.constant 0 : i32
        %dma_start3A_434 = tpu.memref_slice %arg11[%dma_start3A_432, %dma_start3A_433] : memref<10240x16xf32, #tpu.memory_space<vmem_shared>> -> memref<10240x16xf32, #tpu.memory_space<vmem_shared>>
        tpu.enqueue_indirect_dma source(%dma_start3A_434 : memref<10240x16xf32, #tpu.memory_space<vmem_shared>>) target(%dma_start3A_428 : memref<128x16xf32, #tpu.memory_space<vmem>>) offsets(%dma_start3A_431 : memref<128xi32, #tpu.memory_space<vmem>>) semaphore(%arg18 : memref<!tpu.dma_semaphore, #tpu.memory_space<semaphore_mem>>)
      } else {
      }
      %mul3A_232 = arith.constant 8 : i32
      %mul3A_233 = arith.muli %scan3A_118, %mul3A_232 : i32
      %add3A_234 = arith.constant 3 : i32
      %add3A_235 = arith.addi %mul3A_233, %add3A_234 : i32
      %dma_wait3A_236 = arith.constant 3 : i32
      %dma_wait3A_237 = arith.constant 0 : i32
      %dma_wait3A_238 = arith.constant 0 : i32
      %dma_wait3A_239 = tpu.memref_slice %arg9[%dma_wait3A_236, %dma_wait3A_237, %dma_wait3A_238] : memref<8x128x16xf32, #tpu.memory_space<vmem>> -> memref<1x128x16xf32, #tpu.memory_space<vmem>>
      %dma_wait3A_240 = tpu.memref_squeeze %dma_wait3A_239 : memref<1x128x16xf32, #tpu.memory_space<vmem>> -> memref<128x16xf32, #tpu.memory_space<vmem>>
      %dma_wait3A_241 = arith.constant 0 : i32
      %dma_wait3A_242 = tpu.memref_slice %arg7[%add3A_235, %dma_wait3A_241] : memref<80x128xi32, #tpu.memory_space<vmem>> -> memref<1x128xi32, #tpu.memory_space<vmem>>
      %dma_wait3A_243 = tpu.memref_squeeze %dma_wait3A_242 : memref<1x128xi32, #tpu.memory_space<vmem>> -> memref<128xi32, #tpu.memory_space<vmem>>
      %dma_wait3A_244 = arith.constant 0 : i32
      %dma_wait3A_245 = arith.constant 0 : i32
      %dma_wait3A_246 = tpu.memref_slice %arg11[%dma_wait3A_244, %dma_wait3A_245] : memref<10240x16xf32, #tpu.memory_space<vmem_shared>> -> memref<10240x16xf32, #tpu.memory_space<vmem_shared>>
      tpu.wait_indirect_dma semaphore(%arg15 : memref<!tpu.dma_semaphore, #tpu.memory_space<semaphore_mem>>) src(%dma_wait3A_246 : memref<10240x16xf32, #tpu.memory_space<vmem_shared>>) dst(%dma_wait3A_240 : memref<128x16xf32, #tpu.memory_space<vmem>>)
      %dma_start3A_247 = arith.constant 3 : i32
      %dma_start3A_248 = arith.constant 0 : i32
      %dma_start3A_249 = arith.constant 0 : i32
      %dma_start3A_250 = tpu.memref_slice %arg9[%dma_start3A_247, %dma_start3A_248, %dma_start3A_249] : memref<8x128x16xf32, #tpu.memory_space<vmem>> -> memref<1x128x16xf32, #tpu.memory_space<vmem>>
      %dma_start3A_251 = tpu.memref_squeeze %dma_start3A_250 : memref<1x128x16xf32, #tpu.memory_space<vmem>> -> memref<128x16xf32, #tpu.memory_space<vmem>>
      %dma_start3A_252 = arith.constant 0 : i32
      %dma_start3A_253 = tpu.memref_slice %arg8[%add3A_235, %dma_start3A_252] : memref<80x128xi32, #tpu.memory_space<vmem>> -> memref<1x128xi32, #tpu.memory_space<vmem>>
      %dma_start3A_254 = tpu.memref_squeeze %dma_start3A_253 : memref<1x128xi32, #tpu.memory_space<vmem>> -> memref<128xi32, #tpu.memory_space<vmem>>
      %dma_start3A_255 = arith.constant 0 : i32
      %dma_start3A_256 = arith.constant 0 : i32
      %dma_start3A_257 = tpu.memref_slice %arg10[%dma_start3A_255, %dma_start3A_256] : memref<10240x16xf32, #tpu.memory_space<vmem_shared>> -> memref<10240x16xf32, #tpu.memory_space<vmem_shared>>
      tpu.enqueue_indirect_dma source(%dma_start3A_251 : memref<128x16xf32, #tpu.memory_space<vmem>>) target(%dma_start3A_257 : memref<10240x16xf32, #tpu.memory_space<vmem_shared>>) offsets(%dma_start3A_254 : memref<128xi32, #tpu.memory_space<vmem>>) semaphore(%arg23 : memref<!tpu.dma_semaphore, #tpu.memory_space<semaphore_mem>>) {add = true}
      %ge3A_258 = arith.constant 4 : i32
      %ge3A_259 = arith.cmpi sge, %add3A_235, %ge3A_258 : i32
      %convert_element_type3A_260 = arith.extui %ge3A_259 : i1 to i32
      %cond3A_261 = arith.constant 0 : i32
      %cond3A_262 = arith.cmpi ne, %convert_element_type3A_260, %cond3A_261 : i32
      scf.if %cond3A_262 {
        %add3A_422 = arith.constant 4 : i32
        %add3A_423 = arith.addi %add3A_235, %add3A_422 : i32
        %sub3A = arith.constant 8 : i32
        %sub3A_424 = arith.subi %add3A_423, %sub3A : i32
        %dma_wait3A_425 = arith.constant 7 : i32
        %dma_wait3A_426 = arith.constant 0 : i32
        %dma_wait3A_427 = arith.constant 0 : i32
        %dma_wait3A_428 = tpu.memref_slice %arg9[%dma_wait3A_425, %dma_wait3A_426, %dma_wait3A_427] : memref<8x128x16xf32, #tpu.memory_space<vmem>> -> memref<1x128x16xf32, #tpu.memory_space<vmem>>
        %dma_wait3A_429 = tpu.memref_squeeze %dma_wait3A_428 : memref<1x128x16xf32, #tpu.memory_space<vmem>> -> memref<128x16xf32, #tpu.memory_space<vmem>>
        %dma_wait3A_430 = arith.constant 0 : i32
        %dma_wait3A_431 = tpu.memref_slice %arg8[%sub3A_424, %dma_wait3A_430] : memref<80x128xi32, #tpu.memory_space<vmem>> -> memref<1x128xi32, #tpu.memory_space<vmem>>
        %dma_wait3A_432 = tpu.memref_squeeze %dma_wait3A_431 : memref<1x128xi32, #tpu.memory_space<vmem>> -> memref<128xi32, #tpu.memory_space<vmem>>
        %dma_wait3A_433 = arith.constant 0 : i32
        %dma_wait3A_434 = arith.constant 0 : i32
        %dma_wait3A_435 = tpu.memref_slice %arg10[%dma_wait3A_433, %dma_wait3A_434] : memref<10240x16xf32, #tpu.memory_space<vmem_shared>> -> memref<10240x16xf32, #tpu.memory_space<vmem_shared>>
        tpu.wait_indirect_dma semaphore(%arg27 : memref<!tpu.dma_semaphore, #tpu.memory_space<semaphore_mem>>) src(%dma_wait3A_429 : memref<128x16xf32, #tpu.memory_space<vmem>>) dst(%dma_wait3A_435 : memref<10240x16xf32, #tpu.memory_space<vmem_shared>>)
      } else {
      }
      %add3A_263 = arith.constant 4 : i32
      %add3A_264 = arith.addi %add3A_235, %add3A_263 : i32
      %lt3A_265 = arith.constant 80 : i32
      %lt3A_266 = arith.cmpi slt, %add3A_264, %lt3A_265 : i32
      %convert_element_type3A_267 = arith.extui %lt3A_266 : i1 to i32
      %cond3A_268 = arith.constant 0 : i32
      %cond3A_269 = arith.cmpi ne, %convert_element_type3A_267, %cond3A_268 : i32
      scf.if %cond3A_269 {
        %add3A_422 = arith.constant 4 : i32
        %add3A_423 = arith.addi %add3A_235, %add3A_422 : i32
        %dma_start3A_424 = arith.constant 7 : i32
        %dma_start3A_425 = arith.constant 0 : i32
        %dma_start3A_426 = arith.constant 0 : i32
        %dma_start3A_427 = tpu.memref_slice %arg9[%dma_start3A_424, %dma_start3A_425, %dma_start3A_426] : memref<8x128x16xf32, #tpu.memory_space<vmem>> -> memref<1x128x16xf32, #tpu.memory_space<vmem>>
        %dma_start3A_428 = tpu.memref_squeeze %dma_start3A_427 : memref<1x128x16xf32, #tpu.memory_space<vmem>> -> memref<128x16xf32, #tpu.memory_space<vmem>>
        %dma_start3A_429 = arith.constant 0 : i32
        %dma_start3A_430 = tpu.memref_slice %arg7[%add3A_423, %dma_start3A_429] : memref<80x128xi32, #tpu.memory_space<vmem>> -> memref<1x128xi32, #tpu.memory_space<vmem>>
        %dma_start3A_431 = tpu.memref_squeeze %dma_start3A_430 : memref<1x128xi32, #tpu.memory_space<vmem>> -> memref<128xi32, #tpu.memory_space<vmem>>
        %dma_start3A_432 = arith.constant 0 : i32
        %dma_start3A_433 = arith.constant 0 : i32
        %dma_start3A_434 = tpu.memref_slice %arg11[%dma_start3A_432, %dma_start3A_433] : memref<10240x16xf32, #tpu.memory_space<vmem_shared>> -> memref<10240x16xf32, #tpu.memory_space<vmem_shared>>
        tpu.enqueue_indirect_dma source(%dma_start3A_434 : memref<10240x16xf32, #tpu.memory_space<vmem_shared>>) target(%dma_start3A_428 : memref<128x16xf32, #tpu.memory_space<vmem>>) offsets(%dma_start3A_431 : memref<128xi32, #tpu.memory_space<vmem>>) semaphore(%arg19 : memref<!tpu.dma_semaphore, #tpu.memory_space<semaphore_mem>>)
      } else {
      }
      %mul3A_270 = arith.constant 8 : i32
      %mul3A_271 = arith.muli %scan3A_118, %mul3A_270 : i32
      %add3A_272 = arith.constant 4 : i32
      %add3A_273 = arith.addi %mul3A_271, %add3A_272 : i32
      %dma_wait3A_274 = arith.constant 4 : i32
      %dma_wait3A_275 = arith.constant 0 : i32
      %dma_wait3A_276 = arith.constant 0 : i32
      %dma_wait3A_277 = tpu.memref_slice %arg9[%dma_wait3A_274, %dma_wait3A_275, %dma_wait3A_276] : memref<8x128x16xf32, #tpu.memory_space<vmem>> -> memref<1x128x16xf32, #tpu.memory_space<vmem>>
      %dma_wait3A_278 = tpu.memref_squeeze %dma_wait3A_277 : memref<1x128x16xf32, #tpu.memory_space<vmem>> -> memref<128x16xf32, #tpu.memory_space<vmem>>
      %dma_wait3A_279 = arith.constant 0 : i32
      %dma_wait3A_280 = tpu.memref_slice %arg7[%add3A_273, %dma_wait3A_279] : memref<80x128xi32, #tpu.memory_space<vmem>> -> memref<1x128xi32, #tpu.memory_space<vmem>>
      %dma_wait3A_281 = tpu.memref_squeeze %dma_wait3A_280 : memref<1x128xi32, #tpu.memory_space<vmem>> -> memref<128xi32, #tpu.memory_space<vmem>>
      %dma_wait3A_282 = arith.constant 0 : i32
      %dma_wait3A_283 = arith.constant 0 : i32
      %dma_wait3A_284 = tpu.memref_slice %arg11[%dma_wait3A_282, %dma_wait3A_283] : memref<10240x16xf32, #tpu.memory_space<vmem_shared>> -> memref<10240x16xf32, #tpu.memory_space<vmem_shared>>
      tpu.wait_indirect_dma semaphore(%arg16 : memref<!tpu.dma_semaphore, #tpu.memory_space<semaphore_mem>>) src(%dma_wait3A_284 : memref<10240x16xf32, #tpu.memory_space<vmem_shared>>) dst(%dma_wait3A_278 : memref<128x16xf32, #tpu.memory_space<vmem>>)
      %dma_start3A_285 = arith.constant 4 : i32
      %dma_start3A_286 = arith.constant 0 : i32
      %dma_start3A_287 = arith.constant 0 : i32
      %dma_start3A_288 = tpu.memref_slice %arg9[%dma_start3A_285, %dma_start3A_286, %dma_start3A_287] : memref<8x128x16xf32, #tpu.memory_space<vmem>> -> memref<1x128x16xf32, #tpu.memory_space<vmem>>
      %dma_start3A_289 = tpu.memref_squeeze %dma_start3A_288 : memref<1x128x16xf32, #tpu.memory_space<vmem>> -> memref<128x16xf32, #tpu.memory_space<vmem>>
      %dma_start3A_290 = arith.constant 0 : i32
      %dma_start3A_291 = tpu.memref_slice %arg8[%add3A_273, %dma_start3A_290] : memref<80x128xi32, #tpu.memory_space<vmem>> -> memref<1x128xi32, #tpu.memory_space<vmem>>
      %dma_start3A_292 = tpu.memref_squeeze %dma_start3A_291 : memref<1x128xi32, #tpu.memory_space<vmem>> -> memref<128xi32, #tpu.memory_space<vmem>>
      %dma_start3A_293 = arith.constant 0 : i32
      %dma_start3A_294 = arith.constant 0 : i32
      %dma_start3A_295 = tpu.memref_slice %arg10[%dma_start3A_293, %dma_start3A_294] : memref<10240x16xf32, #tpu.memory_space<vmem_shared>> -> memref<10240x16xf32, #tpu.memory_space<vmem_shared>>
      tpu.enqueue_indirect_dma source(%dma_start3A_289 : memref<128x16xf32, #tpu.memory_space<vmem>>) target(%dma_start3A_295 : memref<10240x16xf32, #tpu.memory_space<vmem_shared>>) offsets(%dma_start3A_292 : memref<128xi32, #tpu.memory_space<vmem>>) semaphore(%arg24 : memref<!tpu.dma_semaphore, #tpu.memory_space<semaphore_mem>>) {add = true}
      %ge3A_296 = arith.constant 4 : i32
      %ge3A_297 = arith.cmpi sge, %add3A_273, %ge3A_296 : i32
      %convert_element_type3A_298 = arith.extui %ge3A_297 : i1 to i32
      %cond3A_299 = arith.constant 0 : i32
      %cond3A_300 = arith.cmpi ne, %convert_element_type3A_298, %cond3A_299 : i32
      scf.if %cond3A_300 {
        %add3A_422 = arith.constant 4 : i32
        %add3A_423 = arith.addi %add3A_273, %add3A_422 : i32
        %sub3A = arith.constant 8 : i32
        %sub3A_424 = arith.subi %add3A_423, %sub3A : i32
        %dma_wait3A_425 = arith.constant 0 : i32
        %dma_wait3A_426 = arith.constant 0 : i32
        %dma_wait3A_427 = arith.constant 0 : i32
        %dma_wait3A_428 = tpu.memref_slice %arg9[%dma_wait3A_425, %dma_wait3A_426, %dma_wait3A_427] : memref<8x128x16xf32, #tpu.memory_space<vmem>> -> memref<1x128x16xf32, #tpu.memory_space<vmem>>
        %dma_wait3A_429 = tpu.memref_squeeze %dma_wait3A_428 : memref<1x128x16xf32, #tpu.memory_space<vmem>> -> memref<128x16xf32, #tpu.memory_space<vmem>>
        %dma_wait3A_430 = arith.constant 0 : i32
        %dma_wait3A_431 = tpu.memref_slice %arg8[%sub3A_424, %dma_wait3A_430] : memref<80x128xi32, #tpu.memory_space<vmem>> -> memref<1x128xi32, #tpu.memory_space<vmem>>
        %dma_wait3A_432 = tpu.memref_squeeze %dma_wait3A_431 : memref<1x128xi32, #tpu.memory_space<vmem>> -> memref<128xi32, #tpu.memory_space<vmem>>
        %dma_wait3A_433 = arith.constant 0 : i32
        %dma_wait3A_434 = arith.constant 0 : i32
        %dma_wait3A_435 = tpu.memref_slice %arg10[%dma_wait3A_433, %dma_wait3A_434] : memref<10240x16xf32, #tpu.memory_space<vmem_shared>> -> memref<10240x16xf32, #tpu.memory_space<vmem_shared>>
        tpu.wait_indirect_dma semaphore(%arg20 : memref<!tpu.dma_semaphore, #tpu.memory_space<semaphore_mem>>) src(%dma_wait3A_429 : memref<128x16xf32, #tpu.memory_space<vmem>>) dst(%dma_wait3A_435 : memref<10240x16xf32, #tpu.memory_space<vmem_shared>>)
      } else {
      }
      %add3A_301 = arith.constant 4 : i32
      %add3A_302 = arith.addi %add3A_273, %add3A_301 : i32
      %lt3A_303 = arith.constant 80 : i32
      %lt3A_304 = arith.cmpi slt, %add3A_302, %lt3A_303 : i32
      %convert_element_type3A_305 = arith.extui %lt3A_304 : i1 to i32
      %cond3A_306 = arith.constant 0 : i32
      %cond3A_307 = arith.cmpi ne, %convert_element_type3A_305, %cond3A_306 : i32
      scf.if %cond3A_307 {
        %add3A_422 = arith.constant 4 : i32
        %add3A_423 = arith.addi %add3A_273, %add3A_422 : i32
        %dma_start3A_424 = arith.constant 0 : i32
        %dma_start3A_425 = arith.constant 0 : i32
        %dma_start3A_426 = arith.constant 0 : i32
        %dma_start3A_427 = tpu.memref_slice %arg9[%dma_start3A_424, %dma_start3A_425, %dma_start3A_426] : memref<8x128x16xf32, #tpu.memory_space<vmem>> -> memref<1x128x16xf32, #tpu.memory_space<vmem>>
        %dma_start3A_428 = tpu.memref_squeeze %dma_start3A_427 : memref<1x128x16xf32, #tpu.memory_space<vmem>> -> memref<128x16xf32, #tpu.memory_space<vmem>>
        %dma_start3A_429 = arith.constant 0 : i32
        %dma_start3A_430 = tpu.memref_slice %arg7[%add3A_423, %dma_start3A_429] : memref<80x128xi32, #tpu.memory_space<vmem>> -> memref<1x128xi32, #tpu.memory_space<vmem>>
        %dma_start3A_431 = tpu.memref_squeeze %dma_start3A_430 : memref<1x128xi32, #tpu.memory_space<vmem>> -> memref<128xi32, #tpu.memory_space<vmem>>
        %dma_start3A_432 = arith.constant 0 : i32
        %dma_start3A_433 = arith.constant 0 : i32
        %dma_start3A_434 = tpu.memref_slice %arg11[%dma_start3A_432, %dma_start3A_433] : memref<10240x16xf32, #tpu.memory_space<vmem_shared>> -> memref<10240x16xf32, #tpu.memory_space<vmem_shared>>
        tpu.enqueue_indirect_dma source(%dma_start3A_434 : memref<10240x16xf32, #tpu.memory_space<vmem_shared>>) target(%dma_start3A_428 : memref<128x16xf32, #tpu.memory_space<vmem>>) offsets(%dma_start3A_431 : memref<128xi32, #tpu.memory_space<vmem>>) semaphore(%arg12 : memref<!tpu.dma_semaphore, #tpu.memory_space<semaphore_mem>>)
      } else {
      }
      %mul3A_308 = arith.constant 8 : i32
      %mul3A_309 = arith.muli %scan3A_118, %mul3A_308 : i32
      %add3A_310 = arith.constant 5 : i32
      %add3A_311 = arith.addi %mul3A_309, %add3A_310 : i32
      %dma_wait3A_312 = arith.constant 5 : i32
      %dma_wait3A_313 = arith.constant 0 : i32
      %dma_wait3A_314 = arith.constant 0 : i32
      %dma_wait3A_315 = tpu.memref_slice %arg9[%dma_wait3A_312, %dma_wait3A_313, %dma_wait3A_314] : memref<8x128x16xf32, #tpu.memory_space<vmem>> -> memref<1x128x16xf32, #tpu.memory_space<vmem>>
      %dma_wait3A_316 = tpu.memref_squeeze %dma_wait3A_315 : memref<1x128x16xf32, #tpu.memory_space<vmem>> -> memref<128x16xf32, #tpu.memory_space<vmem>>
      %dma_wait3A_317 = arith.constant 0 : i32
      %dma_wait3A_318 = tpu.memref_slice %arg7[%add3A_311, %dma_wait3A_317] : memref<80x128xi32, #tpu.memory_space<vmem>> -> memref<1x128xi32, #tpu.memory_space<vmem>>
      %dma_wait3A_319 = tpu.memref_squeeze %dma_wait3A_318 : memref<1x128xi32, #tpu.memory_space<vmem>> -> memref<128xi32, #tpu.memory_space<vmem>>
      %dma_wait3A_320 = arith.constant 0 : i32
      %dma_wait3A_321 = arith.constant 0 : i32
      %dma_wait3A_322 = tpu.memref_slice %arg11[%dma_wait3A_320, %dma_wait3A_321] : memref<10240x16xf32, #tpu.memory_space<vmem_shared>> -> memref<10240x16xf32, #tpu.memory_space<vmem_shared>>
      tpu.wait_indirect_dma semaphore(%arg17 : memref<!tpu.dma_semaphore, #tpu.memory_space<semaphore_mem>>) src(%dma_wait3A_322 : memref<10240x16xf32, #tpu.memory_space<vmem_shared>>) dst(%dma_wait3A_316 : memref<128x16xf32, #tpu.memory_space<vmem>>)
      %dma_start3A_323 = arith.constant 5 : i32
      %dma_start3A_324 = arith.constant 0 : i32
      %dma_start3A_325 = arith.constant 0 : i32
      %dma_start3A_326 = tpu.memref_slice %arg9[%dma_start3A_323, %dma_start3A_324, %dma_start3A_325] : memref<8x128x16xf32, #tpu.memory_space<vmem>> -> memref<1x128x16xf32, #tpu.memory_space<vmem>>
      %dma_start3A_327 = tpu.memref_squeeze %dma_start3A_326 : memref<1x128x16xf32, #tpu.memory_space<vmem>> -> memref<128x16xf32, #tpu.memory_space<vmem>>
      %dma_start3A_328 = arith.constant 0 : i32
      %dma_start3A_329 = tpu.memref_slice %arg8[%add3A_311, %dma_start3A_328] : memref<80x128xi32, #tpu.memory_space<vmem>> -> memref<1x128xi32, #tpu.memory_space<vmem>>
      %dma_start3A_330 = tpu.memref_squeeze %dma_start3A_329 : memref<1x128xi32, #tpu.memory_space<vmem>> -> memref<128xi32, #tpu.memory_space<vmem>>
      %dma_start3A_331 = arith.constant 0 : i32
      %dma_start3A_332 = arith.constant 0 : i32
      %dma_start3A_333 = tpu.memref_slice %arg10[%dma_start3A_331, %dma_start3A_332] : memref<10240x16xf32, #tpu.memory_space<vmem_shared>> -> memref<10240x16xf32, #tpu.memory_space<vmem_shared>>
      tpu.enqueue_indirect_dma source(%dma_start3A_327 : memref<128x16xf32, #tpu.memory_space<vmem>>) target(%dma_start3A_333 : memref<10240x16xf32, #tpu.memory_space<vmem_shared>>) offsets(%dma_start3A_330 : memref<128xi32, #tpu.memory_space<vmem>>) semaphore(%arg25 : memref<!tpu.dma_semaphore, #tpu.memory_space<semaphore_mem>>) {add = true}
      %ge3A_334 = arith.constant 4 : i32
      %ge3A_335 = arith.cmpi sge, %add3A_311, %ge3A_334 : i32
      %convert_element_type3A_336 = arith.extui %ge3A_335 : i1 to i32
      %cond3A_337 = arith.constant 0 : i32
      %cond3A_338 = arith.cmpi ne, %convert_element_type3A_336, %cond3A_337 : i32
      scf.if %cond3A_338 {
        %add3A_422 = arith.constant 4 : i32
        %add3A_423 = arith.addi %add3A_311, %add3A_422 : i32
        %sub3A = arith.constant 8 : i32
        %sub3A_424 = arith.subi %add3A_423, %sub3A : i32
        %dma_wait3A_425 = arith.constant 1 : i32
        %dma_wait3A_426 = arith.constant 0 : i32
        %dma_wait3A_427 = arith.constant 0 : i32
        %dma_wait3A_428 = tpu.memref_slice %arg9[%dma_wait3A_425, %dma_wait3A_426, %dma_wait3A_427] : memref<8x128x16xf32, #tpu.memory_space<vmem>> -> memref<1x128x16xf32, #tpu.memory_space<vmem>>
        %dma_wait3A_429 = tpu.memref_squeeze %dma_wait3A_428 : memref<1x128x16xf32, #tpu.memory_space<vmem>> -> memref<128x16xf32, #tpu.memory_space<vmem>>
        %dma_wait3A_430 = arith.constant 0 : i32
        %dma_wait3A_431 = tpu.memref_slice %arg8[%sub3A_424, %dma_wait3A_430] : memref<80x128xi32, #tpu.memory_space<vmem>> -> memref<1x128xi32, #tpu.memory_space<vmem>>
        %dma_wait3A_432 = tpu.memref_squeeze %dma_wait3A_431 : memref<1x128xi32, #tpu.memory_space<vmem>> -> memref<128xi32, #tpu.memory_space<vmem>>
        %dma_wait3A_433 = arith.constant 0 : i32
        %dma_wait3A_434 = arith.constant 0 : i32
        %dma_wait3A_435 = tpu.memref_slice %arg10[%dma_wait3A_433, %dma_wait3A_434] : memref<10240x16xf32, #tpu.memory_space<vmem_shared>> -> memref<10240x16xf32, #tpu.memory_space<vmem_shared>>
        tpu.wait_indirect_dma semaphore(%arg21 : memref<!tpu.dma_semaphore, #tpu.memory_space<semaphore_mem>>) src(%dma_wait3A_429 : memref<128x16xf32, #tpu.memory_space<vmem>>) dst(%dma_wait3A_435 : memref<10240x16xf32, #tpu.memory_space<vmem_shared>>)
      } else {
      }
      %add3A_339 = arith.constant 4 : i32
      %add3A_340 = arith.addi %add3A_311, %add3A_339 : i32
      %lt3A_341 = arith.constant 80 : i32
      %lt3A_342 = arith.cmpi slt, %add3A_340, %lt3A_341 : i32
      %convert_element_type3A_343 = arith.extui %lt3A_342 : i1 to i32
      %cond3A_344 = arith.constant 0 : i32
      %cond3A_345 = arith.cmpi ne, %convert_element_type3A_343, %cond3A_344 : i32
      scf.if %cond3A_345 {
        %add3A_422 = arith.constant 4 : i32
        %add3A_423 = arith.addi %add3A_311, %add3A_422 : i32
        %dma_start3A_424 = arith.constant 1 : i32
        %dma_start3A_425 = arith.constant 0 : i32
        %dma_start3A_426 = arith.constant 0 : i32
        %dma_start3A_427 = tpu.memref_slice %arg9[%dma_start3A_424, %dma_start3A_425, %dma_start3A_426] : memref<8x128x16xf32, #tpu.memory_space<vmem>> -> memref<1x128x16xf32, #tpu.memory_space<vmem>>
        %dma_start3A_428 = tpu.memref_squeeze %dma_start3A_427 : memref<1x128x16xf32, #tpu.memory_space<vmem>> -> memref<128x16xf32, #tpu.memory_space<vmem>>
        %dma_start3A_429 = arith.constant 0 : i32
        %dma_start3A_430 = tpu.memref_slice %arg7[%add3A_423, %dma_start3A_429] : memref<80x128xi32, #tpu.memory_space<vmem>> -> memref<1x128xi32, #tpu.memory_space<vmem>>
        %dma_start3A_431 = tpu.memref_squeeze %dma_start3A_430 : memref<1x128xi32, #tpu.memory_space<vmem>> -> memref<128xi32, #tpu.memory_space<vmem>>
        %dma_start3A_432 = arith.constant 0 : i32
        %dma_start3A_433 = arith.constant 0 : i32
        %dma_start3A_434 = tpu.memref_slice %arg11[%dma_start3A_432, %dma_start3A_433] : memref<10240x16xf32, #tpu.memory_space<vmem_shared>> -> memref<10240x16xf32, #tpu.memory_space<vmem_shared>>
        tpu.enqueue_indirect_dma source(%dma_start3A_434 : memref<10240x16xf32, #tpu.memory_space<vmem_shared>>) target(%dma_start3A_428 : memref<128x16xf32, #tpu.memory_space<vmem>>) offsets(%dma_start3A_431 : memref<128xi32, #tpu.memory_space<vmem>>) semaphore(%arg13 : memref<!tpu.dma_semaphore, #tpu.memory_space<semaphore_mem>>)
      } else {
      }
      %mul3A_346 = arith.constant 8 : i32
      %mul3A_347 = arith.muli %scan3A_118, %mul3A_346 : i32
      %add3A_348 = arith.constant 6 : i32
      %add3A_349 = arith.addi %mul3A_347, %add3A_348 : i32
      %dma_wait3A_350 = arith.constant 6 : i32
      %dma_wait3A_351 = arith.constant 0 : i32
      %dma_wait3A_352 = arith.constant 0 : i32
      %dma_wait3A_353 = tpu.memref_slice %arg9[%dma_wait3A_350, %dma_wait3A_351, %dma_wait3A_352] : memref<8x128x16xf32, #tpu.memory_space<vmem>> -> memref<1x128x16xf32, #tpu.memory_space<vmem>>
      %dma_wait3A_354 = tpu.memref_squeeze %dma_wait3A_353 : memref<1x128x16xf32, #tpu.memory_space<vmem>> -> memref<128x16xf32, #tpu.memory_space<vmem>>
      %dma_wait3A_355 = arith.constant 0 : i32
      %dma_wait3A_356 = tpu.memref_slice %arg7[%add3A_349, %dma_wait3A_355] : memref<80x128xi32, #tpu.memory_space<vmem>> -> memref<1x128xi32, #tpu.memory_space<vmem>>
      %dma_wait3A_357 = tpu.memref_squeeze %dma_wait3A_356 : memref<1x128xi32, #tpu.memory_space<vmem>> -> memref<128xi32, #tpu.memory_space<vmem>>
      %dma_wait3A_358 = arith.constant 0 : i32
      %dma_wait3A_359 = arith.constant 0 : i32
      %dma_wait3A_360 = tpu.memref_slice %arg11[%dma_wait3A_358, %dma_wait3A_359] : memref<10240x16xf32, #tpu.memory_space<vmem_shared>> -> memref<10240x16xf32, #tpu.memory_space<vmem_shared>>
      tpu.wait_indirect_dma semaphore(%arg18 : memref<!tpu.dma_semaphore, #tpu.memory_space<semaphore_mem>>) src(%dma_wait3A_360 : memref<10240x16xf32, #tpu.memory_space<vmem_shared>>) dst(%dma_wait3A_354 : memref<128x16xf32, #tpu.memory_space<vmem>>)
      %dma_start3A_361 = arith.constant 6 : i32
      %dma_start3A_362 = arith.constant 0 : i32
      %dma_start3A_363 = arith.constant 0 : i32
      %dma_start3A_364 = tpu.memref_slice %arg9[%dma_start3A_361, %dma_start3A_362, %dma_start3A_363] : memref<8x128x16xf32, #tpu.memory_space<vmem>> -> memref<1x128x16xf32, #tpu.memory_space<vmem>>
      %dma_start3A_365 = tpu.memref_squeeze %dma_start3A_364 : memref<1x128x16xf32, #tpu.memory_space<vmem>> -> memref<128x16xf32, #tpu.memory_space<vmem>>
      %dma_start3A_366 = arith.constant 0 : i32
      %dma_start3A_367 = tpu.memref_slice %arg8[%add3A_349, %dma_start3A_366] : memref<80x128xi32, #tpu.memory_space<vmem>> -> memref<1x128xi32, #tpu.memory_space<vmem>>
      %dma_start3A_368 = tpu.memref_squeeze %dma_start3A_367 : memref<1x128xi32, #tpu.memory_space<vmem>> -> memref<128xi32, #tpu.memory_space<vmem>>
      %dma_start3A_369 = arith.constant 0 : i32
      %dma_start3A_370 = arith.constant 0 : i32
      %dma_start3A_371 = tpu.memref_slice %arg10[%dma_start3A_369, %dma_start3A_370] : memref<10240x16xf32, #tpu.memory_space<vmem_shared>> -> memref<10240x16xf32, #tpu.memory_space<vmem_shared>>
      tpu.enqueue_indirect_dma source(%dma_start3A_365 : memref<128x16xf32, #tpu.memory_space<vmem>>) target(%dma_start3A_371 : memref<10240x16xf32, #tpu.memory_space<vmem_shared>>) offsets(%dma_start3A_368 : memref<128xi32, #tpu.memory_space<vmem>>) semaphore(%arg26 : memref<!tpu.dma_semaphore, #tpu.memory_space<semaphore_mem>>) {add = true}
      %ge3A_372 = arith.constant 4 : i32
      %ge3A_373 = arith.cmpi sge, %add3A_349, %ge3A_372 : i32
      %convert_element_type3A_374 = arith.extui %ge3A_373 : i1 to i32
      %cond3A_375 = arith.constant 0 : i32
      %cond3A_376 = arith.cmpi ne, %convert_element_type3A_374, %cond3A_375 : i32
      scf.if %cond3A_376 {
        %add3A_422 = arith.constant 4 : i32
        %add3A_423 = arith.addi %add3A_349, %add3A_422 : i32
        %sub3A = arith.constant 8 : i32
        %sub3A_424 = arith.subi %add3A_423, %sub3A : i32
        %dma_wait3A_425 = arith.constant 2 : i32
        %dma_wait3A_426 = arith.constant 0 : i32
        %dma_wait3A_427 = arith.constant 0 : i32
        %dma_wait3A_428 = tpu.memref_slice %arg9[%dma_wait3A_425, %dma_wait3A_426, %dma_wait3A_427] : memref<8x128x16xf32, #tpu.memory_space<vmem>> -> memref<1x128x16xf32, #tpu.memory_space<vmem>>
        %dma_wait3A_429 = tpu.memref_squeeze %dma_wait3A_428 : memref<1x128x16xf32, #tpu.memory_space<vmem>> -> memref<128x16xf32, #tpu.memory_space<vmem>>
        %dma_wait3A_430 = arith.constant 0 : i32
        %dma_wait3A_431 = tpu.memref_slice %arg8[%sub3A_424, %dma_wait3A_430] : memref<80x128xi32, #tpu.memory_space<vmem>> -> memref<1x128xi32, #tpu.memory_space<vmem>>
        %dma_wait3A_432 = tpu.memref_squeeze %dma_wait3A_431 : memref<1x128xi32, #tpu.memory_space<vmem>> -> memref<128xi32, #tpu.memory_space<vmem>>
        %dma_wait3A_433 = arith.constant 0 : i32
        %dma_wait3A_434 = arith.constant 0 : i32
        %dma_wait3A_435 = tpu.memref_slice %arg10[%dma_wait3A_433, %dma_wait3A_434] : memref<10240x16xf32, #tpu.memory_space<vmem_shared>> -> memref<10240x16xf32, #tpu.memory_space<vmem_shared>>
        tpu.wait_indirect_dma semaphore(%arg22 : memref<!tpu.dma_semaphore, #tpu.memory_space<semaphore_mem>>) src(%dma_wait3A_429 : memref<128x16xf32, #tpu.memory_space<vmem>>) dst(%dma_wait3A_435 : memref<10240x16xf32, #tpu.memory_space<vmem_shared>>)
      } else {
      }
      %add3A_377 = arith.constant 4 : i32
      %add3A_378 = arith.addi %add3A_349, %add3A_377 : i32
      %lt3A_379 = arith.constant 80 : i32
      %lt3A_380 = arith.cmpi slt, %add3A_378, %lt3A_379 : i32
      %convert_element_type3A_381 = arith.extui %lt3A_380 : i1 to i32
      %cond3A_382 = arith.constant 0 : i32
      %cond3A_383 = arith.cmpi ne, %convert_element_type3A_381, %cond3A_382 : i32
      scf.if %cond3A_383 {
        %add3A_422 = arith.constant 4 : i32
        %add3A_423 = arith.addi %add3A_349, %add3A_422 : i32
        %dma_start3A_424 = arith.constant 2 : i32
        %dma_start3A_425 = arith.constant 0 : i32
        %dma_start3A_426 = arith.constant 0 : i32
        %dma_start3A_427 = tpu.memref_slice %arg9[%dma_start3A_424, %dma_start3A_425, %dma_start3A_426] : memref<8x128x16xf32, #tpu.memory_space<vmem>> -> memref<1x128x16xf32, #tpu.memory_space<vmem>>
        %dma_start3A_428 = tpu.memref_squeeze %dma_start3A_427 : memref<1x128x16xf32, #tpu.memory_space<vmem>> -> memref<128x16xf32, #tpu.memory_space<vmem>>
        %dma_start3A_429 = arith.constant 0 : i32
        %dma_start3A_430 = tpu.memref_slice %arg7[%add3A_423, %dma_start3A_429] : memref<80x128xi32, #tpu.memory_space<vmem>> -> memref<1x128xi32, #tpu.memory_space<vmem>>
        %dma_start3A_431 = tpu.memref_squeeze %dma_start3A_430 : memref<1x128xi32, #tpu.memory_space<vmem>> -> memref<128xi32, #tpu.memory_space<vmem>>
        %dma_start3A_432 = arith.constant 0 : i32
        %dma_start3A_433 = arith.constant 0 : i32
        %dma_start3A_434 = tpu.memref_slice %arg11[%dma_start3A_432, %dma_start3A_433] : memref<10240x16xf32, #tpu.memory_space<vmem_shared>> -> memref<10240x16xf32, #tpu.memory_space<vmem_shared>>
        tpu.enqueue_indirect_dma source(%dma_start3A_434 : memref<10240x16xf32, #tpu.memory_space<vmem_shared>>) target(%dma_start3A_428 : memref<128x16xf32, #tpu.memory_space<vmem>>) offsets(%dma_start3A_431 : memref<128xi32, #tpu.memory_space<vmem>>) semaphore(%arg14 : memref<!tpu.dma_semaphore, #tpu.memory_space<semaphore_mem>>)
      } else {
      }
      %mul3A_384 = arith.constant 8 : i32
      %mul3A_385 = arith.muli %scan3A_118, %mul3A_384 : i32
      %add3A_386 = arith.constant 7 : i32
      %add3A_387 = arith.addi %mul3A_385, %add3A_386 : i32
      %dma_wait3A_388 = arith.constant 7 : i32
      %dma_wait3A_389 = arith.constant 0 : i32
      %dma_wait3A_390 = arith.constant 0 : i32
      %dma_wait3A_391 = tpu.memref_slice %arg9[%dma_wait3A_388, %dma_wait3A_389, %dma_wait3A_390] : memref<8x128x16xf32, #tpu.memory_space<vmem>> -> memref<1x128x16xf32, #tpu.memory_space<vmem>>
      %dma_wait3A_392 = tpu.memref_squeeze %dma_wait3A_391 : memref<1x128x16xf32, #tpu.memory_space<vmem>> -> memref<128x16xf32, #tpu.memory_space<vmem>>
      %dma_wait3A_393 = arith.constant 0 : i32
      %dma_wait3A_394 = tpu.memref_slice %arg7[%add3A_387, %dma_wait3A_393] : memref<80x128xi32, #tpu.memory_space<vmem>> -> memref<1x128xi32, #tpu.memory_space<vmem>>
      %dma_wait3A_395 = tpu.memref_squeeze %dma_wait3A_394 : memref<1x128xi32, #tpu.memory_space<vmem>> -> memref<128xi32, #tpu.memory_space<vmem>>
      %dma_wait3A_396 = arith.constant 0 : i32
      %dma_wait3A_397 = arith.constant 0 : i32
      %dma_wait3A_398 = tpu.memref_slice %arg11[%dma_wait3A_396, %dma_wait3A_397] : memref<10240x16xf32, #tpu.memory_space<vmem_shared>> -> memref<10240x16xf32, #tpu.memory_space<vmem_shared>>
      tpu.wait_indirect_dma semaphore(%arg19 : memref<!tpu.dma_semaphore, #tpu.memory_space<semaphore_mem>>) src(%dma_wait3A_398 : memref<10240x16xf32, #tpu.memory_space<vmem_shared>>) dst(%dma_wait3A_392 : memref<128x16xf32, #tpu.memory_space<vmem>>)
      %dma_start3A_399 = arith.constant 7 : i32
      %dma_start3A_400 = arith.constant 0 : i32
      %dma_start3A_401 = arith.constant 0 : i32
      %dma_start3A_402 = tpu.memref_slice %arg9[%dma_start3A_399, %dma_start3A_400, %dma_start3A_401] : memref<8x128x16xf32, #tpu.memory_space<vmem>> -> memref<1x128x16xf32, #tpu.memory_space<vmem>>
      %dma_start3A_403 = tpu.memref_squeeze %dma_start3A_402 : memref<1x128x16xf32, #tpu.memory_space<vmem>> -> memref<128x16xf32, #tpu.memory_space<vmem>>
      %dma_start3A_404 = arith.constant 0 : i32
      %dma_start3A_405 = tpu.memref_slice %arg8[%add3A_387, %dma_start3A_404] : memref<80x128xi32, #tpu.memory_space<vmem>> -> memref<1x128xi32, #tpu.memory_space<vmem>>
      %dma_start3A_406 = tpu.memref_squeeze %dma_start3A_405 : memref<1x128xi32, #tpu.memory_space<vmem>> -> memref<128xi32, #tpu.memory_space<vmem>>
      %dma_start3A_407 = arith.constant 0 : i32
      %dma_start3A_408 = arith.constant 0 : i32
      %dma_start3A_409 = tpu.memref_slice %arg10[%dma_start3A_407, %dma_start3A_408] : memref<10240x16xf32, #tpu.memory_space<vmem_shared>> -> memref<10240x16xf32, #tpu.memory_space<vmem_shared>>
      tpu.enqueue_indirect_dma source(%dma_start3A_403 : memref<128x16xf32, #tpu.memory_space<vmem>>) target(%dma_start3A_409 : memref<10240x16xf32, #tpu.memory_space<vmem_shared>>) offsets(%dma_start3A_406 : memref<128xi32, #tpu.memory_space<vmem>>) semaphore(%arg27 : memref<!tpu.dma_semaphore, #tpu.memory_space<semaphore_mem>>) {add = true}
      %ge3A_410 = arith.constant 4 : i32
      %ge3A_411 = arith.cmpi sge, %add3A_387, %ge3A_410 : i32
      %convert_element_type3A_412 = arith.extui %ge3A_411 : i1 to i32
      %cond3A_413 = arith.constant 0 : i32
      %cond3A_414 = arith.cmpi ne, %convert_element_type3A_412, %cond3A_413 : i32
      scf.if %cond3A_414 {
        %add3A_422 = arith.constant 4 : i32
        %add3A_423 = arith.addi %add3A_387, %add3A_422 : i32
        %sub3A = arith.constant 8 : i32
        %sub3A_424 = arith.subi %add3A_423, %sub3A : i32
        %dma_wait3A_425 = arith.constant 3 : i32
        %dma_wait3A_426 = arith.constant 0 : i32
        %dma_wait3A_427 = arith.constant 0 : i32
        %dma_wait3A_428 = tpu.memref_slice %arg9[%dma_wait3A_425, %dma_wait3A_426, %dma_wait3A_427] : memref<8x128x16xf32, #tpu.memory_space<vmem>> -> memref<1x128x16xf32, #tpu.memory_space<vmem>>
        %dma_wait3A_429 = tpu.memref_squeeze %dma_wait3A_428 : memref<1x128x16xf32, #tpu.memory_space<vmem>> -> memref<128x16xf32, #tpu.memory_space<vmem>>
        %dma_wait3A_430 = arith.constant 0 : i32
        %dma_wait3A_431 = tpu.memref_slice %arg8[%sub3A_424, %dma_wait3A_430] : memref<80x128xi32, #tpu.memory_space<vmem>> -> memref<1x128xi32, #tpu.memory_space<vmem>>
        %dma_wait3A_432 = tpu.memref_squeeze %dma_wait3A_431 : memref<1x128xi32, #tpu.memory_space<vmem>> -> memref<128xi32, #tpu.memory_space<vmem>>
        %dma_wait3A_433 = arith.constant 0 : i32
        %dma_wait3A_434 = arith.constant 0 : i32
        %dma_wait3A_435 = tpu.memref_slice %arg10[%dma_wait3A_433, %dma_wait3A_434] : memref<10240x16xf32, #tpu.memory_space<vmem_shared>> -> memref<10240x16xf32, #tpu.memory_space<vmem_shared>>
        tpu.wait_indirect_dma semaphore(%arg23 : memref<!tpu.dma_semaphore, #tpu.memory_space<semaphore_mem>>) src(%dma_wait3A_429 : memref<128x16xf32, #tpu.memory_space<vmem>>) dst(%dma_wait3A_435 : memref<10240x16xf32, #tpu.memory_space<vmem_shared>>)
      } else {
      }
      %add3A_415 = arith.constant 4 : i32
      %add3A_416 = arith.addi %add3A_387, %add3A_415 : i32
      %lt3A_417 = arith.constant 80 : i32
      %lt3A_418 = arith.cmpi slt, %add3A_416, %lt3A_417 : i32
      %convert_element_type3A_419 = arith.extui %lt3A_418 : i1 to i32
      %cond3A_420 = arith.constant 0 : i32
      %cond3A_421 = arith.cmpi ne, %convert_element_type3A_419, %cond3A_420 : i32
      scf.if %cond3A_421 {
        %add3A_422 = arith.constant 4 : i32
        %add3A_423 = arith.addi %add3A_387, %add3A_422 : i32
        %dma_start3A_424 = arith.constant 3 : i32
        %dma_start3A_425 = arith.constant 0 : i32
        %dma_start3A_426 = arith.constant 0 : i32
        %dma_start3A_427 = tpu.memref_slice %arg9[%dma_start3A_424, %dma_start3A_425, %dma_start3A_426] : memref<8x128x16xf32, #tpu.memory_space<vmem>> -> memref<1x128x16xf32, #tpu.memory_space<vmem>>
        %dma_start3A_428 = tpu.memref_squeeze %dma_start3A_427 : memref<1x128x16xf32, #tpu.memory_space<vmem>> -> memref<128x16xf32, #tpu.memory_space<vmem>>
        %dma_start3A_429 = arith.constant 0 : i32
        %dma_start3A_430 = tpu.memref_slice %arg7[%add3A_423, %dma_start3A_429] : memref<80x128xi32, #tpu.memory_space<vmem>> -> memref<1x128xi32, #tpu.memory_space<vmem>>
        %dma_start3A_431 = tpu.memref_squeeze %dma_start3A_430 : memref<1x128xi32, #tpu.memory_space<vmem>> -> memref<128xi32, #tpu.memory_space<vmem>>
        %dma_start3A_432 = arith.constant 0 : i32
        %dma_start3A_433 = arith.constant 0 : i32
        %dma_start3A_434 = tpu.memref_slice %arg11[%dma_start3A_432, %dma_start3A_433] : memref<10240x16xf32, #tpu.memory_space<vmem_shared>> -> memref<10240x16xf32, #tpu.memory_space<vmem_shared>>
        tpu.enqueue_indirect_dma source(%dma_start3A_434 : memref<10240x16xf32, #tpu.memory_space<vmem_shared>>) target(%dma_start3A_428 : memref<128x16xf32, #tpu.memory_space<vmem>>) offsets(%dma_start3A_431 : memref<128xi32, #tpu.memory_space<vmem>>) semaphore(%arg15 : memref<!tpu.dma_semaphore, #tpu.memory_space<semaphore_mem>>)
      } else {
      }
    }
    %scan3A_65 = arith.constant 10 : i32
    %dma_wait3A = arith.constant 4 : i32
    %dma_wait3A_66 = arith.constant 76 : i32
    %dma_wait3A_67 = arith.constant 0 : i32
    %dma_wait3A_68 = arith.constant 0 : i32
    %dma_wait3A_69 = tpu.memref_slice %arg9[%dma_wait3A, %dma_wait3A_67, %dma_wait3A_68] : memref<8x128x16xf32, #tpu.memory_space<vmem>> -> memref<1x128x16xf32, #tpu.memory_space<vmem>>
    %dma_wait3A_70 = tpu.memref_squeeze %dma_wait3A_69 : memref<1x128x16xf32, #tpu.memory_space<vmem>> -> memref<128x16xf32, #tpu.memory_space<vmem>>
    %dma_wait3A_71 = arith.constant 0 : i32
    %dma_wait3A_72 = tpu.memref_slice %arg8[%dma_wait3A_66, %dma_wait3A_71] : memref<80x128xi32, #tpu.memory_space<vmem>> -> memref<1x128xi32, #tpu.memory_space<vmem>>
    %dma_wait3A_73 = tpu.memref_squeeze %dma_wait3A_72 : memref<1x128xi32, #tpu.memory_space<vmem>> -> memref<128xi32, #tpu.memory_space<vmem>>
    %dma_wait3A_74 = arith.constant 0 : i32
    %dma_wait3A_75 = arith.constant 0 : i32
    %dma_wait3A_76 = tpu.memref_slice %arg10[%dma_wait3A_74, %dma_wait3A_75] : memref<10240x16xf32, #tpu.memory_space<vmem_shared>> -> memref<10240x16xf32, #tpu.memory_space<vmem_shared>>
    tpu.wait_indirect_dma semaphore(%arg24 : memref<!tpu.dma_semaphore, #tpu.memory_space<semaphore_mem>>) src(%dma_wait3A_70 : memref<128x16xf32, #tpu.memory_space<vmem>>) dst(%dma_wait3A_76 : memref<10240x16xf32, #tpu.memory_space<vmem_shared>>)
    %dma_wait3A_77 = arith.constant 5 : i32
    %dma_wait3A_78 = arith.constant 77 : i32
    %dma_wait3A_79 = arith.constant 0 : i32
    %dma_wait3A_80 = arith.constant 0 : i32
    %dma_wait3A_81 = tpu.memref_slice %arg9[%dma_wait3A_77, %dma_wait3A_79, %dma_wait3A_80] : memref<8x128x16xf32, #tpu.memory_space<vmem>> -> memref<1x128x16xf32, #tpu.memory_space<vmem>>
    %dma_wait3A_82 = tpu.memref_squeeze %dma_wait3A_81 : memref<1x128x16xf32, #tpu.memory_space<vmem>> -> memref<128x16xf32, #tpu.memory_space<vmem>>
    %dma_wait3A_83 = arith.constant 0 : i32
    %dma_wait3A_84 = tpu.memref_slice %arg8[%dma_wait3A_78, %dma_wait3A_83] : memref<80x128xi32, #tpu.memory_space<vmem>> -> memref<1x128xi32, #tpu.memory_space<vmem>>
    %dma_wait3A_85 = tpu.memref_squeeze %dma_wait3A_84 : memref<1x128xi32, #tpu.memory_space<vmem>> -> memref<128xi32, #tpu.memory_space<vmem>>
    %dma_wait3A_86 = arith.constant 0 : i32
    %dma_wait3A_87 = arith.constant 0 : i32
    %dma_wait3A_88 = tpu.memref_slice %arg10[%dma_wait3A_86, %dma_wait3A_87] : memref<10240x16xf32, #tpu.memory_space<vmem_shared>> -> memref<10240x16xf32, #tpu.memory_space<vmem_shared>>
    tpu.wait_indirect_dma semaphore(%arg25 : memref<!tpu.dma_semaphore, #tpu.memory_space<semaphore_mem>>) src(%dma_wait3A_82 : memref<128x16xf32, #tpu.memory_space<vmem>>) dst(%dma_wait3A_88 : memref<10240x16xf32, #tpu.memory_space<vmem_shared>>)
    %dma_wait3A_89 = arith.constant 6 : i32
    %dma_wait3A_90 = arith.constant 78 : i32
    %dma_wait3A_91 = arith.constant 0 : i32
    %dma_wait3A_92 = arith.constant 0 : i32
    %dma_wait3A_93 = tpu.memref_slice %arg9[%dma_wait3A_89, %dma_wait3A_91, %dma_wait3A_92] : memref<8x128x16xf32, #tpu.memory_space<vmem>> -> memref<1x128x16xf32, #tpu.memory_space<vmem>>
    %dma_wait3A_94 = tpu.memref_squeeze %dma_wait3A_93 : memref<1x128x16xf32, #tpu.memory_space<vmem>> -> memref<128x16xf32, #tpu.memory_space<vmem>>
    %dma_wait3A_95 = arith.constant 0 : i32
    %dma_wait3A_96 = tpu.memref_slice %arg8[%dma_wait3A_90, %dma_wait3A_95] : memref<80x128xi32, #tpu.memory_space<vmem>> -> memref<1x128xi32, #tpu.memory_space<vmem>>
    %dma_wait3A_97 = tpu.memref_squeeze %dma_wait3A_96 : memref<1x128xi32, #tpu.memory_space<vmem>> -> memref<128xi32, #tpu.memory_space<vmem>>
    %dma_wait3A_98 = arith.constant 0 : i32
    %dma_wait3A_99 = arith.constant 0 : i32
    %dma_wait3A_100 = tpu.memref_slice %arg10[%dma_wait3A_98, %dma_wait3A_99] : memref<10240x16xf32, #tpu.memory_space<vmem_shared>> -> memref<10240x16xf32, #tpu.memory_space<vmem_shared>>
    tpu.wait_indirect_dma semaphore(%arg26 : memref<!tpu.dma_semaphore, #tpu.memory_space<semaphore_mem>>) src(%dma_wait3A_94 : memref<128x16xf32, #tpu.memory_space<vmem>>) dst(%dma_wait3A_100 : memref<10240x16xf32, #tpu.memory_space<vmem_shared>>)
    %dma_wait3A_101 = arith.constant 7 : i32
    %dma_wait3A_102 = arith.constant 79 : i32
    %dma_wait3A_103 = arith.constant 0 : i32
    %dma_wait3A_104 = arith.constant 0 : i32
    %dma_wait3A_105 = tpu.memref_slice %arg9[%dma_wait3A_101, %dma_wait3A_103, %dma_wait3A_104] : memref<8x128x16xf32, #tpu.memory_space<vmem>> -> memref<1x128x16xf32, #tpu.memory_space<vmem>>
    %dma_wait3A_106 = tpu.memref_squeeze %dma_wait3A_105 : memref<1x128x16xf32, #tpu.memory_space<vmem>> -> memref<128x16xf32, #tpu.memory_space<vmem>>
    %dma_wait3A_107 = arith.constant 0 : i32
    %dma_wait3A_108 = tpu.memref_slice %arg8[%dma_wait3A_102, %dma_wait3A_107] : memref<80x128xi32, #tpu.memory_space<vmem>> -> memref<1x128xi32, #tpu.memory_space<vmem>>
    %dma_wait3A_109 = tpu.memref_squeeze %dma_wait3A_108 : memref<1x128xi32, #tpu.memory_space<vmem>> -> memref<128xi32, #tpu.memory_space<vmem>>
    %dma_wait3A_110 = arith.constant 0 : i32
    %dma_wait3A_111 = arith.constant 0 : i32
    %dma_wait3A_112 = tpu.memref_slice %arg10[%dma_wait3A_110, %dma_wait3A_111] : memref<10240x16xf32, #tpu.memory_space<vmem_shared>> -> memref<10240x16xf32, #tpu.memory_space<vmem_shared>>
    tpu.wait_indirect_dma semaphore(%arg27 : memref<!tpu.dma_semaphore, #tpu.memory_space<semaphore_mem>>) src(%dma_wait3A_106 : memref<128x16xf32, #tpu.memory_space<vmem>>) dst(%dma_wait3A_112 : memref<10240x16xf32, #tpu.memory_space<vmem_shared>>)
    %barrier3A_113 = arith.constant 0 : index
    tpu.barrier barrier_id(%barrier3A_113)
    %mul3A_114 = arith.constant 640 : i32
    %mul3A_115 = arith.muli %arg1, %mul3A_114 : i32
    %mul3A_116 = arith.constant 640 : i32
    %mul3A_117 = arith.muli %arg1, %mul3A_116 : i32
    "tpu.region"() ({
      %run_scoped3A = tpu.sem_alloc : memref<!tpu.dma_semaphore, #tpu.memory_space<semaphore_mem>>
      %dma_start3A_118 = arith.constant 0 : i32
      %dma_start3A_119 = tpu.memref_slice %arg6[%arg0, %mul3A_117, %dma_start3A_118] : memref<2x10240x16xf32, #tpu.memory_space<hbm>> -> memref<1x640x16xf32, #tpu.memory_space<hbm>>
      %dma_start3A_120 = tpu.memref_squeeze %dma_start3A_119 : memref<1x640x16xf32, #tpu.memory_space<hbm>> -> memref<640x16xf32, #tpu.memory_space<hbm>>
      %dma_start3A_121 = arith.constant 0 : i32
      %dma_start3A_122 = tpu.memref_slice %arg10[%mul3A_115, %dma_start3A_121] : memref<10240x16xf32, #tpu.memory_space<vmem_shared>> -> memref<640x16xf32, #tpu.memory_space<vmem_shared>>
      tpu.enqueue_dma source(%dma_start3A_122 : memref<640x16xf32, #tpu.memory_space<vmem_shared>>) target(%dma_start3A_120 : memref<640x16xf32, #tpu.memory_space<hbm>>) target_semaphore(%run_scoped3A : memref<!tpu.dma_semaphore, #tpu.memory_space<semaphore_mem>>)
      %dma_wait3A_123 = arith.constant 0 : i32
      %dma_wait3A_124 = tpu.memref_slice %arg6[%arg0, %mul3A_117, %dma_wait3A_123] : memref<2x10240x16xf32, #tpu.memory_space<hbm>> -> memref<1x640x16xf32, #tpu.memory_space<hbm>>
      %dma_wait3A_125 = tpu.memref_squeeze %dma_wait3A_124 : memref<1x640x16xf32, #tpu.memory_space<hbm>> -> memref<640x16xf32, #tpu.memory_space<hbm>>
      %dma_wait3A_126 = arith.constant 0 : i32
      %dma_wait3A_127 = tpu.memref_slice %arg10[%mul3A_115, %dma_wait3A_126] : memref<10240x16xf32, #tpu.memory_space<vmem_shared>> -> memref<640x16xf32, #tpu.memory_space<vmem_shared>>
      tpu.wait_dma2 semaphore(%run_scoped3A : memref<!tpu.dma_semaphore, #tpu.memory_space<semaphore_mem>>) src(%dma_wait3A_127 : memref<640x16xf32, #tpu.memory_space<vmem_shared>>) dst(%dma_wait3A_125 : memref<640x16xf32, #tpu.memory_space<hbm>>)
      tpu.yield
    }) : () -> ()
    return
  }
}

#map = affine_map<(d0, d1) -> (0, 0)>
#map1 = affine_map<(d0, d1) -> (0, 0, 0)>
module attributes {stable_mosaic.version = 14 : i64} {
  func.func @_agg_body(%arg0: i32, %arg1: i32, %arg2: memref<10000x16xf32, #tpu.memory_space<hbm>>, %arg3: memref<2560x128xi32, #tpu.memory_space<hbm>>, %arg4: memref<2560x128xi32, #tpu.memory_space<hbm>>, %arg5: memref<10240x16xf32, #tpu.memory_space<hbm>>, %arg6: memref<2x10240x16xf32, #tpu.memory_space<hbm>>, %arg7: memref<80x128xi32, #tpu.memory_space<vmem>>, %arg8: memref<80x128xi32, #tpu.memory_space<vmem>>, %arg9: memref<8x128x16xf32, #tpu.memory_space<vmem>>, %arg10: memref<10240x16xf32, #tpu.memory_space<vmem_shared>>, %arg11: memref<10240x16xf32, #tpu.memory_space<vmem_shared>>, %arg12: memref<!tpu.dma_semaphore, #tpu.memory_space<semaphore_mem>>, %arg13: memref<!tpu.dma_semaphore, #tpu.memory_space<semaphore_mem>>, %arg14: memref<!tpu.dma_semaphore, #tpu.memory_space<semaphore_mem>>, %arg15: memref<!tpu.dma_semaphore, #tpu.memory_space<semaphore_mem>>, %arg16: memref<!tpu.dma_semaphore, #tpu.memory_space<semaphore_mem>>, %arg17: memref<!tpu.dma_semaphore, #tpu.memory_space<semaphore_mem>>, %arg18: memref<!tpu.dma_semaphore, #tpu.memory_space<semaphore_mem>>, %arg19: memref<!tpu.dma_semaphore, #tpu.memory_space<semaphore_mem>>, %arg20: memref<!tpu.dma_semaphore, #tpu.memory_space<semaphore_mem>>, %arg21: memref<!tpu.dma_semaphore, #tpu.memory_space<semaphore_mem>>, %arg22: memref<!tpu.dma_semaphore, #tpu.memory_space<semaphore_mem>>, %arg23: memref<!tpu.dma_semaphore, #tpu.memory_space<semaphore_mem>>, %arg24: memref<!tpu.dma_semaphore, #tpu.memory_space<semaphore_mem>>, %arg25: memref<!tpu.dma_semaphore, #tpu.memory_space<semaphore_mem>>, %arg26: memref<!tpu.dma_semaphore, #tpu.memory_space<semaphore_mem>>, %arg27: memref<!tpu.dma_semaphore, #tpu.memory_space<semaphore_mem>>) attributes {dimension_semantics = [#tpu.dimension_semantics<core_parallel>, #tpu.dimension_semantics<subcore_parallel>], iteration_bounds = array<i64: 2, 16>, scalar_prefetch = 0 : i64, scratch_operands = 21 : i64, tpu.core_type = #tpu.core_type<sc_vector_subcore>, window_params = [{transform_indices = #map}, {transform_indices = #map}, {transform_indices = #map}, {transform_indices = #map}, {transform_indices = #map1}]} {
    %mul3A = arith.constant 640 : i32
    %mul3A_0 = arith.muli %arg1, %mul3A : i32
    %mul3A_1 = arith.constant 640 : i32
    %mul3A_2 = arith.muli %arg1, %mul3A_1 : i32
    "tpu.region"() ({
      %run_scoped3A = tpu.sem_alloc : memref<!tpu.dma_semaphore, #tpu.memory_space<semaphore_mem>>
      %dma_start3A_118 = arith.constant 0 : i32
      %dma_start3A_119 = tpu.memref_slice %arg10[%mul3A_2, %dma_start3A_118] : memref<10240x16xf32, #tpu.memory_space<vmem_shared>> -> memref<640x16xf32, #tpu.memory_space<vmem_shared>>
      %dma_start3A_120 = arith.constant 0 : i32
      %dma_start3A_121 = tpu.memref_slice %arg5[%mul3A_0, %dma_start3A_120] : memref<10240x16xf32, #tpu.memory_space<hbm>> -> memref<640x16xf32, #tpu.memory_space<hbm>>
      tpu.enqueue_dma source(%dma_start3A_121 : memref<640x16xf32, #tpu.memory_space<hbm>>) target(%dma_start3A_119 : memref<640x16xf32, #tpu.memory_space<vmem_shared>>) target_semaphore(%run_scoped3A : memref<!tpu.dma_semaphore, #tpu.memory_space<semaphore_mem>>)
      %dma_wait3A_122 = arith.constant 0 : i32
      %dma_wait3A_123 = tpu.memref_slice %arg10[%mul3A_2, %dma_wait3A_122] : memref<10240x16xf32, #tpu.memory_space<vmem_shared>> -> memref<640x16xf32, #tpu.memory_space<vmem_shared>>
      %dma_wait3A_124 = arith.constant 0 : i32
      %dma_wait3A_125 = tpu.memref_slice %arg5[%mul3A_0, %dma_wait3A_124] : memref<10240x16xf32, #tpu.memory_space<hbm>> -> memref<640x16xf32, #tpu.memory_space<hbm>>
      tpu.wait_dma2 semaphore(%run_scoped3A : memref<!tpu.dma_semaphore, #tpu.memory_space<semaphore_mem>>) src(%dma_wait3A_125 : memref<640x16xf32, #tpu.memory_space<hbm>>) dst(%dma_wait3A_123 : memref<640x16xf32, #tpu.memory_space<vmem_shared>>)
      tpu.yield
    }) : () -> ()
    %lt3A = arith.constant 15 : i32
    %lt3A_3 = arith.cmpi slt, %arg1, %lt3A : i32
    %convert_element_type3A = arith.extui %lt3A_3 : i1 to i32
    %cond3A = arith.constant 0 : i32
    %cond3A_4 = arith.cmpi ne, %convert_element_type3A, %cond3A : i32
    scf.if %cond3A_4 {
      %mul3A_118 = arith.constant 640 : i32
      %mul3A_119 = arith.muli %arg1, %mul3A_118 : i32
      %mul3A_120 = arith.constant 640 : i32
      %mul3A_121 = arith.muli %arg1, %mul3A_120 : i32
      "tpu.region"() ({
        %run_scoped3A = tpu.sem_alloc : memref<!tpu.dma_semaphore, #tpu.memory_space<semaphore_mem>>
        %dma_start3A_122 = arith.constant 0 : i32
        %dma_start3A_123 = tpu.memref_slice %arg11[%mul3A_121, %dma_start3A_122] : memref<10240x16xf32, #tpu.memory_space<vmem_shared>> -> memref<640x16xf32, #tpu.memory_space<vmem_shared>>
        %dma_start3A_124 = arith.constant 0 : i32
        %dma_start3A_125 = tpu.memref_slice %arg2[%mul3A_119, %dma_start3A_124] : memref<10000x16xf32, #tpu.memory_space<hbm>> -> memref<640x16xf32, #tpu.memory_space<hbm>>
        tpu.enqueue_dma source(%dma_start3A_125 : memref<640x16xf32, #tpu.memory_space<hbm>>) target(%dma_start3A_123 : memref<640x16xf32, #tpu.memory_space<vmem_shared>>) target_semaphore(%run_scoped3A : memref<!tpu.dma_semaphore, #tpu.memory_space<semaphore_mem>>)
        %dma_wait3A_126 = arith.constant 0 : i32
        %dma_wait3A_127 = tpu.memref_slice %arg11[%mul3A_121, %dma_wait3A_126] : memref<10240x16xf32, #tpu.memory_space<vmem_shared>> -> memref<640x16xf32, #tpu.memory_space<vmem_shared>>
        %dma_wait3A_128 = arith.constant 0 : i32
        %dma_wait3A_129 = tpu.memref_slice %arg2[%mul3A_119, %dma_wait3A_128] : memref<10000x16xf32, #tpu.memory_space<hbm>> -> memref<640x16xf32, #tpu.memory_space<hbm>>
        tpu.wait_dma2 semaphore(%run_scoped3A : memref<!tpu.dma_semaphore, #tpu.memory_space<semaphore_mem>>) src(%dma_wait3A_129 : memref<640x16xf32, #tpu.memory_space<hbm>>) dst(%dma_wait3A_127 : memref<640x16xf32, #tpu.memory_space<vmem_shared>>)
        tpu.yield
      }) : () -> ()
    } else {
    }
    %eq3A = arith.constant 15 : i32
    %eq3A_5 = arith.cmpi eq, %arg1, %eq3A : i32
    %convert_element_type3A_6 = arith.extui %eq3A_5 : i1 to i32
    %cond3A_7 = arith.constant 0 : i32
    %cond3A_8 = arith.cmpi ne, %convert_element_type3A_6, %cond3A_7 : i32
    scf.if %cond3A_8 {
      "tpu.region"() ({
        %run_scoped3A = tpu.sem_alloc : memref<!tpu.dma_semaphore, #tpu.memory_space<semaphore_mem>>
        %dma_start3A_118 = arith.constant 9600 : i32
        %dma_start3A_119 = arith.constant 0 : i32
        %dma_start3A_120 = tpu.memref_slice %arg11[%dma_start3A_118, %dma_start3A_119] : memref<10240x16xf32, #tpu.memory_space<vmem_shared>> -> memref<400x16xf32, #tpu.memory_space<vmem_shared>>
        %dma_start3A_121 = arith.constant 9600 : i32
        %dma_start3A_122 = arith.constant 0 : i32
        %dma_start3A_123 = tpu.memref_slice %arg2[%dma_start3A_121, %dma_start3A_122] : memref<10000x16xf32, #tpu.memory_space<hbm>> -> memref<400x16xf32, #tpu.memory_space<hbm>>
        tpu.enqueue_dma source(%dma_start3A_123 : memref<400x16xf32, #tpu.memory_space<hbm>>) target(%dma_start3A_120 : memref<400x16xf32, #tpu.memory_space<vmem_shared>>) target_semaphore(%run_scoped3A : memref<!tpu.dma_semaphore, #tpu.memory_space<semaphore_mem>>)
        %dma_wait3A_124 = arith.constant 9600 : i32
        %dma_wait3A_125 = arith.constant 0 : i32
        %dma_wait3A_126 = tpu.memref_slice %arg11[%dma_wait3A_124, %dma_wait3A_125] : memref<10240x16xf32, #tpu.memory_space<vmem_shared>> -> memref<400x16xf32, #tpu.memory_space<vmem_shared>>
        %dma_wait3A_127 = arith.constant 9600 : i32
        %dma_wait3A_128 = arith.constant 0 : i32
        %dma_wait3A_129 = tpu.memref_slice %arg2[%dma_wait3A_127, %dma_wait3A_128] : memref<10000x16xf32, #tpu.memory_space<hbm>> -> memref<400x16xf32, #tpu.memory_space<hbm>>
        tpu.wait_dma2 semaphore(%run_scoped3A : memref<!tpu.dma_semaphore, #tpu.memory_space<semaphore_mem>>) src(%dma_wait3A_129 : memref<400x16xf32, #tpu.memory_space<hbm>>) dst(%dma_wait3A_126 : memref<400x16xf32, #tpu.memory_space<vmem_shared>>)
        tpu.yield
      }) : () -> ()
      "tpu.region"() ({
        %run_scoped3A = tpu.sem_alloc : memref<!tpu.dma_semaphore, #tpu.memory_space<semaphore_mem>>
        %dma_start3A_118 = arith.constant 10000 : i32
        %dma_start3A_119 = arith.constant 0 : i32
        %dma_start3A_120 = tpu.memref_slice %arg11[%dma_start3A_118, %dma_start3A_119] : memref<10240x16xf32, #tpu.memory_space<vmem_shared>> -> memref<240x16xf32, #tpu.memory_space<vmem_shared>>
        %dma_start3A_121 = arith.constant 10000 : i32
        %dma_start3A_122 = arith.constant 0 : i32
        %dma_start3A_123 = tpu.memref_slice %arg5[%dma_start3A_121, %dma_start3A_122] : memref<10240x16xf32, #tpu.memory_space<hbm>> -> memref<240x16xf32, #tpu.memory_space<hbm>>
        tpu.enqueue_dma source(%dma_start3A_123 : memref<240x16xf32, #tpu.memory_space<hbm>>) target(%dma_start3A_120 : memref<240x16xf32, #tpu.memory_space<vmem_shared>>) target_semaphore(%run_scoped3A : memref<!tpu.dma_semaphore, #tpu.memory_space<semaphore_mem>>)
        %dma_wait3A_124 = arith.constant 10000 : i32
        %dma_wait3A_125 = arith.constant 0 : i32
        %dma_wait3A_126 = tpu.memref_slice %arg11[%dma_wait3A_124, %dma_wait3A_125] : memref<10240x16xf32, #tpu.memory_space<vmem_shared>> -> memref<240x16xf32, #tpu.memory_space<vmem_shared>>
        %dma_wait3A_127 = arith.constant 10000 : i32
        %dma_wait3A_128 = arith.constant 0 : i32
        %dma_wait3A_129 = tpu.memref_slice %arg5[%dma_wait3A_127, %dma_wait3A_128] : memref<10240x16xf32, #tpu.memory_space<hbm>> -> memref<240x16xf32, #tpu.memory_space<hbm>>
        tpu.wait_dma2 semaphore(%run_scoped3A : memref<!tpu.dma_semaphore, #tpu.memory_space<semaphore_mem>>) src(%dma_wait3A_129 : memref<240x16xf32, #tpu.memory_space<hbm>>) dst(%dma_wait3A_126 : memref<240x16xf32, #tpu.memory_space<vmem_shared>>)
        tpu.yield
      }) : () -> ()
    } else {
    }
    %mul3A_9 = arith.constant 16 : i32
    %mul3A_10 = arith.muli %arg0, %mul3A_9 : i32
    %add3A = arith.addi %mul3A_10, %arg1 : i32
    %mul3A_11 = arith.constant 80 : i32
    %mul3A_12 = arith.muli %add3A, %mul3A_11 : i32
    "tpu.region"() ({
      %run_scoped3A = tpu.sem_alloc : memref<!tpu.dma_semaphore, #tpu.memory_space<semaphore_mem>>
      %dma_start3A_118 = arith.constant 0 : i32
      %dma_start3A_119 = tpu.memref_slice %arg3[%mul3A_12, %dma_start3A_118] : memref<2560x128xi32, #tpu.memory_space<hbm>> -> memref<80x128xi32, #tpu.memory_space<hbm>>
      %dma_start3A_120 = arith.constant 0 : i32
      %dma_start3A_121 = tpu.memref_slice %arg3[%mul3A_12, %dma_start3A_120] : memref<2560x128xi32, #tpu.memory_space<hbm>> -> memref<80x128xi32, #tpu.memory_space<hbm>>
      tpu.enqueue_dma source(%dma_start3A_121 : memref<80x128xi32, #tpu.memory_space<hbm>>) target(%arg7 : memref<80x128xi32, #tpu.memory_space<vmem>>) target_semaphore(%run_scoped3A : memref<!tpu.dma_semaphore, #tpu.memory_space<semaphore_mem>>)
      %dma_wait3A_122 = arith.constant 0 : i32
      %dma_wait3A_123 = tpu.memref_slice %arg3[%mul3A_12, %dma_wait3A_122] : memref<2560x128xi32, #tpu.memory_space<hbm>> -> memref<80x128xi32, #tpu.memory_space<hbm>>
      %dma_wait3A_124 = arith.constant 0 : i32
      %dma_wait3A_125 = tpu.memref_slice %arg3[%mul3A_12, %dma_wait3A_124] : memref<2560x128xi32, #tpu.memory_space<hbm>> -> memref<80x128xi32, #tpu.memory_space<hbm>>
      tpu.wait_dma2 semaphore(%run_scoped3A : memref<!tpu.dma_semaphore, #tpu.memory_space<semaphore_mem>>) src(%dma_wait3A_125 : memref<80x128xi32, #tpu.memory_space<hbm>>) dst(%arg7 : memref<80x128xi32, #tpu.memory_space<vmem>>)
      tpu.yield
    }) : () -> ()
    %mul3A_13 = arith.constant 80 : i32
    %mul3A_14 = arith.muli %add3A, %mul3A_13 : i32
    "tpu.region"() ({
      %run_scoped3A = tpu.sem_alloc : memref<!tpu.dma_semaphore, #tpu.memory_space<semaphore_mem>>
      %dma_start3A_118 = arith.constant 0 : i32
      %dma_start3A_119 = tpu.memref_slice %arg4[%mul3A_14, %dma_start3A_118] : memref<2560x128xi32, #tpu.memory_space<hbm>> -> memref<80x128xi32, #tpu.memory_space<hbm>>
      %dma_start3A_120 = arith.constant 0 : i32
      %dma_start3A_121 = tpu.memref_slice %arg4[%mul3A_14, %dma_start3A_120] : memref<2560x128xi32, #tpu.memory_space<hbm>> -> memref<80x128xi32, #tpu.memory_space<hbm>>
      tpu.enqueue_dma source(%dma_start3A_121 : memref<80x128xi32, #tpu.memory_space<hbm>>) target(%arg8 : memref<80x128xi32, #tpu.memory_space<vmem>>) target_semaphore(%run_scoped3A : memref<!tpu.dma_semaphore, #tpu.memory_space<semaphore_mem>>)
      %dma_wait3A_122 = arith.constant 0 : i32
      %dma_wait3A_123 = tpu.memref_slice %arg4[%mul3A_14, %dma_wait3A_122] : memref<2560x128xi32, #tpu.memory_space<hbm>> -> memref<80x128xi32, #tpu.memory_space<hbm>>
      %dma_wait3A_124 = arith.constant 0 : i32
      %dma_wait3A_125 = tpu.memref_slice %arg4[%mul3A_14, %dma_wait3A_124] : memref<2560x128xi32, #tpu.memory_space<hbm>> -> memref<80x128xi32, #tpu.memory_space<hbm>>
      tpu.wait_dma2 semaphore(%run_scoped3A : memref<!tpu.dma_semaphore, #tpu.memory_space<semaphore_mem>>) src(%dma_wait3A_125 : memref<80x128xi32, #tpu.memory_space<hbm>>) dst(%arg8 : memref<80x128xi32, #tpu.memory_space<vmem>>)
      tpu.yield
    }) : () -> ()
    %barrier3A = arith.constant 0 : index
    tpu.barrier barrier_id(%barrier3A)
    %dma_start3A = arith.constant 0 : i32
    %dma_start3A_15 = arith.constant 0 : i32
    %dma_start3A_16 = arith.constant 0 : i32
    %dma_start3A_17 = arith.constant 0 : i32
    %dma_start3A_18 = tpu.memref_slice %arg9[%dma_start3A_15, %dma_start3A_16, %dma_start3A_17] : memref<8x128x16xf32, #tpu.memory_space<vmem>> -> memref<1x128x16xf32, #tpu.memory_space<vmem>>
    %dma_start3A_19 = tpu.memref_squeeze %dma_start3A_18 : memref<1x128x16xf32, #tpu.memory_space<vmem>> -> memref<128x16xf32, #tpu.memory_space<vmem>>
    %dma_start3A_20 = arith.constant 0 : i32
    %dma_start3A_21 = tpu.memref_slice %arg7[%dma_start3A, %dma_start3A_20] : memref<80x128xi32, #tpu.memory_space<vmem>> -> memref<1x128xi32, #tpu.memory_space<vmem>>
    %dma_start3A_22 = tpu.memref_squeeze %dma_start3A_21 : memref<1x128xi32, #tpu.memory_space<vmem>> -> memref<128xi32, #tpu.memory_space<vmem>>
    %dma_start3A_23 = arith.constant 0 : i32
    %dma_start3A_24 = arith.constant 0 : i32
    %dma_start3A_25 = tpu.memref_slice %arg11[%dma_start3A_23, %dma_start3A_24] : memref<10240x16xf32, #tpu.memory_space<vmem_shared>> -> memref<10240x16xf32, #tpu.memory_space<vmem_shared>>
    tpu.enqueue_indirect_dma source(%dma_start3A_25 : memref<10240x16xf32, #tpu.memory_space<vmem_shared>>) target(%dma_start3A_19 : memref<128x16xf32, #tpu.memory_space<vmem>>) offsets(%dma_start3A_22 : memref<128xi32, #tpu.memory_space<vmem>>) semaphore(%arg12 : memref<!tpu.dma_semaphore, #tpu.memory_space<semaphore_mem>>)
    %dma_start3A_26 = arith.constant 1 : i32
    %dma_start3A_27 = arith.constant 1 : i32
    %dma_start3A_28 = arith.constant 0 : i32
    %dma_start3A_29 = arith.constant 0 : i32
    %dma_start3A_30 = tpu.memref_slice %arg9[%dma_start3A_27, %dma_start3A_28, %dma_start3A_29] : memref<8x128x16xf32, #tpu.memory_space<vmem>> -> memref<1x128x16xf32, #tpu.memory_space<vmem>>
    %dma_start3A_31 = tpu.memref_squeeze %dma_start3A_30 : memref<1x128x16xf32, #tpu.memory_space<vmem>> -> memref<128x16xf32, #tpu.memory_space<vmem>>
    %dma_start3A_32 = arith.constant 0 : i32
    %dma_start3A_33 = tpu.memref_slice %arg7[%dma_start3A_26, %dma_start3A_32] : memref<80x128xi32, #tpu.memory_space<vmem>> -> memref<1x128xi32, #tpu.memory_space<vmem>>
    %dma_start3A_34 = tpu.memref_squeeze %dma_start3A_33 : memref<1x128xi32, #tpu.memory_space<vmem>> -> memref<128xi32, #tpu.memory_space<vmem>>
    %dma_start3A_35 = arith.constant 0 : i32
    %dma_start3A_36 = arith.constant 0 : i32
    %dma_start3A_37 = tpu.memref_slice %arg11[%dma_start3A_35, %dma_start3A_36] : memref<10240x16xf32, #tpu.memory_space<vmem_shared>> -> memref<10240x16xf32, #tpu.memory_space<vmem_shared>>
    tpu.enqueue_indirect_dma source(%dma_start3A_37 : memref<10240x16xf32, #tpu.memory_space<vmem_shared>>) target(%dma_start3A_31 : memref<128x16xf32, #tpu.memory_space<vmem>>) offsets(%dma_start3A_34 : memref<128xi32, #tpu.memory_space<vmem>>) semaphore(%arg13 : memref<!tpu.dma_semaphore, #tpu.memory_space<semaphore_mem>>)
    %dma_start3A_38 = arith.constant 2 : i32
    %dma_start3A_39 = arith.constant 2 : i32
    %dma_start3A_40 = arith.constant 0 : i32
    %dma_start3A_41 = arith.constant 0 : i32
    %dma_start3A_42 = tpu.memref_slice %arg9[%dma_start3A_39, %dma_start3A_40, %dma_start3A_41] : memref<8x128x16xf32, #tpu.memory_space<vmem>> -> memref<1x128x16xf32, #tpu.memory_space<vmem>>
    %dma_start3A_43 = tpu.memref_squeeze %dma_start3A_42 : memref<1x128x16xf32, #tpu.memory_space<vmem>> -> memref<128x16xf32, #tpu.memory_space<vmem>>
    %dma_start3A_44 = arith.constant 0 : i32
    %dma_start3A_45 = tpu.memref_slice %arg7[%dma_start3A_38, %dma_start3A_44] : memref<80x128xi32, #tpu.memory_space<vmem>> -> memref<1x128xi32, #tpu.memory_space<vmem>>
    %dma_start3A_46 = tpu.memref_squeeze %dma_start3A_45 : memref<1x128xi32, #tpu.memory_space<vmem>> -> memref<128xi32, #tpu.memory_space<vmem>>
    %dma_start3A_47 = arith.constant 0 : i32
    %dma_start3A_48 = arith.constant 0 : i32
    %dma_start3A_49 = tpu.memref_slice %arg11[%dma_start3A_47, %dma_start3A_48] : memref<10240x16xf32, #tpu.memory_space<vmem_shared>> -> memref<10240x16xf32, #tpu.memory_space<vmem_shared>>
    tpu.enqueue_indirect_dma source(%dma_start3A_49 : memref<10240x16xf32, #tpu.memory_space<vmem_shared>>) target(%dma_start3A_43 : memref<128x16xf32, #tpu.memory_space<vmem>>) offsets(%dma_start3A_46 : memref<128xi32, #tpu.memory_space<vmem>>) semaphore(%arg14 : memref<!tpu.dma_semaphore, #tpu.memory_space<semaphore_mem>>)
    %dma_start3A_50 = arith.constant 3 : i32
    %dma_start3A_51 = arith.constant 3 : i32
    %dma_start3A_52 = arith.constant 0 : i32
    %dma_start3A_53 = arith.constant 0 : i32
    %dma_start3A_54 = tpu.memref_slice %arg9[%dma_start3A_51, %dma_start3A_52, %dma_start3A_53] : memref<8x128x16xf32, #tpu.memory_space<vmem>> -> memref<1x128x16xf32, #tpu.memory_space<vmem>>
    %dma_start3A_55 = tpu.memref_squeeze %dma_start3A_54 : memref<1x128x16xf32, #tpu.memory_space<vmem>> -> memref<128x16xf32, #tpu.memory_space<vmem>>
    %dma_start3A_56 = arith.constant 0 : i32
    %dma_start3A_57 = tpu.memref_slice %arg7[%dma_start3A_50, %dma_start3A_56] : memref<80x128xi32, #tpu.memory_space<vmem>> -> memref<1x128xi32, #tpu.memory_space<vmem>>
    %dma_start3A_58 = tpu.memref_squeeze %dma_start3A_57 : memref<1x128xi32, #tpu.memory_space<vmem>> -> memref<128xi32, #tpu.memory_space<vmem>>
    %dma_start3A_59 = arith.constant 0 : i32
    %dma_start3A_60 = arith.constant 0 : i32
    %dma_start3A_61 = tpu.memref_slice %arg11[%dma_start3A_59, %dma_start3A_60] : memref<10240x16xf32, #tpu.memory_space<vmem_shared>> -> memref<10240x16xf32, #tpu.memory_space<vmem_shared>>
    tpu.enqueue_indirect_dma source(%dma_start3A_61 : memref<10240x16xf32, #tpu.memory_space<vmem_shared>>) target(%dma_start3A_55 : memref<128x16xf32, #tpu.memory_space<vmem>>) offsets(%dma_start3A_58 : memref<128xi32, #tpu.memory_space<vmem>>) semaphore(%arg15 : memref<!tpu.dma_semaphore, #tpu.memory_space<semaphore_mem>>)
    %scan3A = arith.constant 0 : i32
    %scan3A_62 = arith.constant 10 : i32
    %scan3A_63 = arith.addi %scan3A, %scan3A_62 : i32
    %scan3A_64 = arith.constant 1 : i32
    scf.for %scan3A_118 = %scan3A to %scan3A_63 step %scan3A_64  : i32 {
      %mul3A_119 = arith.constant 8 : i32
      %mul3A_120 = arith.muli %scan3A_118, %mul3A_119 : i32
      %add3A_121 = arith.constant 0 : i32
      %add3A_122 = arith.addi %mul3A_120, %add3A_121 : i32
      %dma_wait3A_123 = arith.constant 0 : i32
      %dma_wait3A_124 = arith.constant 0 : i32
      %dma_wait3A_125 = arith.constant 0 : i32
      %dma_wait3A_126 = tpu.memref_slice %arg9[%dma_wait3A_123, %dma_wait3A_124, %dma_wait3A_125] : memref<8x128x16xf32, #tpu.memory_space<vmem>> -> memref<1x128x16xf32, #tpu.memory_space<vmem>>
      %dma_wait3A_127 = tpu.memref_squeeze %dma_wait3A_126 : memref<1x128x16xf32, #tpu.memory_space<vmem>> -> memref<128x16xf32, #tpu.memory_space<vmem>>
      %dma_wait3A_128 = arith.constant 0 : i32
      %dma_wait3A_129 = tpu.memref_slice %arg7[%add3A_122, %dma_wait3A_128] : memref<80x128xi32, #tpu.memory_space<vmem>> -> memref<1x128xi32, #tpu.memory_space<vmem>>
      %dma_wait3A_130 = tpu.memref_squeeze %dma_wait3A_129 : memref<1x128xi32, #tpu.memory_space<vmem>> -> memref<128xi32, #tpu.memory_space<vmem>>
      %dma_wait3A_131 = arith.constant 0 : i32
      %dma_wait3A_132 = arith.constant 0 : i32
      %dma_wait3A_133 = tpu.memref_slice %arg11[%dma_wait3A_131, %dma_wait3A_132] : memref<10240x16xf32, #tpu.memory_space<vmem_shared>> -> memref<10240x16xf32, #tpu.memory_space<vmem_shared>>
      tpu.wait_indirect_dma semaphore(%arg12 : memref<!tpu.dma_semaphore, #tpu.memory_space<semaphore_mem>>) src(%dma_wait3A_133 : memref<10240x16xf32, #tpu.memory_space<vmem_shared>>) dst(%dma_wait3A_127 : memref<128x16xf32, #tpu.memory_space<vmem>>)
      %dma_start3A_134 = arith.constant 0 : i32
      %dma_start3A_135 = arith.constant 0 : i32
      %dma_start3A_136 = arith.constant 0 : i32
      %dma_start3A_137 = tpu.memref_slice %arg9[%dma_start3A_134, %dma_start3A_135, %dma_start3A_136] : memref<8x128x16xf32, #tpu.memory_space<vmem>> -> memref<1x128x16xf32, #tpu.memory_space<vmem>>
      %dma_start3A_138 = tpu.memref_squeeze %dma_start3A_137 : memref<1x128x16xf32, #tpu.memory_space<vmem>> -> memref<128x16xf32, #tpu.memory_space<vmem>>
      %dma_start3A_139 = arith.constant 0 : i32
      %dma_start3A_140 = tpu.memref_slice %arg8[%add3A_122, %dma_start3A_139] : memref<80x128xi32, #tpu.memory_space<vmem>> -> memref<1x128xi32, #tpu.memory_space<vmem>>
      %dma_start3A_141 = tpu.memref_squeeze %dma_start3A_140 : memref<1x128xi32, #tpu.memory_space<vmem>> -> memref<128xi32, #tpu.memory_space<vmem>>
      %dma_start3A_142 = arith.constant 0 : i32
      %dma_start3A_143 = arith.constant 0 : i32
      %dma_start3A_144 = tpu.memref_slice %arg10[%dma_start3A_142, %dma_start3A_143] : memref<10240x16xf32, #tpu.memory_space<vmem_shared>> -> memref<10240x16xf32, #tpu.memory_space<vmem_shared>>
      tpu.enqueue_indirect_dma source(%dma_start3A_138 : memref<128x16xf32, #tpu.memory_space<vmem>>) target(%dma_start3A_144 : memref<10240x16xf32, #tpu.memory_space<vmem_shared>>) offsets(%dma_start3A_141 : memref<128xi32, #tpu.memory_space<vmem>>) semaphore(%arg20 : memref<!tpu.dma_semaphore, #tpu.memory_space<semaphore_mem>>) {add = true}
      %ge3A = arith.constant 4 : i32
      %ge3A_145 = arith.cmpi sge, %add3A_122, %ge3A : i32
      %convert_element_type3A_146 = arith.extui %ge3A_145 : i1 to i32
      %cond3A_147 = arith.constant 0 : i32
      %cond3A_148 = arith.cmpi ne, %convert_element_type3A_146, %cond3A_147 : i32
      scf.if %cond3A_148 {
        %add3A_422 = arith.constant 4 : i32
        %add3A_423 = arith.addi %add3A_122, %add3A_422 : i32
        %sub3A = arith.constant 8 : i32
        %sub3A_424 = arith.subi %add3A_423, %sub3A : i32
        %dma_wait3A_425 = arith.constant 4 : i32
        %dma_wait3A_426 = arith.constant 0 : i32
        %dma_wait3A_427 = arith.constant 0 : i32
        %dma_wait3A_428 = tpu.memref_slice %arg9[%dma_wait3A_425, %dma_wait3A_426, %dma_wait3A_427] : memref<8x128x16xf32, #tpu.memory_space<vmem>> -> memref<1x128x16xf32, #tpu.memory_space<vmem>>
        %dma_wait3A_429 = tpu.memref_squeeze %dma_wait3A_428 : memref<1x128x16xf32, #tpu.memory_space<vmem>> -> memref<128x16xf32, #tpu.memory_space<vmem>>
        %dma_wait3A_430 = arith.constant 0 : i32
        %dma_wait3A_431 = tpu.memref_slice %arg8[%sub3A_424, %dma_wait3A_430] : memref<80x128xi32, #tpu.memory_space<vmem>> -> memref<1x128xi32, #tpu.memory_space<vmem>>
        %dma_wait3A_432 = tpu.memref_squeeze %dma_wait3A_431 : memref<1x128xi32, #tpu.memory_space<vmem>> -> memref<128xi32, #tpu.memory_space<vmem>>
        %dma_wait3A_433 = arith.constant 0 : i32
        %dma_wait3A_434 = arith.constant 0 : i32
        %dma_wait3A_435 = tpu.memref_slice %arg10[%dma_wait3A_433, %dma_wait3A_434] : memref<10240x16xf32, #tpu.memory_space<vmem_shared>> -> memref<10240x16xf32, #tpu.memory_space<vmem_shared>>
        tpu.wait_indirect_dma semaphore(%arg24 : memref<!tpu.dma_semaphore, #tpu.memory_space<semaphore_mem>>) src(%dma_wait3A_429 : memref<128x16xf32, #tpu.memory_space<vmem>>) dst(%dma_wait3A_435 : memref<10240x16xf32, #tpu.memory_space<vmem_shared>>)
      } else {
      }
      %add3A_149 = arith.constant 4 : i32
      %add3A_150 = arith.addi %add3A_122, %add3A_149 : i32
      %lt3A_151 = arith.constant 80 : i32
      %lt3A_152 = arith.cmpi slt, %add3A_150, %lt3A_151 : i32
      %convert_element_type3A_153 = arith.extui %lt3A_152 : i1 to i32
      %cond3A_154 = arith.constant 0 : i32
      %cond3A_155 = arith.cmpi ne, %convert_element_type3A_153, %cond3A_154 : i32
      scf.if %cond3A_155 {
        %add3A_422 = arith.constant 4 : i32
        %add3A_423 = arith.addi %add3A_122, %add3A_422 : i32
        %dma_start3A_424 = arith.constant 4 : i32
        %dma_start3A_425 = arith.constant 0 : i32
        %dma_start3A_426 = arith.constant 0 : i32
        %dma_start3A_427 = tpu.memref_slice %arg9[%dma_start3A_424, %dma_start3A_425, %dma_start3A_426] : memref<8x128x16xf32, #tpu.memory_space<vmem>> -> memref<1x128x16xf32, #tpu.memory_space<vmem>>
        %dma_start3A_428 = tpu.memref_squeeze %dma_start3A_427 : memref<1x128x16xf32, #tpu.memory_space<vmem>> -> memref<128x16xf32, #tpu.memory_space<vmem>>
        %dma_start3A_429 = arith.constant 0 : i32
        %dma_start3A_430 = tpu.memref_slice %arg7[%add3A_423, %dma_start3A_429] : memref<80x128xi32, #tpu.memory_space<vmem>> -> memref<1x128xi32, #tpu.memory_space<vmem>>
        %dma_start3A_431 = tpu.memref_squeeze %dma_start3A_430 : memref<1x128xi32, #tpu.memory_space<vmem>> -> memref<128xi32, #tpu.memory_space<vmem>>
        %dma_start3A_432 = arith.constant 0 : i32
        %dma_start3A_433 = arith.constant 0 : i32
        %dma_start3A_434 = tpu.memref_slice %arg11[%dma_start3A_432, %dma_start3A_433] : memref<10240x16xf32, #tpu.memory_space<vmem_shared>> -> memref<10240x16xf32, #tpu.memory_space<vmem_shared>>
        tpu.enqueue_indirect_dma source(%dma_start3A_434 : memref<10240x16xf32, #tpu.memory_space<vmem_shared>>) target(%dma_start3A_428 : memref<128x16xf32, #tpu.memory_space<vmem>>) offsets(%dma_start3A_431 : memref<128xi32, #tpu.memory_space<vmem>>) semaphore(%arg16 : memref<!tpu.dma_semaphore, #tpu.memory_space<semaphore_mem>>)
      } else {
      }
      %mul3A_156 = arith.constant 8 : i32
      %mul3A_157 = arith.muli %scan3A_118, %mul3A_156 : i32
      %add3A_158 = arith.constant 1 : i32
      %add3A_159 = arith.addi %mul3A_157, %add3A_158 : i32
      %dma_wait3A_160 = arith.constant 1 : i32
      %dma_wait3A_161 = arith.constant 0 : i32
      %dma_wait3A_162 = arith.constant 0 : i32
      %dma_wait3A_163 = tpu.memref_slice %arg9[%dma_wait3A_160, %dma_wait3A_161, %dma_wait3A_162] : memref<8x128x16xf32, #tpu.memory_space<vmem>> -> memref<1x128x16xf32, #tpu.memory_space<vmem>>
      %dma_wait3A_164 = tpu.memref_squeeze %dma_wait3A_163 : memref<1x128x16xf32, #tpu.memory_space<vmem>> -> memref<128x16xf32, #tpu.memory_space<vmem>>
      %dma_wait3A_165 = arith.constant 0 : i32
      %dma_wait3A_166 = tpu.memref_slice %arg7[%add3A_159, %dma_wait3A_165] : memref<80x128xi32, #tpu.memory_space<vmem>> -> memref<1x128xi32, #tpu.memory_space<vmem>>
      %dma_wait3A_167 = tpu.memref_squeeze %dma_wait3A_166 : memref<1x128xi32, #tpu.memory_space<vmem>> -> memref<128xi32, #tpu.memory_space<vmem>>
      %dma_wait3A_168 = arith.constant 0 : i32
      %dma_wait3A_169 = arith.constant 0 : i32
      %dma_wait3A_170 = tpu.memref_slice %arg11[%dma_wait3A_168, %dma_wait3A_169] : memref<10240x16xf32, #tpu.memory_space<vmem_shared>> -> memref<10240x16xf32, #tpu.memory_space<vmem_shared>>
      tpu.wait_indirect_dma semaphore(%arg13 : memref<!tpu.dma_semaphore, #tpu.memory_space<semaphore_mem>>) src(%dma_wait3A_170 : memref<10240x16xf32, #tpu.memory_space<vmem_shared>>) dst(%dma_wait3A_164 : memref<128x16xf32, #tpu.memory_space<vmem>>)
      %dma_start3A_171 = arith.constant 1 : i32
      %dma_start3A_172 = arith.constant 0 : i32
      %dma_start3A_173 = arith.constant 0 : i32
      %dma_start3A_174 = tpu.memref_slice %arg9[%dma_start3A_171, %dma_start3A_172, %dma_start3A_173] : memref<8x128x16xf32, #tpu.memory_space<vmem>> -> memref<1x128x16xf32, #tpu.memory_space<vmem>>
      %dma_start3A_175 = tpu.memref_squeeze %dma_start3A_174 : memref<1x128x16xf32, #tpu.memory_space<vmem>> -> memref<128x16xf32, #tpu.memory_space<vmem>>
      %dma_start3A_176 = arith.constant 0 : i32
      %dma_start3A_177 = tpu.memref_slice %arg8[%add3A_159, %dma_start3A_176] : memref<80x128xi32, #tpu.memory_space<vmem>> -> memref<1x128xi32, #tpu.memory_space<vmem>>
      %dma_start3A_178 = tpu.memref_squeeze %dma_start3A_177 : memref<1x128xi32, #tpu.memory_space<vmem>> -> memref<128xi32, #tpu.memory_space<vmem>>
      %dma_start3A_179 = arith.constant 0 : i32
      %dma_start3A_180 = arith.constant 0 : i32
      %dma_start3A_181 = tpu.memref_slice %arg10[%dma_start3A_179, %dma_start3A_180] : memref<10240x16xf32, #tpu.memory_space<vmem_shared>> -> memref<10240x16xf32, #tpu.memory_space<vmem_shared>>
      tpu.enqueue_indirect_dma source(%dma_start3A_175 : memref<128x16xf32, #tpu.memory_space<vmem>>) target(%dma_start3A_181 : memref<10240x16xf32, #tpu.memory_space<vmem_shared>>) offsets(%dma_start3A_178 : memref<128xi32, #tpu.memory_space<vmem>>) semaphore(%arg21 : memref<!tpu.dma_semaphore, #tpu.memory_space<semaphore_mem>>) {add = true}
      %ge3A_182 = arith.constant 4 : i32
      %ge3A_183 = arith.cmpi sge, %add3A_159, %ge3A_182 : i32
      %convert_element_type3A_184 = arith.extui %ge3A_183 : i1 to i32
      %cond3A_185 = arith.constant 0 : i32
      %cond3A_186 = arith.cmpi ne, %convert_element_type3A_184, %cond3A_185 : i32
      scf.if %cond3A_186 {
        %add3A_422 = arith.constant 4 : i32
        %add3A_423 = arith.addi %add3A_159, %add3A_422 : i32
        %sub3A = arith.constant 8 : i32
        %sub3A_424 = arith.subi %add3A_423, %sub3A : i32
        %dma_wait3A_425 = arith.constant 5 : i32
        %dma_wait3A_426 = arith.constant 0 : i32
        %dma_wait3A_427 = arith.constant 0 : i32
        %dma_wait3A_428 = tpu.memref_slice %arg9[%dma_wait3A_425, %dma_wait3A_426, %dma_wait3A_427] : memref<8x128x16xf32, #tpu.memory_space<vmem>> -> memref<1x128x16xf32, #tpu.memory_space<vmem>>
        %dma_wait3A_429 = tpu.memref_squeeze %dma_wait3A_428 : memref<1x128x16xf32, #tpu.memory_space<vmem>> -> memref<128x16xf32, #tpu.memory_space<vmem>>
        %dma_wait3A_430 = arith.constant 0 : i32
        %dma_wait3A_431 = tpu.memref_slice %arg8[%sub3A_424, %dma_wait3A_430] : memref<80x128xi32, #tpu.memory_space<vmem>> -> memref<1x128xi32, #tpu.memory_space<vmem>>
        %dma_wait3A_432 = tpu.memref_squeeze %dma_wait3A_431 : memref<1x128xi32, #tpu.memory_space<vmem>> -> memref<128xi32, #tpu.memory_space<vmem>>
        %dma_wait3A_433 = arith.constant 0 : i32
        %dma_wait3A_434 = arith.constant 0 : i32
        %dma_wait3A_435 = tpu.memref_slice %arg10[%dma_wait3A_433, %dma_wait3A_434] : memref<10240x16xf32, #tpu.memory_space<vmem_shared>> -> memref<10240x16xf32, #tpu.memory_space<vmem_shared>>
        tpu.wait_indirect_dma semaphore(%arg25 : memref<!tpu.dma_semaphore, #tpu.memory_space<semaphore_mem>>) src(%dma_wait3A_429 : memref<128x16xf32, #tpu.memory_space<vmem>>) dst(%dma_wait3A_435 : memref<10240x16xf32, #tpu.memory_space<vmem_shared>>)
      } else {
      }
      %add3A_187 = arith.constant 4 : i32
      %add3A_188 = arith.addi %add3A_159, %add3A_187 : i32
      %lt3A_189 = arith.constant 80 : i32
      %lt3A_190 = arith.cmpi slt, %add3A_188, %lt3A_189 : i32
      %convert_element_type3A_191 = arith.extui %lt3A_190 : i1 to i32
      %cond3A_192 = arith.constant 0 : i32
      %cond3A_193 = arith.cmpi ne, %convert_element_type3A_191, %cond3A_192 : i32
      scf.if %cond3A_193 {
        %add3A_422 = arith.constant 4 : i32
        %add3A_423 = arith.addi %add3A_159, %add3A_422 : i32
        %dma_start3A_424 = arith.constant 5 : i32
        %dma_start3A_425 = arith.constant 0 : i32
        %dma_start3A_426 = arith.constant 0 : i32
        %dma_start3A_427 = tpu.memref_slice %arg9[%dma_start3A_424, %dma_start3A_425, %dma_start3A_426] : memref<8x128x16xf32, #tpu.memory_space<vmem>> -> memref<1x128x16xf32, #tpu.memory_space<vmem>>
        %dma_start3A_428 = tpu.memref_squeeze %dma_start3A_427 : memref<1x128x16xf32, #tpu.memory_space<vmem>> -> memref<128x16xf32, #tpu.memory_space<vmem>>
        %dma_start3A_429 = arith.constant 0 : i32
        %dma_start3A_430 = tpu.memref_slice %arg7[%add3A_423, %dma_start3A_429] : memref<80x128xi32, #tpu.memory_space<vmem>> -> memref<1x128xi32, #tpu.memory_space<vmem>>
        %dma_start3A_431 = tpu.memref_squeeze %dma_start3A_430 : memref<1x128xi32, #tpu.memory_space<vmem>> -> memref<128xi32, #tpu.memory_space<vmem>>
        %dma_start3A_432 = arith.constant 0 : i32
        %dma_start3A_433 = arith.constant 0 : i32
        %dma_start3A_434 = tpu.memref_slice %arg11[%dma_start3A_432, %dma_start3A_433] : memref<10240x16xf32, #tpu.memory_space<vmem_shared>> -> memref<10240x16xf32, #tpu.memory_space<vmem_shared>>
        tpu.enqueue_indirect_dma source(%dma_start3A_434 : memref<10240x16xf32, #tpu.memory_space<vmem_shared>>) target(%dma_start3A_428 : memref<128x16xf32, #tpu.memory_space<vmem>>) offsets(%dma_start3A_431 : memref<128xi32, #tpu.memory_space<vmem>>) semaphore(%arg17 : memref<!tpu.dma_semaphore, #tpu.memory_space<semaphore_mem>>)
      } else {
      }
      %mul3A_194 = arith.constant 8 : i32
      %mul3A_195 = arith.muli %scan3A_118, %mul3A_194 : i32
      %add3A_196 = arith.constant 2 : i32
      %add3A_197 = arith.addi %mul3A_195, %add3A_196 : i32
      %dma_wait3A_198 = arith.constant 2 : i32
      %dma_wait3A_199 = arith.constant 0 : i32
      %dma_wait3A_200 = arith.constant 0 : i32
      %dma_wait3A_201 = tpu.memref_slice %arg9[%dma_wait3A_198, %dma_wait3A_199, %dma_wait3A_200] : memref<8x128x16xf32, #tpu.memory_space<vmem>> -> memref<1x128x16xf32, #tpu.memory_space<vmem>>
      %dma_wait3A_202 = tpu.memref_squeeze %dma_wait3A_201 : memref<1x128x16xf32, #tpu.memory_space<vmem>> -> memref<128x16xf32, #tpu.memory_space<vmem>>
      %dma_wait3A_203 = arith.constant 0 : i32
      %dma_wait3A_204 = tpu.memref_slice %arg7[%add3A_197, %dma_wait3A_203] : memref<80x128xi32, #tpu.memory_space<vmem>> -> memref<1x128xi32, #tpu.memory_space<vmem>>
      %dma_wait3A_205 = tpu.memref_squeeze %dma_wait3A_204 : memref<1x128xi32, #tpu.memory_space<vmem>> -> memref<128xi32, #tpu.memory_space<vmem>>
      %dma_wait3A_206 = arith.constant 0 : i32
      %dma_wait3A_207 = arith.constant 0 : i32
      %dma_wait3A_208 = tpu.memref_slice %arg11[%dma_wait3A_206, %dma_wait3A_207] : memref<10240x16xf32, #tpu.memory_space<vmem_shared>> -> memref<10240x16xf32, #tpu.memory_space<vmem_shared>>
      tpu.wait_indirect_dma semaphore(%arg14 : memref<!tpu.dma_semaphore, #tpu.memory_space<semaphore_mem>>) src(%dma_wait3A_208 : memref<10240x16xf32, #tpu.memory_space<vmem_shared>>) dst(%dma_wait3A_202 : memref<128x16xf32, #tpu.memory_space<vmem>>)
      %dma_start3A_209 = arith.constant 2 : i32
      %dma_start3A_210 = arith.constant 0 : i32
      %dma_start3A_211 = arith.constant 0 : i32
      %dma_start3A_212 = tpu.memref_slice %arg9[%dma_start3A_209, %dma_start3A_210, %dma_start3A_211] : memref<8x128x16xf32, #tpu.memory_space<vmem>> -> memref<1x128x16xf32, #tpu.memory_space<vmem>>
      %dma_start3A_213 = tpu.memref_squeeze %dma_start3A_212 : memref<1x128x16xf32, #tpu.memory_space<vmem>> -> memref<128x16xf32, #tpu.memory_space<vmem>>
      %dma_start3A_214 = arith.constant 0 : i32
      %dma_start3A_215 = tpu.memref_slice %arg8[%add3A_197, %dma_start3A_214] : memref<80x128xi32, #tpu.memory_space<vmem>> -> memref<1x128xi32, #tpu.memory_space<vmem>>
      %dma_start3A_216 = tpu.memref_squeeze %dma_start3A_215 : memref<1x128xi32, #tpu.memory_space<vmem>> -> memref<128xi32, #tpu.memory_space<vmem>>
      %dma_start3A_217 = arith.constant 0 : i32
      %dma_start3A_218 = arith.constant 0 : i32
      %dma_start3A_219 = tpu.memref_slice %arg10[%dma_start3A_217, %dma_start3A_218] : memref<10240x16xf32, #tpu.memory_space<vmem_shared>> -> memref<10240x16xf32, #tpu.memory_space<vmem_shared>>
      tpu.enqueue_indirect_dma source(%dma_start3A_213 : memref<128x16xf32, #tpu.memory_space<vmem>>) target(%dma_start3A_219 : memref<10240x16xf32, #tpu.memory_space<vmem_shared>>) offsets(%dma_start3A_216 : memref<128xi32, #tpu.memory_space<vmem>>) semaphore(%arg22 : memref<!tpu.dma_semaphore, #tpu.memory_space<semaphore_mem>>) {add = true}
      %ge3A_220 = arith.constant 4 : i32
      %ge3A_221 = arith.cmpi sge, %add3A_197, %ge3A_220 : i32
      %convert_element_type3A_222 = arith.extui %ge3A_221 : i1 to i32
      %cond3A_223 = arith.constant 0 : i32
      %cond3A_224 = arith.cmpi ne, %convert_element_type3A_222, %cond3A_223 : i32
      scf.if %cond3A_224 {
        %add3A_422 = arith.constant 4 : i32
        %add3A_423 = arith.addi %add3A_197, %add3A_422 : i32
        %sub3A = arith.constant 8 : i32
        %sub3A_424 = arith.subi %add3A_423, %sub3A : i32
        %dma_wait3A_425 = arith.constant 6 : i32
        %dma_wait3A_426 = arith.constant 0 : i32
        %dma_wait3A_427 = arith.constant 0 : i32
        %dma_wait3A_428 = tpu.memref_slice %arg9[%dma_wait3A_425, %dma_wait3A_426, %dma_wait3A_427] : memref<8x128x16xf32, #tpu.memory_space<vmem>> -> memref<1x128x16xf32, #tpu.memory_space<vmem>>
        %dma_wait3A_429 = tpu.memref_squeeze %dma_wait3A_428 : memref<1x128x16xf32, #tpu.memory_space<vmem>> -> memref<128x16xf32, #tpu.memory_space<vmem>>
        %dma_wait3A_430 = arith.constant 0 : i32
        %dma_wait3A_431 = tpu.memref_slice %arg8[%sub3A_424, %dma_wait3A_430] : memref<80x128xi32, #tpu.memory_space<vmem>> -> memref<1x128xi32, #tpu.memory_space<vmem>>
        %dma_wait3A_432 = tpu.memref_squeeze %dma_wait3A_431 : memref<1x128xi32, #tpu.memory_space<vmem>> -> memref<128xi32, #tpu.memory_space<vmem>>
        %dma_wait3A_433 = arith.constant 0 : i32
        %dma_wait3A_434 = arith.constant 0 : i32
        %dma_wait3A_435 = tpu.memref_slice %arg10[%dma_wait3A_433, %dma_wait3A_434] : memref<10240x16xf32, #tpu.memory_space<vmem_shared>> -> memref<10240x16xf32, #tpu.memory_space<vmem_shared>>
        tpu.wait_indirect_dma semaphore(%arg26 : memref<!tpu.dma_semaphore, #tpu.memory_space<semaphore_mem>>) src(%dma_wait3A_429 : memref<128x16xf32, #tpu.memory_space<vmem>>) dst(%dma_wait3A_435 : memref<10240x16xf32, #tpu.memory_space<vmem_shared>>)
      } else {
      }
      %add3A_225 = arith.constant 4 : i32
      %add3A_226 = arith.addi %add3A_197, %add3A_225 : i32
      %lt3A_227 = arith.constant 80 : i32
      %lt3A_228 = arith.cmpi slt, %add3A_226, %lt3A_227 : i32
      %convert_element_type3A_229 = arith.extui %lt3A_228 : i1 to i32
      %cond3A_230 = arith.constant 0 : i32
      %cond3A_231 = arith.cmpi ne, %convert_element_type3A_229, %cond3A_230 : i32
      scf.if %cond3A_231 {
        %add3A_422 = arith.constant 4 : i32
        %add3A_423 = arith.addi %add3A_197, %add3A_422 : i32
        %dma_start3A_424 = arith.constant 6 : i32
        %dma_start3A_425 = arith.constant 0 : i32
        %dma_start3A_426 = arith.constant 0 : i32
        %dma_start3A_427 = tpu.memref_slice %arg9[%dma_start3A_424, %dma_start3A_425, %dma_start3A_426] : memref<8x128x16xf32, #tpu.memory_space<vmem>> -> memref<1x128x16xf32, #tpu.memory_space<vmem>>
        %dma_start3A_428 = tpu.memref_squeeze %dma_start3A_427 : memref<1x128x16xf32, #tpu.memory_space<vmem>> -> memref<128x16xf32, #tpu.memory_space<vmem>>
        %dma_start3A_429 = arith.constant 0 : i32
        %dma_start3A_430 = tpu.memref_slice %arg7[%add3A_423, %dma_start3A_429] : memref<80x128xi32, #tpu.memory_space<vmem>> -> memref<1x128xi32, #tpu.memory_space<vmem>>
        %dma_start3A_431 = tpu.memref_squeeze %dma_start3A_430 : memref<1x128xi32, #tpu.memory_space<vmem>> -> memref<128xi32, #tpu.memory_space<vmem>>
        %dma_start3A_432 = arith.constant 0 : i32
        %dma_start3A_433 = arith.constant 0 : i32
        %dma_start3A_434 = tpu.memref_slice %arg11[%dma_start3A_432, %dma_start3A_433] : memref<10240x16xf32, #tpu.memory_space<vmem_shared>> -> memref<10240x16xf32, #tpu.memory_space<vmem_shared>>
        tpu.enqueue_indirect_dma source(%dma_start3A_434 : memref<10240x16xf32, #tpu.memory_space<vmem_shared>>) target(%dma_start3A_428 : memref<128x16xf32, #tpu.memory_space<vmem>>) offsets(%dma_start3A_431 : memref<128xi32, #tpu.memory_space<vmem>>) semaphore(%arg18 : memref<!tpu.dma_semaphore, #tpu.memory_space<semaphore_mem>>)
      } else {
      }
      %mul3A_232 = arith.constant 8 : i32
      %mul3A_233 = arith.muli %scan3A_118, %mul3A_232 : i32
      %add3A_234 = arith.constant 3 : i32
      %add3A_235 = arith.addi %mul3A_233, %add3A_234 : i32
      %dma_wait3A_236 = arith.constant 3 : i32
      %dma_wait3A_237 = arith.constant 0 : i32
      %dma_wait3A_238 = arith.constant 0 : i32
      %dma_wait3A_239 = tpu.memref_slice %arg9[%dma_wait3A_236, %dma_wait3A_237, %dma_wait3A_238] : memref<8x128x16xf32, #tpu.memory_space<vmem>> -> memref<1x128x16xf32, #tpu.memory_space<vmem>>
      %dma_wait3A_240 = tpu.memref_squeeze %dma_wait3A_239 : memref<1x128x16xf32, #tpu.memory_space<vmem>> -> memref<128x16xf32, #tpu.memory_space<vmem>>
      %dma_wait3A_241 = arith.constant 0 : i32
      %dma_wait3A_242 = tpu.memref_slice %arg7[%add3A_235, %dma_wait3A_241] : memref<80x128xi32, #tpu.memory_space<vmem>> -> memref<1x128xi32, #tpu.memory_space<vmem>>
      %dma_wait3A_243 = tpu.memref_squeeze %dma_wait3A_242 : memref<1x128xi32, #tpu.memory_space<vmem>> -> memref<128xi32, #tpu.memory_space<vmem>>
      %dma_wait3A_244 = arith.constant 0 : i32
      %dma_wait3A_245 = arith.constant 0 : i32
      %dma_wait3A_246 = tpu.memref_slice %arg11[%dma_wait3A_244, %dma_wait3A_245] : memref<10240x16xf32, #tpu.memory_space<vmem_shared>> -> memref<10240x16xf32, #tpu.memory_space<vmem_shared>>
      tpu.wait_indirect_dma semaphore(%arg15 : memref<!tpu.dma_semaphore, #tpu.memory_space<semaphore_mem>>) src(%dma_wait3A_246 : memref<10240x16xf32, #tpu.memory_space<vmem_shared>>) dst(%dma_wait3A_240 : memref<128x16xf32, #tpu.memory_space<vmem>>)
      %dma_start3A_247 = arith.constant 3 : i32
      %dma_start3A_248 = arith.constant 0 : i32
      %dma_start3A_249 = arith.constant 0 : i32
      %dma_start3A_250 = tpu.memref_slice %arg9[%dma_start3A_247, %dma_start3A_248, %dma_start3A_249] : memref<8x128x16xf32, #tpu.memory_space<vmem>> -> memref<1x128x16xf32, #tpu.memory_space<vmem>>
      %dma_start3A_251 = tpu.memref_squeeze %dma_start3A_250 : memref<1x128x16xf32, #tpu.memory_space<vmem>> -> memref<128x16xf32, #tpu.memory_space<vmem>>
      %dma_start3A_252 = arith.constant 0 : i32
      %dma_start3A_253 = tpu.memref_slice %arg8[%add3A_235, %dma_start3A_252] : memref<80x128xi32, #tpu.memory_space<vmem>> -> memref<1x128xi32, #tpu.memory_space<vmem>>
      %dma_start3A_254 = tpu.memref_squeeze %dma_start3A_253 : memref<1x128xi32, #tpu.memory_space<vmem>> -> memref<128xi32, #tpu.memory_space<vmem>>
      %dma_start3A_255 = arith.constant 0 : i32
      %dma_start3A_256 = arith.constant 0 : i32
      %dma_start3A_257 = tpu.memref_slice %arg10[%dma_start3A_255, %dma_start3A_256] : memref<10240x16xf32, #tpu.memory_space<vmem_shared>> -> memref<10240x16xf32, #tpu.memory_space<vmem_shared>>
      tpu.enqueue_indirect_dma source(%dma_start3A_251 : memref<128x16xf32, #tpu.memory_space<vmem>>) target(%dma_start3A_257 : memref<10240x16xf32, #tpu.memory_space<vmem_shared>>) offsets(%dma_start3A_254 : memref<128xi32, #tpu.memory_space<vmem>>) semaphore(%arg23 : memref<!tpu.dma_semaphore, #tpu.memory_space<semaphore_mem>>) {add = true}
      %ge3A_258 = arith.constant 4 : i32
      %ge3A_259 = arith.cmpi sge, %add3A_235, %ge3A_258 : i32
      %convert_element_type3A_260 = arith.extui %ge3A_259 : i1 to i32
      %cond3A_261 = arith.constant 0 : i32
      %cond3A_262 = arith.cmpi ne, %convert_element_type3A_260, %cond3A_261 : i32
      scf.if %cond3A_262 {
        %add3A_422 = arith.constant 4 : i32
        %add3A_423 = arith.addi %add3A_235, %add3A_422 : i32
        %sub3A = arith.constant 8 : i32
        %sub3A_424 = arith.subi %add3A_423, %sub3A : i32
        %dma_wait3A_425 = arith.constant 7 : i32
        %dma_wait3A_426 = arith.constant 0 : i32
        %dma_wait3A_427 = arith.constant 0 : i32
        %dma_wait3A_428 = tpu.memref_slice %arg9[%dma_wait3A_425, %dma_wait3A_426, %dma_wait3A_427] : memref<8x128x16xf32, #tpu.memory_space<vmem>> -> memref<1x128x16xf32, #tpu.memory_space<vmem>>
        %dma_wait3A_429 = tpu.memref_squeeze %dma_wait3A_428 : memref<1x128x16xf32, #tpu.memory_space<vmem>> -> memref<128x16xf32, #tpu.memory_space<vmem>>
        %dma_wait3A_430 = arith.constant 0 : i32
        %dma_wait3A_431 = tpu.memref_slice %arg8[%sub3A_424, %dma_wait3A_430] : memref<80x128xi32, #tpu.memory_space<vmem>> -> memref<1x128xi32, #tpu.memory_space<vmem>>
        %dma_wait3A_432 = tpu.memref_squeeze %dma_wait3A_431 : memref<1x128xi32, #tpu.memory_space<vmem>> -> memref<128xi32, #tpu.memory_space<vmem>>
        %dma_wait3A_433 = arith.constant 0 : i32
        %dma_wait3A_434 = arith.constant 0 : i32
        %dma_wait3A_435 = tpu.memref_slice %arg10[%dma_wait3A_433, %dma_wait3A_434] : memref<10240x16xf32, #tpu.memory_space<vmem_shared>> -> memref<10240x16xf32, #tpu.memory_space<vmem_shared>>
        tpu.wait_indirect_dma semaphore(%arg27 : memref<!tpu.dma_semaphore, #tpu.memory_space<semaphore_mem>>) src(%dma_wait3A_429 : memref<128x16xf32, #tpu.memory_space<vmem>>) dst(%dma_wait3A_435 : memref<10240x16xf32, #tpu.memory_space<vmem_shared>>)
      } else {
      }
      %add3A_263 = arith.constant 4 : i32
      %add3A_264 = arith.addi %add3A_235, %add3A_263 : i32
      %lt3A_265 = arith.constant 80 : i32
      %lt3A_266 = arith.cmpi slt, %add3A_264, %lt3A_265 : i32
      %convert_element_type3A_267 = arith.extui %lt3A_266 : i1 to i32
      %cond3A_268 = arith.constant 0 : i32
      %cond3A_269 = arith.cmpi ne, %convert_element_type3A_267, %cond3A_268 : i32
      scf.if %cond3A_269 {
        %add3A_422 = arith.constant 4 : i32
        %add3A_423 = arith.addi %add3A_235, %add3A_422 : i32
        %dma_start3A_424 = arith.constant 7 : i32
        %dma_start3A_425 = arith.constant 0 : i32
        %dma_start3A_426 = arith.constant 0 : i32
        %dma_start3A_427 = tpu.memref_slice %arg9[%dma_start3A_424, %dma_start3A_425, %dma_start3A_426] : memref<8x128x16xf32, #tpu.memory_space<vmem>> -> memref<1x128x16xf32, #tpu.memory_space<vmem>>
        %dma_start3A_428 = tpu.memref_squeeze %dma_start3A_427 : memref<1x128x16xf32, #tpu.memory_space<vmem>> -> memref<128x16xf32, #tpu.memory_space<vmem>>
        %dma_start3A_429 = arith.constant 0 : i32
        %dma_start3A_430 = tpu.memref_slice %arg7[%add3A_423, %dma_start3A_429] : memref<80x128xi32, #tpu.memory_space<vmem>> -> memref<1x128xi32, #tpu.memory_space<vmem>>
        %dma_start3A_431 = tpu.memref_squeeze %dma_start3A_430 : memref<1x128xi32, #tpu.memory_space<vmem>> -> memref<128xi32, #tpu.memory_space<vmem>>
        %dma_start3A_432 = arith.constant 0 : i32
        %dma_start3A_433 = arith.constant 0 : i32
        %dma_start3A_434 = tpu.memref_slice %arg11[%dma_start3A_432, %dma_start3A_433] : memref<10240x16xf32, #tpu.memory_space<vmem_shared>> -> memref<10240x16xf32, #tpu.memory_space<vmem_shared>>
        tpu.enqueue_indirect_dma source(%dma_start3A_434 : memref<10240x16xf32, #tpu.memory_space<vmem_shared>>) target(%dma_start3A_428 : memref<128x16xf32, #tpu.memory_space<vmem>>) offsets(%dma_start3A_431 : memref<128xi32, #tpu.memory_space<vmem>>) semaphore(%arg19 : memref<!tpu.dma_semaphore, #tpu.memory_space<semaphore_mem>>)
      } else {
      }
      %mul3A_270 = arith.constant 8 : i32
      %mul3A_271 = arith.muli %scan3A_118, %mul3A_270 : i32
      %add3A_272 = arith.constant 4 : i32
      %add3A_273 = arith.addi %mul3A_271, %add3A_272 : i32
      %dma_wait3A_274 = arith.constant 4 : i32
      %dma_wait3A_275 = arith.constant 0 : i32
      %dma_wait3A_276 = arith.constant 0 : i32
      %dma_wait3A_277 = tpu.memref_slice %arg9[%dma_wait3A_274, %dma_wait3A_275, %dma_wait3A_276] : memref<8x128x16xf32, #tpu.memory_space<vmem>> -> memref<1x128x16xf32, #tpu.memory_space<vmem>>
      %dma_wait3A_278 = tpu.memref_squeeze %dma_wait3A_277 : memref<1x128x16xf32, #tpu.memory_space<vmem>> -> memref<128x16xf32, #tpu.memory_space<vmem>>
      %dma_wait3A_279 = arith.constant 0 : i32
      %dma_wait3A_280 = tpu.memref_slice %arg7[%add3A_273, %dma_wait3A_279] : memref<80x128xi32, #tpu.memory_space<vmem>> -> memref<1x128xi32, #tpu.memory_space<vmem>>
      %dma_wait3A_281 = tpu.memref_squeeze %dma_wait3A_280 : memref<1x128xi32, #tpu.memory_space<vmem>> -> memref<128xi32, #tpu.memory_space<vmem>>
      %dma_wait3A_282 = arith.constant 0 : i32
      %dma_wait3A_283 = arith.constant 0 : i32
      %dma_wait3A_284 = tpu.memref_slice %arg11[%dma_wait3A_282, %dma_wait3A_283] : memref<10240x16xf32, #tpu.memory_space<vmem_shared>> -> memref<10240x16xf32, #tpu.memory_space<vmem_shared>>
      tpu.wait_indirect_dma semaphore(%arg16 : memref<!tpu.dma_semaphore, #tpu.memory_space<semaphore_mem>>) src(%dma_wait3A_284 : memref<10240x16xf32, #tpu.memory_space<vmem_shared>>) dst(%dma_wait3A_278 : memref<128x16xf32, #tpu.memory_space<vmem>>)
      %dma_start3A_285 = arith.constant 4 : i32
      %dma_start3A_286 = arith.constant 0 : i32
      %dma_start3A_287 = arith.constant 0 : i32
      %dma_start3A_288 = tpu.memref_slice %arg9[%dma_start3A_285, %dma_start3A_286, %dma_start3A_287] : memref<8x128x16xf32, #tpu.memory_space<vmem>> -> memref<1x128x16xf32, #tpu.memory_space<vmem>>
      %dma_start3A_289 = tpu.memref_squeeze %dma_start3A_288 : memref<1x128x16xf32, #tpu.memory_space<vmem>> -> memref<128x16xf32, #tpu.memory_space<vmem>>
      %dma_start3A_290 = arith.constant 0 : i32
      %dma_start3A_291 = tpu.memref_slice %arg8[%add3A_273, %dma_start3A_290] : memref<80x128xi32, #tpu.memory_space<vmem>> -> memref<1x128xi32, #tpu.memory_space<vmem>>
      %dma_start3A_292 = tpu.memref_squeeze %dma_start3A_291 : memref<1x128xi32, #tpu.memory_space<vmem>> -> memref<128xi32, #tpu.memory_space<vmem>>
      %dma_start3A_293 = arith.constant 0 : i32
      %dma_start3A_294 = arith.constant 0 : i32
      %dma_start3A_295 = tpu.memref_slice %arg10[%dma_start3A_293, %dma_start3A_294] : memref<10240x16xf32, #tpu.memory_space<vmem_shared>> -> memref<10240x16xf32, #tpu.memory_space<vmem_shared>>
      tpu.enqueue_indirect_dma source(%dma_start3A_289 : memref<128x16xf32, #tpu.memory_space<vmem>>) target(%dma_start3A_295 : memref<10240x16xf32, #tpu.memory_space<vmem_shared>>) offsets(%dma_start3A_292 : memref<128xi32, #tpu.memory_space<vmem>>) semaphore(%arg24 : memref<!tpu.dma_semaphore, #tpu.memory_space<semaphore_mem>>) {add = true}
      %ge3A_296 = arith.constant 4 : i32
      %ge3A_297 = arith.cmpi sge, %add3A_273, %ge3A_296 : i32
      %convert_element_type3A_298 = arith.extui %ge3A_297 : i1 to i32
      %cond3A_299 = arith.constant 0 : i32
      %cond3A_300 = arith.cmpi ne, %convert_element_type3A_298, %cond3A_299 : i32
      scf.if %cond3A_300 {
        %add3A_422 = arith.constant 4 : i32
        %add3A_423 = arith.addi %add3A_273, %add3A_422 : i32
        %sub3A = arith.constant 8 : i32
        %sub3A_424 = arith.subi %add3A_423, %sub3A : i32
        %dma_wait3A_425 = arith.constant 0 : i32
        %dma_wait3A_426 = arith.constant 0 : i32
        %dma_wait3A_427 = arith.constant 0 : i32
        %dma_wait3A_428 = tpu.memref_slice %arg9[%dma_wait3A_425, %dma_wait3A_426, %dma_wait3A_427] : memref<8x128x16xf32, #tpu.memory_space<vmem>> -> memref<1x128x16xf32, #tpu.memory_space<vmem>>
        %dma_wait3A_429 = tpu.memref_squeeze %dma_wait3A_428 : memref<1x128x16xf32, #tpu.memory_space<vmem>> -> memref<128x16xf32, #tpu.memory_space<vmem>>
        %dma_wait3A_430 = arith.constant 0 : i32
        %dma_wait3A_431 = tpu.memref_slice %arg8[%sub3A_424, %dma_wait3A_430] : memref<80x128xi32, #tpu.memory_space<vmem>> -> memref<1x128xi32, #tpu.memory_space<vmem>>
        %dma_wait3A_432 = tpu.memref_squeeze %dma_wait3A_431 : memref<1x128xi32, #tpu.memory_space<vmem>> -> memref<128xi32, #tpu.memory_space<vmem>>
        %dma_wait3A_433 = arith.constant 0 : i32
        %dma_wait3A_434 = arith.constant 0 : i32
        %dma_wait3A_435 = tpu.memref_slice %arg10[%dma_wait3A_433, %dma_wait3A_434] : memref<10240x16xf32, #tpu.memory_space<vmem_shared>> -> memref<10240x16xf32, #tpu.memory_space<vmem_shared>>
        tpu.wait_indirect_dma semaphore(%arg20 : memref<!tpu.dma_semaphore, #tpu.memory_space<semaphore_mem>>) src(%dma_wait3A_429 : memref<128x16xf32, #tpu.memory_space<vmem>>) dst(%dma_wait3A_435 : memref<10240x16xf32, #tpu.memory_space<vmem_shared>>)
      } else {
      }
      %add3A_301 = arith.constant 4 : i32
      %add3A_302 = arith.addi %add3A_273, %add3A_301 : i32
      %lt3A_303 = arith.constant 80 : i32
      %lt3A_304 = arith.cmpi slt, %add3A_302, %lt3A_303 : i32
      %convert_element_type3A_305 = arith.extui %lt3A_304 : i1 to i32
      %cond3A_306 = arith.constant 0 : i32
      %cond3A_307 = arith.cmpi ne, %convert_element_type3A_305, %cond3A_306 : i32
      scf.if %cond3A_307 {
        %add3A_422 = arith.constant 4 : i32
        %add3A_423 = arith.addi %add3A_273, %add3A_422 : i32
        %dma_start3A_424 = arith.constant 0 : i32
        %dma_start3A_425 = arith.constant 0 : i32
        %dma_start3A_426 = arith.constant 0 : i32
        %dma_start3A_427 = tpu.memref_slice %arg9[%dma_start3A_424, %dma_start3A_425, %dma_start3A_426] : memref<8x128x16xf32, #tpu.memory_space<vmem>> -> memref<1x128x16xf32, #tpu.memory_space<vmem>>
        %dma_start3A_428 = tpu.memref_squeeze %dma_start3A_427 : memref<1x128x16xf32, #tpu.memory_space<vmem>> -> memref<128x16xf32, #tpu.memory_space<vmem>>
        %dma_start3A_429 = arith.constant 0 : i32
        %dma_start3A_430 = tpu.memref_slice %arg7[%add3A_423, %dma_start3A_429] : memref<80x128xi32, #tpu.memory_space<vmem>> -> memref<1x128xi32, #tpu.memory_space<vmem>>
        %dma_start3A_431 = tpu.memref_squeeze %dma_start3A_430 : memref<1x128xi32, #tpu.memory_space<vmem>> -> memref<128xi32, #tpu.memory_space<vmem>>
        %dma_start3A_432 = arith.constant 0 : i32
        %dma_start3A_433 = arith.constant 0 : i32
        %dma_start3A_434 = tpu.memref_slice %arg11[%dma_start3A_432, %dma_start3A_433] : memref<10240x16xf32, #tpu.memory_space<vmem_shared>> -> memref<10240x16xf32, #tpu.memory_space<vmem_shared>>
        tpu.enqueue_indirect_dma source(%dma_start3A_434 : memref<10240x16xf32, #tpu.memory_space<vmem_shared>>) target(%dma_start3A_428 : memref<128x16xf32, #tpu.memory_space<vmem>>) offsets(%dma_start3A_431 : memref<128xi32, #tpu.memory_space<vmem>>) semaphore(%arg12 : memref<!tpu.dma_semaphore, #tpu.memory_space<semaphore_mem>>)
      } else {
      }
      %mul3A_308 = arith.constant 8 : i32
      %mul3A_309 = arith.muli %scan3A_118, %mul3A_308 : i32
      %add3A_310 = arith.constant 5 : i32
      %add3A_311 = arith.addi %mul3A_309, %add3A_310 : i32
      %dma_wait3A_312 = arith.constant 5 : i32
      %dma_wait3A_313 = arith.constant 0 : i32
      %dma_wait3A_314 = arith.constant 0 : i32
      %dma_wait3A_315 = tpu.memref_slice %arg9[%dma_wait3A_312, %dma_wait3A_313, %dma_wait3A_314] : memref<8x128x16xf32, #tpu.memory_space<vmem>> -> memref<1x128x16xf32, #tpu.memory_space<vmem>>
      %dma_wait3A_316 = tpu.memref_squeeze %dma_wait3A_315 : memref<1x128x16xf32, #tpu.memory_space<vmem>> -> memref<128x16xf32, #tpu.memory_space<vmem>>
      %dma_wait3A_317 = arith.constant 0 : i32
      %dma_wait3A_318 = tpu.memref_slice %arg7[%add3A_311, %dma_wait3A_317] : memref<80x128xi32, #tpu.memory_space<vmem>> -> memref<1x128xi32, #tpu.memory_space<vmem>>
      %dma_wait3A_319 = tpu.memref_squeeze %dma_wait3A_318 : memref<1x128xi32, #tpu.memory_space<vmem>> -> memref<128xi32, #tpu.memory_space<vmem>>
      %dma_wait3A_320 = arith.constant 0 : i32
      %dma_wait3A_321 = arith.constant 0 : i32
      %dma_wait3A_322 = tpu.memref_slice %arg11[%dma_wait3A_320, %dma_wait3A_321] : memref<10240x16xf32, #tpu.memory_space<vmem_shared>> -> memref<10240x16xf32, #tpu.memory_space<vmem_shared>>
      tpu.wait_indirect_dma semaphore(%arg17 : memref<!tpu.dma_semaphore, #tpu.memory_space<semaphore_mem>>) src(%dma_wait3A_322 : memref<10240x16xf32, #tpu.memory_space<vmem_shared>>) dst(%dma_wait3A_316 : memref<128x16xf32, #tpu.memory_space<vmem>>)
      %dma_start3A_323 = arith.constant 5 : i32
      %dma_start3A_324 = arith.constant 0 : i32
      %dma_start3A_325 = arith.constant 0 : i32
      %dma_start3A_326 = tpu.memref_slice %arg9[%dma_start3A_323, %dma_start3A_324, %dma_start3A_325] : memref<8x128x16xf32, #tpu.memory_space<vmem>> -> memref<1x128x16xf32, #tpu.memory_space<vmem>>
      %dma_start3A_327 = tpu.memref_squeeze %dma_start3A_326 : memref<1x128x16xf32, #tpu.memory_space<vmem>> -> memref<128x16xf32, #tpu.memory_space<vmem>>
      %dma_start3A_328 = arith.constant 0 : i32
      %dma_start3A_329 = tpu.memref_slice %arg8[%add3A_311, %dma_start3A_328] : memref<80x128xi32, #tpu.memory_space<vmem>> -> memref<1x128xi32, #tpu.memory_space<vmem>>
      %dma_start3A_330 = tpu.memref_squeeze %dma_start3A_329 : memref<1x128xi32, #tpu.memory_space<vmem>> -> memref<128xi32, #tpu.memory_space<vmem>>
      %dma_start3A_331 = arith.constant 0 : i32
      %dma_start3A_332 = arith.constant 0 : i32
      %dma_start3A_333 = tpu.memref_slice %arg10[%dma_start3A_331, %dma_start3A_332] : memref<10240x16xf32, #tpu.memory_space<vmem_shared>> -> memref<10240x16xf32, #tpu.memory_space<vmem_shared>>
      tpu.enqueue_indirect_dma source(%dma_start3A_327 : memref<128x16xf32, #tpu.memory_space<vmem>>) target(%dma_start3A_333 : memref<10240x16xf32, #tpu.memory_space<vmem_shared>>) offsets(%dma_start3A_330 : memref<128xi32, #tpu.memory_space<vmem>>) semaphore(%arg25 : memref<!tpu.dma_semaphore, #tpu.memory_space<semaphore_mem>>) {add = true}
      %ge3A_334 = arith.constant 4 : i32
      %ge3A_335 = arith.cmpi sge, %add3A_311, %ge3A_334 : i32
      %convert_element_type3A_336 = arith.extui %ge3A_335 : i1 to i32
      %cond3A_337 = arith.constant 0 : i32
      %cond3A_338 = arith.cmpi ne, %convert_element_type3A_336, %cond3A_337 : i32
      scf.if %cond3A_338 {
        %add3A_422 = arith.constant 4 : i32
        %add3A_423 = arith.addi %add3A_311, %add3A_422 : i32
        %sub3A = arith.constant 8 : i32
        %sub3A_424 = arith.subi %add3A_423, %sub3A : i32
        %dma_wait3A_425 = arith.constant 1 : i32
        %dma_wait3A_426 = arith.constant 0 : i32
        %dma_wait3A_427 = arith.constant 0 : i32
        %dma_wait3A_428 = tpu.memref_slice %arg9[%dma_wait3A_425, %dma_wait3A_426, %dma_wait3A_427] : memref<8x128x16xf32, #tpu.memory_space<vmem>> -> memref<1x128x16xf32, #tpu.memory_space<vmem>>
        %dma_wait3A_429 = tpu.memref_squeeze %dma_wait3A_428 : memref<1x128x16xf32, #tpu.memory_space<vmem>> -> memref<128x16xf32, #tpu.memory_space<vmem>>
        %dma_wait3A_430 = arith.constant 0 : i32
        %dma_wait3A_431 = tpu.memref_slice %arg8[%sub3A_424, %dma_wait3A_430] : memref<80x128xi32, #tpu.memory_space<vmem>> -> memref<1x128xi32, #tpu.memory_space<vmem>>
        %dma_wait3A_432 = tpu.memref_squeeze %dma_wait3A_431 : memref<1x128xi32, #tpu.memory_space<vmem>> -> memref<128xi32, #tpu.memory_space<vmem>>
        %dma_wait3A_433 = arith.constant 0 : i32
        %dma_wait3A_434 = arith.constant 0 : i32
        %dma_wait3A_435 = tpu.memref_slice %arg10[%dma_wait3A_433, %dma_wait3A_434] : memref<10240x16xf32, #tpu.memory_space<vmem_shared>> -> memref<10240x16xf32, #tpu.memory_space<vmem_shared>>
        tpu.wait_indirect_dma semaphore(%arg21 : memref<!tpu.dma_semaphore, #tpu.memory_space<semaphore_mem>>) src(%dma_wait3A_429 : memref<128x16xf32, #tpu.memory_space<vmem>>) dst(%dma_wait3A_435 : memref<10240x16xf32, #tpu.memory_space<vmem_shared>>)
      } else {
      }
      %add3A_339 = arith.constant 4 : i32
      %add3A_340 = arith.addi %add3A_311, %add3A_339 : i32
      %lt3A_341 = arith.constant 80 : i32
      %lt3A_342 = arith.cmpi slt, %add3A_340, %lt3A_341 : i32
      %convert_element_type3A_343 = arith.extui %lt3A_342 : i1 to i32
      %cond3A_344 = arith.constant 0 : i32
      %cond3A_345 = arith.cmpi ne, %convert_element_type3A_343, %cond3A_344 : i32
      scf.if %cond3A_345 {
        %add3A_422 = arith.constant 4 : i32
        %add3A_423 = arith.addi %add3A_311, %add3A_422 : i32
        %dma_start3A_424 = arith.constant 1 : i32
        %dma_start3A_425 = arith.constant 0 : i32
        %dma_start3A_426 = arith.constant 0 : i32
        %dma_start3A_427 = tpu.memref_slice %arg9[%dma_start3A_424, %dma_start3A_425, %dma_start3A_426] : memref<8x128x16xf32, #tpu.memory_space<vmem>> -> memref<1x128x16xf32, #tpu.memory_space<vmem>>
        %dma_start3A_428 = tpu.memref_squeeze %dma_start3A_427 : memref<1x128x16xf32, #tpu.memory_space<vmem>> -> memref<128x16xf32, #tpu.memory_space<vmem>>
        %dma_start3A_429 = arith.constant 0 : i32
        %dma_start3A_430 = tpu.memref_slice %arg7[%add3A_423, %dma_start3A_429] : memref<80x128xi32, #tpu.memory_space<vmem>> -> memref<1x128xi32, #tpu.memory_space<vmem>>
        %dma_start3A_431 = tpu.memref_squeeze %dma_start3A_430 : memref<1x128xi32, #tpu.memory_space<vmem>> -> memref<128xi32, #tpu.memory_space<vmem>>
        %dma_start3A_432 = arith.constant 0 : i32
        %dma_start3A_433 = arith.constant 0 : i32
        %dma_start3A_434 = tpu.memref_slice %arg11[%dma_start3A_432, %dma_start3A_433] : memref<10240x16xf32, #tpu.memory_space<vmem_shared>> -> memref<10240x16xf32, #tpu.memory_space<vmem_shared>>
        tpu.enqueue_indirect_dma source(%dma_start3A_434 : memref<10240x16xf32, #tpu.memory_space<vmem_shared>>) target(%dma_start3A_428 : memref<128x16xf32, #tpu.memory_space<vmem>>) offsets(%dma_start3A_431 : memref<128xi32, #tpu.memory_space<vmem>>) semaphore(%arg13 : memref<!tpu.dma_semaphore, #tpu.memory_space<semaphore_mem>>)
      } else {
      }
      %mul3A_346 = arith.constant 8 : i32
      %mul3A_347 = arith.muli %scan3A_118, %mul3A_346 : i32
      %add3A_348 = arith.constant 6 : i32
      %add3A_349 = arith.addi %mul3A_347, %add3A_348 : i32
      %dma_wait3A_350 = arith.constant 6 : i32
      %dma_wait3A_351 = arith.constant 0 : i32
      %dma_wait3A_352 = arith.constant 0 : i32
      %dma_wait3A_353 = tpu.memref_slice %arg9[%dma_wait3A_350, %dma_wait3A_351, %dma_wait3A_352] : memref<8x128x16xf32, #tpu.memory_space<vmem>> -> memref<1x128x16xf32, #tpu.memory_space<vmem>>
      %dma_wait3A_354 = tpu.memref_squeeze %dma_wait3A_353 : memref<1x128x16xf32, #tpu.memory_space<vmem>> -> memref<128x16xf32, #tpu.memory_space<vmem>>
      %dma_wait3A_355 = arith.constant 0 : i32
      %dma_wait3A_356 = tpu.memref_slice %arg7[%add3A_349, %dma_wait3A_355] : memref<80x128xi32, #tpu.memory_space<vmem>> -> memref<1x128xi32, #tpu.memory_space<vmem>>
      %dma_wait3A_357 = tpu.memref_squeeze %dma_wait3A_356 : memref<1x128xi32, #tpu.memory_space<vmem>> -> memref<128xi32, #tpu.memory_space<vmem>>
      %dma_wait3A_358 = arith.constant 0 : i32
      %dma_wait3A_359 = arith.constant 0 : i32
      %dma_wait3A_360 = tpu.memref_slice %arg11[%dma_wait3A_358, %dma_wait3A_359] : memref<10240x16xf32, #tpu.memory_space<vmem_shared>> -> memref<10240x16xf32, #tpu.memory_space<vmem_shared>>
      tpu.wait_indirect_dma semaphore(%arg18 : memref<!tpu.dma_semaphore, #tpu.memory_space<semaphore_mem>>) src(%dma_wait3A_360 : memref<10240x16xf32, #tpu.memory_space<vmem_shared>>) dst(%dma_wait3A_354 : memref<128x16xf32, #tpu.memory_space<vmem>>)
      %dma_start3A_361 = arith.constant 6 : i32
      %dma_start3A_362 = arith.constant 0 : i32
      %dma_start3A_363 = arith.constant 0 : i32
      %dma_start3A_364 = tpu.memref_slice %arg9[%dma_start3A_361, %dma_start3A_362, %dma_start3A_363] : memref<8x128x16xf32, #tpu.memory_space<vmem>> -> memref<1x128x16xf32, #tpu.memory_space<vmem>>
      %dma_start3A_365 = tpu.memref_squeeze %dma_start3A_364 : memref<1x128x16xf32, #tpu.memory_space<vmem>> -> memref<128x16xf32, #tpu.memory_space<vmem>>
      %dma_start3A_366 = arith.constant 0 : i32
      %dma_start3A_367 = tpu.memref_slice %arg8[%add3A_349, %dma_start3A_366] : memref<80x128xi32, #tpu.memory_space<vmem>> -> memref<1x128xi32, #tpu.memory_space<vmem>>
      %dma_start3A_368 = tpu.memref_squeeze %dma_start3A_367 : memref<1x128xi32, #tpu.memory_space<vmem>> -> memref<128xi32, #tpu.memory_space<vmem>>
      %dma_start3A_369 = arith.constant 0 : i32
      %dma_start3A_370 = arith.constant 0 : i32
      %dma_start3A_371 = tpu.memref_slice %arg10[%dma_start3A_369, %dma_start3A_370] : memref<10240x16xf32, #tpu.memory_space<vmem_shared>> -> memref<10240x16xf32, #tpu.memory_space<vmem_shared>>
      tpu.enqueue_indirect_dma source(%dma_start3A_365 : memref<128x16xf32, #tpu.memory_space<vmem>>) target(%dma_start3A_371 : memref<10240x16xf32, #tpu.memory_space<vmem_shared>>) offsets(%dma_start3A_368 : memref<128xi32, #tpu.memory_space<vmem>>) semaphore(%arg26 : memref<!tpu.dma_semaphore, #tpu.memory_space<semaphore_mem>>) {add = true}
      %ge3A_372 = arith.constant 4 : i32
      %ge3A_373 = arith.cmpi sge, %add3A_349, %ge3A_372 : i32
      %convert_element_type3A_374 = arith.extui %ge3A_373 : i1 to i32
      %cond3A_375 = arith.constant 0 : i32
      %cond3A_376 = arith.cmpi ne, %convert_element_type3A_374, %cond3A_375 : i32
      scf.if %cond3A_376 {
        %add3A_422 = arith.constant 4 : i32
        %add3A_423 = arith.addi %add3A_349, %add3A_422 : i32
        %sub3A = arith.constant 8 : i32
        %sub3A_424 = arith.subi %add3A_423, %sub3A : i32
        %dma_wait3A_425 = arith.constant 2 : i32
        %dma_wait3A_426 = arith.constant 0 : i32
        %dma_wait3A_427 = arith.constant 0 : i32
        %dma_wait3A_428 = tpu.memref_slice %arg9[%dma_wait3A_425, %dma_wait3A_426, %dma_wait3A_427] : memref<8x128x16xf32, #tpu.memory_space<vmem>> -> memref<1x128x16xf32, #tpu.memory_space<vmem>>
        %dma_wait3A_429 = tpu.memref_squeeze %dma_wait3A_428 : memref<1x128x16xf32, #tpu.memory_space<vmem>> -> memref<128x16xf32, #tpu.memory_space<vmem>>
        %dma_wait3A_430 = arith.constant 0 : i32
        %dma_wait3A_431 = tpu.memref_slice %arg8[%sub3A_424, %dma_wait3A_430] : memref<80x128xi32, #tpu.memory_space<vmem>> -> memref<1x128xi32, #tpu.memory_space<vmem>>
        %dma_wait3A_432 = tpu.memref_squeeze %dma_wait3A_431 : memref<1x128xi32, #tpu.memory_space<vmem>> -> memref<128xi32, #tpu.memory_space<vmem>>
        %dma_wait3A_433 = arith.constant 0 : i32
        %dma_wait3A_434 = arith.constant 0 : i32
        %dma_wait3A_435 = tpu.memref_slice %arg10[%dma_wait3A_433, %dma_wait3A_434] : memref<10240x16xf32, #tpu.memory_space<vmem_shared>> -> memref<10240x16xf32, #tpu.memory_space<vmem_shared>>
        tpu.wait_indirect_dma semaphore(%arg22 : memref<!tpu.dma_semaphore, #tpu.memory_space<semaphore_mem>>) src(%dma_wait3A_429 : memref<128x16xf32, #tpu.memory_space<vmem>>) dst(%dma_wait3A_435 : memref<10240x16xf32, #tpu.memory_space<vmem_shared>>)
      } else {
      }
      %add3A_377 = arith.constant 4 : i32
      %add3A_378 = arith.addi %add3A_349, %add3A_377 : i32
      %lt3A_379 = arith.constant 80 : i32
      %lt3A_380 = arith.cmpi slt, %add3A_378, %lt3A_379 : i32
      %convert_element_type3A_381 = arith.extui %lt3A_380 : i1 to i32
      %cond3A_382 = arith.constant 0 : i32
      %cond3A_383 = arith.cmpi ne, %convert_element_type3A_381, %cond3A_382 : i32
      scf.if %cond3A_383 {
        %add3A_422 = arith.constant 4 : i32
        %add3A_423 = arith.addi %add3A_349, %add3A_422 : i32
        %dma_start3A_424 = arith.constant 2 : i32
        %dma_start3A_425 = arith.constant 0 : i32
        %dma_start3A_426 = arith.constant 0 : i32
        %dma_start3A_427 = tpu.memref_slice %arg9[%dma_start3A_424, %dma_start3A_425, %dma_start3A_426] : memref<8x128x16xf32, #tpu.memory_space<vmem>> -> memref<1x128x16xf32, #tpu.memory_space<vmem>>
        %dma_start3A_428 = tpu.memref_squeeze %dma_start3A_427 : memref<1x128x16xf32, #tpu.memory_space<vmem>> -> memref<128x16xf32, #tpu.memory_space<vmem>>
        %dma_start3A_429 = arith.constant 0 : i32
        %dma_start3A_430 = tpu.memref_slice %arg7[%add3A_423, %dma_start3A_429] : memref<80x128xi32, #tpu.memory_space<vmem>> -> memref<1x128xi32, #tpu.memory_space<vmem>>
        %dma_start3A_431 = tpu.memref_squeeze %dma_start3A_430 : memref<1x128xi32, #tpu.memory_space<vmem>> -> memref<128xi32, #tpu.memory_space<vmem>>
        %dma_start3A_432 = arith.constant 0 : i32
        %dma_start3A_433 = arith.constant 0 : i32
        %dma_start3A_434 = tpu.memref_slice %arg11[%dma_start3A_432, %dma_start3A_433] : memref<10240x16xf32, #tpu.memory_space<vmem_shared>> -> memref<10240x16xf32, #tpu.memory_space<vmem_shared>>
        tpu.enqueue_indirect_dma source(%dma_start3A_434 : memref<10240x16xf32, #tpu.memory_space<vmem_shared>>) target(%dma_start3A_428 : memref<128x16xf32, #tpu.memory_space<vmem>>) offsets(%dma_start3A_431 : memref<128xi32, #tpu.memory_space<vmem>>) semaphore(%arg14 : memref<!tpu.dma_semaphore, #tpu.memory_space<semaphore_mem>>)
      } else {
      }
      %mul3A_384 = arith.constant 8 : i32
      %mul3A_385 = arith.muli %scan3A_118, %mul3A_384 : i32
      %add3A_386 = arith.constant 7 : i32
      %add3A_387 = arith.addi %mul3A_385, %add3A_386 : i32
      %dma_wait3A_388 = arith.constant 7 : i32
      %dma_wait3A_389 = arith.constant 0 : i32
      %dma_wait3A_390 = arith.constant 0 : i32
      %dma_wait3A_391 = tpu.memref_slice %arg9[%dma_wait3A_388, %dma_wait3A_389, %dma_wait3A_390] : memref<8x128x16xf32, #tpu.memory_space<vmem>> -> memref<1x128x16xf32, #tpu.memory_space<vmem>>
      %dma_wait3A_392 = tpu.memref_squeeze %dma_wait3A_391 : memref<1x128x16xf32, #tpu.memory_space<vmem>> -> memref<128x16xf32, #tpu.memory_space<vmem>>
      %dma_wait3A_393 = arith.constant 0 : i32
      %dma_wait3A_394 = tpu.memref_slice %arg7[%add3A_387, %dma_wait3A_393] : memref<80x128xi32, #tpu.memory_space<vmem>> -> memref<1x128xi32, #tpu.memory_space<vmem>>
      %dma_wait3A_395 = tpu.memref_squeeze %dma_wait3A_394 : memref<1x128xi32, #tpu.memory_space<vmem>> -> memref<128xi32, #tpu.memory_space<vmem>>
      %dma_wait3A_396 = arith.constant 0 : i32
      %dma_wait3A_397 = arith.constant 0 : i32
      %dma_wait3A_398 = tpu.memref_slice %arg11[%dma_wait3A_396, %dma_wait3A_397] : memref<10240x16xf32, #tpu.memory_space<vmem_shared>> -> memref<10240x16xf32, #tpu.memory_space<vmem_shared>>
      tpu.wait_indirect_dma semaphore(%arg19 : memref<!tpu.dma_semaphore, #tpu.memory_space<semaphore_mem>>) src(%dma_wait3A_398 : memref<10240x16xf32, #tpu.memory_space<vmem_shared>>) dst(%dma_wait3A_392 : memref<128x16xf32, #tpu.memory_space<vmem>>)
      %dma_start3A_399 = arith.constant 7 : i32
      %dma_start3A_400 = arith.constant 0 : i32
      %dma_start3A_401 = arith.constant 0 : i32
      %dma_start3A_402 = tpu.memref_slice %arg9[%dma_start3A_399, %dma_start3A_400, %dma_start3A_401] : memref<8x128x16xf32, #tpu.memory_space<vmem>> -> memref<1x128x16xf32, #tpu.memory_space<vmem>>
      %dma_start3A_403 = tpu.memref_squeeze %dma_start3A_402 : memref<1x128x16xf32, #tpu.memory_space<vmem>> -> memref<128x16xf32, #tpu.memory_space<vmem>>
      %dma_start3A_404 = arith.constant 0 : i32
      %dma_start3A_405 = tpu.memref_slice %arg8[%add3A_387, %dma_start3A_404] : memref<80x128xi32, #tpu.memory_space<vmem>> -> memref<1x128xi32, #tpu.memory_space<vmem>>
      %dma_start3A_406 = tpu.memref_squeeze %dma_start3A_405 : memref<1x128xi32, #tpu.memory_space<vmem>> -> memref<128xi32, #tpu.memory_space<vmem>>
      %dma_start3A_407 = arith.constant 0 : i32
      %dma_start3A_408 = arith.constant 0 : i32
      %dma_start3A_409 = tpu.memref_slice %arg10[%dma_start3A_407, %dma_start3A_408] : memref<10240x16xf32, #tpu.memory_space<vmem_shared>> -> memref<10240x16xf32, #tpu.memory_space<vmem_shared>>
      tpu.enqueue_indirect_dma source(%dma_start3A_403 : memref<128x16xf32, #tpu.memory_space<vmem>>) target(%dma_start3A_409 : memref<10240x16xf32, #tpu.memory_space<vmem_shared>>) offsets(%dma_start3A_406 : memref<128xi32, #tpu.memory_space<vmem>>) semaphore(%arg27 : memref<!tpu.dma_semaphore, #tpu.memory_space<semaphore_mem>>) {add = true}
      %ge3A_410 = arith.constant 4 : i32
      %ge3A_411 = arith.cmpi sge, %add3A_387, %ge3A_410 : i32
      %convert_element_type3A_412 = arith.extui %ge3A_411 : i1 to i32
      %cond3A_413 = arith.constant 0 : i32
      %cond3A_414 = arith.cmpi ne, %convert_element_type3A_412, %cond3A_413 : i32
      scf.if %cond3A_414 {
        %add3A_422 = arith.constant 4 : i32
        %add3A_423 = arith.addi %add3A_387, %add3A_422 : i32
        %sub3A = arith.constant 8 : i32
        %sub3A_424 = arith.subi %add3A_423, %sub3A : i32
        %dma_wait3A_425 = arith.constant 3 : i32
        %dma_wait3A_426 = arith.constant 0 : i32
        %dma_wait3A_427 = arith.constant 0 : i32
        %dma_wait3A_428 = tpu.memref_slice %arg9[%dma_wait3A_425, %dma_wait3A_426, %dma_wait3A_427] : memref<8x128x16xf32, #tpu.memory_space<vmem>> -> memref<1x128x16xf32, #tpu.memory_space<vmem>>
        %dma_wait3A_429 = tpu.memref_squeeze %dma_wait3A_428 : memref<1x128x16xf32, #tpu.memory_space<vmem>> -> memref<128x16xf32, #tpu.memory_space<vmem>>
        %dma_wait3A_430 = arith.constant 0 : i32
        %dma_wait3A_431 = tpu.memref_slice %arg8[%sub3A_424, %dma_wait3A_430] : memref<80x128xi32, #tpu.memory_space<vmem>> -> memref<1x128xi32, #tpu.memory_space<vmem>>
        %dma_wait3A_432 = tpu.memref_squeeze %dma_wait3A_431 : memref<1x128xi32, #tpu.memory_space<vmem>> -> memref<128xi32, #tpu.memory_space<vmem>>
        %dma_wait3A_433 = arith.constant 0 : i32
        %dma_wait3A_434 = arith.constant 0 : i32
        %dma_wait3A_435 = tpu.memref_slice %arg10[%dma_wait3A_433, %dma_wait3A_434] : memref<10240x16xf32, #tpu.memory_space<vmem_shared>> -> memref<10240x16xf32, #tpu.memory_space<vmem_shared>>
        tpu.wait_indirect_dma semaphore(%arg23 : memref<!tpu.dma_semaphore, #tpu.memory_space<semaphore_mem>>) src(%dma_wait3A_429 : memref<128x16xf32, #tpu.memory_space<vmem>>) dst(%dma_wait3A_435 : memref<10240x16xf32, #tpu.memory_space<vmem_shared>>)
      } else {
      }
      %add3A_415 = arith.constant 4 : i32
      %add3A_416 = arith.addi %add3A_387, %add3A_415 : i32
      %lt3A_417 = arith.constant 80 : i32
      %lt3A_418 = arith.cmpi slt, %add3A_416, %lt3A_417 : i32
      %convert_element_type3A_419 = arith.extui %lt3A_418 : i1 to i32
      %cond3A_420 = arith.constant 0 : i32
      %cond3A_421 = arith.cmpi ne, %convert_element_type3A_419, %cond3A_420 : i32
      scf.if %cond3A_421 {
        %add3A_422 = arith.constant 4 : i32
        %add3A_423 = arith.addi %add3A_387, %add3A_422 : i32
        %dma_start3A_424 = arith.constant 3 : i32
        %dma_start3A_425 = arith.constant 0 : i32
        %dma_start3A_426 = arith.constant 0 : i32
        %dma_start3A_427 = tpu.memref_slice %arg9[%dma_start3A_424, %dma_start3A_425, %dma_start3A_426] : memref<8x128x16xf32, #tpu.memory_space<vmem>> -> memref<1x128x16xf32, #tpu.memory_space<vmem>>
        %dma_start3A_428 = tpu.memref_squeeze %dma_start3A_427 : memref<1x128x16xf32, #tpu.memory_space<vmem>> -> memref<128x16xf32, #tpu.memory_space<vmem>>
        %dma_start3A_429 = arith.constant 0 : i32
        %dma_start3A_430 = tpu.memref_slice %arg7[%add3A_423, %dma_start3A_429] : memref<80x128xi32, #tpu.memory_space<vmem>> -> memref<1x128xi32, #tpu.memory_space<vmem>>
        %dma_start3A_431 = tpu.memref_squeeze %dma_start3A_430 : memref<1x128xi32, #tpu.memory_space<vmem>> -> memref<128xi32, #tpu.memory_space<vmem>>
        %dma_start3A_432 = arith.constant 0 : i32
        %dma_start3A_433 = arith.constant 0 : i32
        %dma_start3A_434 = tpu.memref_slice %arg11[%dma_start3A_432, %dma_start3A_433] : memref<10240x16xf32, #tpu.memory_space<vmem_shared>> -> memref<10240x16xf32, #tpu.memory_space<vmem_shared>>
        tpu.enqueue_indirect_dma source(%dma_start3A_434 : memref<10240x16xf32, #tpu.memory_space<vmem_shared>>) target(%dma_start3A_428 : memref<128x16xf32, #tpu.memory_space<vmem>>) offsets(%dma_start3A_431 : memref<128xi32, #tpu.memory_space<vmem>>) semaphore(%arg15 : memref<!tpu.dma_semaphore, #tpu.memory_space<semaphore_mem>>)
      } else {
      }
    }
    %scan3A_65 = arith.constant 10 : i32
    %dma_wait3A = arith.constant 4 : i32
    %dma_wait3A_66 = arith.constant 76 : i32
    %dma_wait3A_67 = arith.constant 0 : i32
    %dma_wait3A_68 = arith.constant 0 : i32
    %dma_wait3A_69 = tpu.memref_slice %arg9[%dma_wait3A, %dma_wait3A_67, %dma_wait3A_68] : memref<8x128x16xf32, #tpu.memory_space<vmem>> -> memref<1x128x16xf32, #tpu.memory_space<vmem>>
    %dma_wait3A_70 = tpu.memref_squeeze %dma_wait3A_69 : memref<1x128x16xf32, #tpu.memory_space<vmem>> -> memref<128x16xf32, #tpu.memory_space<vmem>>
    %dma_wait3A_71 = arith.constant 0 : i32
    %dma_wait3A_72 = tpu.memref_slice %arg8[%dma_wait3A_66, %dma_wait3A_71] : memref<80x128xi32, #tpu.memory_space<vmem>> -> memref<1x128xi32, #tpu.memory_space<vmem>>
    %dma_wait3A_73 = tpu.memref_squeeze %dma_wait3A_72 : memref<1x128xi32, #tpu.memory_space<vmem>> -> memref<128xi32, #tpu.memory_space<vmem>>
    %dma_wait3A_74 = arith.constant 0 : i32
    %dma_wait3A_75 = arith.constant 0 : i32
    %dma_wait3A_76 = tpu.memref_slice %arg10[%dma_wait3A_74, %dma_wait3A_75] : memref<10240x16xf32, #tpu.memory_space<vmem_shared>> -> memref<10240x16xf32, #tpu.memory_space<vmem_shared>>
    tpu.wait_indirect_dma semaphore(%arg24 : memref<!tpu.dma_semaphore, #tpu.memory_space<semaphore_mem>>) src(%dma_wait3A_70 : memref<128x16xf32, #tpu.memory_space<vmem>>) dst(%dma_wait3A_76 : memref<10240x16xf32, #tpu.memory_space<vmem_shared>>)
    %dma_wait3A_77 = arith.constant 5 : i32
    %dma_wait3A_78 = arith.constant 77 : i32
    %dma_wait3A_79 = arith.constant 0 : i32
    %dma_wait3A_80 = arith.constant 0 : i32
    %dma_wait3A_81 = tpu.memref_slice %arg9[%dma_wait3A_77, %dma_wait3A_79, %dma_wait3A_80] : memref<8x128x16xf32, #tpu.memory_space<vmem>> -> memref<1x128x16xf32, #tpu.memory_space<vmem>>
    %dma_wait3A_82 = tpu.memref_squeeze %dma_wait3A_81 : memref<1x128x16xf32, #tpu.memory_space<vmem>> -> memref<128x16xf32, #tpu.memory_space<vmem>>
    %dma_wait3A_83 = arith.constant 0 : i32
    %dma_wait3A_84 = tpu.memref_slice %arg8[%dma_wait3A_78, %dma_wait3A_83] : memref<80x128xi32, #tpu.memory_space<vmem>> -> memref<1x128xi32, #tpu.memory_space<vmem>>
    %dma_wait3A_85 = tpu.memref_squeeze %dma_wait3A_84 : memref<1x128xi32, #tpu.memory_space<vmem>> -> memref<128xi32, #tpu.memory_space<vmem>>
    %dma_wait3A_86 = arith.constant 0 : i32
    %dma_wait3A_87 = arith.constant 0 : i32
    %dma_wait3A_88 = tpu.memref_slice %arg10[%dma_wait3A_86, %dma_wait3A_87] : memref<10240x16xf32, #tpu.memory_space<vmem_shared>> -> memref<10240x16xf32, #tpu.memory_space<vmem_shared>>
    tpu.wait_indirect_dma semaphore(%arg25 : memref<!tpu.dma_semaphore, #tpu.memory_space<semaphore_mem>>) src(%dma_wait3A_82 : memref<128x16xf32, #tpu.memory_space<vmem>>) dst(%dma_wait3A_88 : memref<10240x16xf32, #tpu.memory_space<vmem_shared>>)
    %dma_wait3A_89 = arith.constant 6 : i32
    %dma_wait3A_90 = arith.constant 78 : i32
    %dma_wait3A_91 = arith.constant 0 : i32
    %dma_wait3A_92 = arith.constant 0 : i32
    %dma_wait3A_93 = tpu.memref_slice %arg9[%dma_wait3A_89, %dma_wait3A_91, %dma_wait3A_92] : memref<8x128x16xf32, #tpu.memory_space<vmem>> -> memref<1x128x16xf32, #tpu.memory_space<vmem>>
    %dma_wait3A_94 = tpu.memref_squeeze %dma_wait3A_93 : memref<1x128x16xf32, #tpu.memory_space<vmem>> -> memref<128x16xf32, #tpu.memory_space<vmem>>
    %dma_wait3A_95 = arith.constant 0 : i32
    %dma_wait3A_96 = tpu.memref_slice %arg8[%dma_wait3A_90, %dma_wait3A_95] : memref<80x128xi32, #tpu.memory_space<vmem>> -> memref<1x128xi32, #tpu.memory_space<vmem>>
    %dma_wait3A_97 = tpu.memref_squeeze %dma_wait3A_96 : memref<1x128xi32, #tpu.memory_space<vmem>> -> memref<128xi32, #tpu.memory_space<vmem>>
    %dma_wait3A_98 = arith.constant 0 : i32
    %dma_wait3A_99 = arith.constant 0 : i32
    %dma_wait3A_100 = tpu.memref_slice %arg10[%dma_wait3A_98, %dma_wait3A_99] : memref<10240x16xf32, #tpu.memory_space<vmem_shared>> -> memref<10240x16xf32, #tpu.memory_space<vmem_shared>>
    tpu.wait_indirect_dma semaphore(%arg26 : memref<!tpu.dma_semaphore, #tpu.memory_space<semaphore_mem>>) src(%dma_wait3A_94 : memref<128x16xf32, #tpu.memory_space<vmem>>) dst(%dma_wait3A_100 : memref<10240x16xf32, #tpu.memory_space<vmem_shared>>)
    %dma_wait3A_101 = arith.constant 7 : i32
    %dma_wait3A_102 = arith.constant 79 : i32
    %dma_wait3A_103 = arith.constant 0 : i32
    %dma_wait3A_104 = arith.constant 0 : i32
    %dma_wait3A_105 = tpu.memref_slice %arg9[%dma_wait3A_101, %dma_wait3A_103, %dma_wait3A_104] : memref<8x128x16xf32, #tpu.memory_space<vmem>> -> memref<1x128x16xf32, #tpu.memory_space<vmem>>
    %dma_wait3A_106 = tpu.memref_squeeze %dma_wait3A_105 : memref<1x128x16xf32, #tpu.memory_space<vmem>> -> memref<128x16xf32, #tpu.memory_space<vmem>>
    %dma_wait3A_107 = arith.constant 0 : i32
    %dma_wait3A_108 = tpu.memref_slice %arg8[%dma_wait3A_102, %dma_wait3A_107] : memref<80x128xi32, #tpu.memory_space<vmem>> -> memref<1x128xi32, #tpu.memory_space<vmem>>
    %dma_wait3A_109 = tpu.memref_squeeze %dma_wait3A_108 : memref<1x128xi32, #tpu.memory_space<vmem>> -> memref<128xi32, #tpu.memory_space<vmem>>
    %dma_wait3A_110 = arith.constant 0 : i32
    %dma_wait3A_111 = arith.constant 0 : i32
    %dma_wait3A_112 = tpu.memref_slice %arg10[%dma_wait3A_110, %dma_wait3A_111] : memref<10240x16xf32, #tpu.memory_space<vmem_shared>> -> memref<10240x16xf32, #tpu.memory_space<vmem_shared>>
    tpu.wait_indirect_dma semaphore(%arg27 : memref<!tpu.dma_semaphore, #tpu.memory_space<semaphore_mem>>) src(%dma_wait3A_106 : memref<128x16xf32, #tpu.memory_space<vmem>>) dst(%dma_wait3A_112 : memref<10240x16xf32, #tpu.memory_space<vmem_shared>>)
    %barrier3A_113 = arith.constant 0 : index
    tpu.barrier barrier_id(%barrier3A_113)
    %mul3A_114 = arith.constant 640 : i32
    %mul3A_115 = arith.muli %arg1, %mul3A_114 : i32
    %mul3A_116 = arith.constant 640 : i32
    %mul3A_117 = arith.muli %arg1, %mul3A_116 : i32
    "tpu.region"() ({
      %run_scoped3A = tpu.sem_alloc : memref<!tpu.dma_semaphore, #tpu.memory_space<semaphore_mem>>
      %dma_start3A_118 = arith.constant 0 : i32
      %dma_start3A_119 = tpu.memref_slice %arg6[%arg0, %mul3A_117, %dma_start3A_118] : memref<2x10240x16xf32, #tpu.memory_space<hbm>> -> memref<1x640x16xf32, #tpu.memory_space<hbm>>
      %dma_start3A_120 = tpu.memref_squeeze %dma_start3A_119 : memref<1x640x16xf32, #tpu.memory_space<hbm>> -> memref<640x16xf32, #tpu.memory_space<hbm>>
      %dma_start3A_121 = arith.constant 0 : i32
      %dma_start3A_122 = tpu.memref_slice %arg10[%mul3A_115, %dma_start3A_121] : memref<10240x16xf32, #tpu.memory_space<vmem_shared>> -> memref<640x16xf32, #tpu.memory_space<vmem_shared>>
      tpu.enqueue_dma source(%dma_start3A_122 : memref<640x16xf32, #tpu.memory_space<vmem_shared>>) target(%dma_start3A_120 : memref<640x16xf32, #tpu.memory_space<hbm>>) target_semaphore(%run_scoped3A : memref<!tpu.dma_semaphore, #tpu.memory_space<semaphore_mem>>)
      %dma_wait3A_123 = arith.constant 0 : i32
      %dma_wait3A_124 = tpu.memref_slice %arg6[%arg0, %mul3A_117, %dma_wait3A_123] : memref<2x10240x16xf32, #tpu.memory_space<hbm>> -> memref<1x640x16xf32, #tpu.memory_space<hbm>>
      %dma_wait3A_125 = tpu.memref_squeeze %dma_wait3A_124 : memref<1x640x16xf32, #tpu.memory_space<hbm>> -> memref<640x16xf32, #tpu.memory_space<hbm>>
      %dma_wait3A_126 = arith.constant 0 : i32
      %dma_wait3A_127 = tpu.memref_slice %arg10[%mul3A_115, %dma_wait3A_126] : memref<10240x16xf32, #tpu.memory_space<vmem_shared>> -> memref<640x16xf32, #tpu.memory_space<vmem_shared>>
      tpu.wait_dma2 semaphore(%run_scoped3A : memref<!tpu.dma_semaphore, #tpu.memory_space<semaphore_mem>>) src(%dma_wait3A_127 : memref<640x16xf32, #tpu.memory_space<vmem_shared>>) dst(%dma_wait3A_125 : memref<640x16xf32, #tpu.memory_space<hbm>>)
      tpu.yield
    }) : () -> ()
    return
  }
}

module attributes {stable_mosaic.version = 14 : i64} {
  func.func @_tca_body(%arg0: i32, %arg1: memref<1000x128xf32, #tpu.memory_space<vmem>>, %arg2: memref<128x16xf32, #tpu.memory_space<vmem>>, %arg3: memref<1000x16xf32, #tpu.memory_space<vmem>>) attributes {dimension_semantics = [#tpu.dimension_semantics<arbitrary>], iteration_bounds = array<i64: 10>, scalar_prefetch = 0 : i64, scratch_operands = 0 : i64, tpu.core_type = #tpu.core_type<tc>, window_params = [{transform_indices = @transform_0, window_bounds = array<i64: 1000, 128>}, {pipeline_mode = #tpu.pipeline_mode<synchronous>, transform_indices = @transform_1, window_bounds = array<i64: 128, 16>}, {transform_indices = @transform_2, window_bounds = array<i64: 1000, 16>}]} {
    %get3A = arith.constant 0 : index
    %get3A_0 = arith.constant 0 : index
    %get3A_1 = vector.load %arg1[%get3A, %get3A_0] : memref<1000x128xf32, #tpu.memory_space<vmem>>, vector<1000x128xf32>
    %get3A_2 = arith.constant 0 : index
    %get3A_3 = arith.constant 0 : index
    %get3A_4 = vector.load %arg2[%get3A_2, %get3A_3] : memref<128x16xf32, #tpu.memory_space<vmem>>, vector<128x16xf32>
    %dot_general3A = arith.constant dense<0.000000e+00> : vector<1000x16xf32>
    %dot_general3A_5 = tpu.matmul %get3A_1, %get3A_4, %dot_general3A {dimension_numbers = #tpu.dot_dimension_numbers<[1], [0], [0], [1], [0, 0, 1, 1], [], []>, transpose_lhs_hint = false} : vector<1000x128xf32>, vector<128x16xf32>, vector<1000x16xf32> -> vector<1000x16xf32>
    %swap3A = arith.constant 0 : index
    %swap3A_6 = arith.constant 0 : index
    %swap3A_7 = vector.load %arg3[%swap3A, %swap3A_6] : memref<1000x16xf32, #tpu.memory_space<vmem>>, vector<1000x16xf32>
    tpu.vector_store %arg3[%swap3A, %swap3A_6], %dot_general3A_5 {strides = array<i32>} : memref<1000x16xf32, #tpu.memory_space<vmem>>, vector<1000x16xf32>,
    return
  }
  func.func @transform_0(%arg0: i32) -> (i32, i32) {
    %c0_i32 = arith.constant 0 : i32
    %c0_i32_0 = arith.constant 0 : i32
    return %arg0, %c0_i32 : i32, i32
  }
  func.func @transform_1(%arg0: i32) -> (i32, i32) {
    %c0_i32 = arith.constant 0 : i32
    %c0_i32_0 = arith.constant 0 : i32
    %c0_i32_1 = arith.constant 0 : i32
    return %c0_i32, %c0_i32_0 : i32, i32
  }
  func.func @transform_2(%arg0: i32) -> (i32, i32) {
    %c0_i32 = arith.constant 0 : i32
    %c0_i32_0 = arith.constant 0 : i32
    return %arg0, %c0_i32 : i32, i32
  }
}

module attributes {stable_mosaic.version = 14 : i64} {
  func.func @_tcb_body(%arg0: i32, %arg1: memref<1000x16xf32, #tpu.memory_space<vmem>>, %arg2: memref<1x1000x16xf32, #tpu.memory_space<vmem>>, %arg3: memref<1x1000x16xf32, #tpu.memory_space<vmem>>, %arg4: memref<1000x16xf32, #tpu.memory_space<vmem>>, %arg5: memref<1000x16xf32, #tpu.memory_space<vmem>>) attributes {dimension_semantics = [#tpu.dimension_semantics<arbitrary>], iteration_bounds = array<i64: 10>, scalar_prefetch = 0 : i64, scratch_operands = 0 : i64, tpu.core_type = #tpu.core_type<tc>, window_params = [{transform_indices = @transform_0, window_bounds = array<i64: 1000, 16>}, {transform_indices = @transform_1, window_bounds = array<i64: 1, 1000, 16>}, {transform_indices = @transform_2, window_bounds = array<i64: 1, 1000, 16>}, {transform_indices = @transform_3, window_bounds = array<i64: 1000, 16>}, {transform_indices = @transform_4, window_bounds = array<i64: 1000, 16>}]} {
    %get3A = arith.constant 0 : index
    %get3A_0 = arith.constant 0 : index
    %get3A_1 = arith.constant 0 : index
    %get3A_2 = vector.load %arg2[%get3A, %get3A_0, %get3A_1] : memref<1x1000x16xf32, #tpu.memory_space<vmem>>, vector<1x1000x16xf32>
    %get3A_3 = vector.shape_cast %get3A_2 : vector<1x1000x16xf32> to vector<1000x16xf32>
    %get3A_4 = arith.constant 0 : index
    %get3A_5 = arith.constant 0 : index
    %get3A_6 = arith.constant 0 : index
    %get3A_7 = vector.load %arg3[%get3A_4, %get3A_5, %get3A_6] : memref<1x1000x16xf32, #tpu.memory_space<vmem>>, vector<1x1000x16xf32>
    %get3A_8 = vector.shape_cast %get3A_7 : vector<1x1000x16xf32> to vector<1000x16xf32>
    %add3A = arith.addf %get3A_3, %get3A_8 : vector<1000x16xf32>
    %add3A_9 = arith.constant 1.000000e+00 : f32
    %add3A_10 = vector.broadcast %add3A_9 : f32 to vector<1000x16xf32>
    %add3A_11 = arith.addf %add3A, %add3A_10 : vector<1000x16xf32>
    %rsqrt3A = math.rsqrt %add3A_11 : vector<1000x16xf32>
    %get3A_12 = arith.constant 0 : index
    %get3A_13 = arith.constant 0 : index
    %get3A_14 = vector.load %arg1[%get3A_12, %get3A_13] : memref<1000x16xf32, #tpu.memory_space<vmem>>, vector<1000x16xf32>
    %mul3A = arith.mulf %get3A_14, %rsqrt3A : vector<1000x16xf32>
    %swap3A = arith.constant 0 : index
    %swap3A_15 = arith.constant 0 : index
    %swap3A_16 = vector.load %arg4[%swap3A, %swap3A_15] : memref<1000x16xf32, #tpu.memory_space<vmem>>, vector<1000x16xf32>
    tpu.vector_store %arg4[%swap3A, %swap3A_15], %mul3A {strides = array<i32>} : memref<1000x16xf32, #tpu.memory_space<vmem>>, vector<1000x16xf32>,
    %swap3A_17 = arith.constant 0 : index
    %swap3A_18 = arith.constant 0 : index
    %swap3A_19 = vector.load %arg5[%swap3A_17, %swap3A_18] : memref<1000x16xf32, #tpu.memory_space<vmem>>, vector<1000x16xf32>
    tpu.vector_store %arg5[%swap3A_17, %swap3A_18], %rsqrt3A {strides = array<i32>} : memref<1000x16xf32, #tpu.memory_space<vmem>>, vector<1000x16xf32>,
    return
  }
  func.func @transform_0(%arg0: i32) -> (i32, i32) {
    %c0_i32 = arith.constant 0 : i32
    %c0_i32_0 = arith.constant 0 : i32
    return %arg0, %c0_i32 : i32, i32
  }
  func.func @transform_1(%arg0: i32) -> (i32, i32, i32) {
    %c0_i32 = arith.constant 0 : i32
    %c0_i32_0 = arith.constant 0 : i32
    %c0_i32_1 = arith.constant 0 : i32
    return %c0_i32, %arg0, %c0_i32_0 : i32, i32, i32
  }
  func.func @transform_2(%arg0: i32) -> (i32, i32, i32) {
    %c1_i32 = arith.constant 1 : i32
    %c0_i32 = arith.constant 0 : i32
    %c0_i32_0 = arith.constant 0 : i32
    return %c1_i32, %arg0, %c0_i32 : i32, i32, i32
  }
  func.func @transform_3(%arg0: i32) -> (i32, i32) {
    %c0_i32 = arith.constant 0 : i32
    %c0_i32_0 = arith.constant 0 : i32
    return %arg0, %c0_i32 : i32, i32
  }
  func.func @transform_4(%arg0: i32) -> (i32, i32) {
    %c0_i32 = arith.constant 0 : i32
    %c0_i32_0 = arith.constant 0 : i32
    return %arg0, %c0_i32 : i32, i32
  }
}

module attributes {stable_mosaic.version = 14 : i64} {
  func.func @_tc2_body(%arg0: i32, %arg1: memref<1x1000x16xf32, #tpu.memory_space<vmem>>, %arg2: memref<1x1000x16xf32, #tpu.memory_space<vmem>>, %arg3: memref<1000x16xf32, #tpu.memory_space<vmem>>, %arg4: memref<1000x16xf32, #tpu.memory_space<vmem>>, %arg5: memref<1x16xf32, #tpu.memory_space<vmem>>, %arg6: memref<16x16xf32, #tpu.memory_space<vmem>>, %arg7: memref<1000x16xf32, #tpu.memory_space<vmem>>) attributes {dimension_semantics = [#tpu.dimension_semantics<arbitrary>], iteration_bounds = array<i64: 10>, scalar_prefetch = 0 : i64, scratch_operands = 0 : i64, tpu.core_type = #tpu.core_type<tc>, window_params = [{transform_indices = @transform_0, window_bounds = array<i64: 1, 1000, 16>}, {transform_indices = @transform_1, window_bounds = array<i64: 1, 1000, 16>}, {transform_indices = @transform_2, window_bounds = array<i64: 1000, 16>}, {transform_indices = @transform_3, window_bounds = array<i64: 1000, 16>}, {pipeline_mode = #tpu.pipeline_mode<synchronous>, transform_indices = @transform_4, window_bounds = array<i64: 1, 16>}, {pipeline_mode = #tpu.pipeline_mode<synchronous>, transform_indices = @transform_5, window_bounds = array<i64: 16, 16>}, {transform_indices = @transform_6, window_bounds = array<i64: 1000, 16>}]} {
    %get3A = arith.constant 0 : index
    %get3A_0 = arith.constant 0 : index
    %get3A_1 = vector.load %arg4[%get3A, %get3A_0] : memref<1000x16xf32, #tpu.memory_space<vmem>>, vector<1000x16xf32>
    %get3A_2 = arith.constant 0 : index
    %get3A_3 = arith.constant 0 : index
    %get3A_4 = arith.constant 0 : index
    %get3A_5 = vector.load %arg1[%get3A_2, %get3A_3, %get3A_4] : memref<1x1000x16xf32, #tpu.memory_space<vmem>>, vector<1x1000x16xf32>
    %get3A_6 = vector.shape_cast %get3A_5 : vector<1x1000x16xf32> to vector<1000x16xf32>
    %get3A_7 = arith.constant 0 : index
    %get3A_8 = arith.constant 0 : index
    %get3A_9 = arith.constant 0 : index
    %get3A_10 = vector.load %arg2[%get3A_7, %get3A_8, %get3A_9] : memref<1x1000x16xf32, #tpu.memory_space<vmem>>, vector<1x1000x16xf32>
    %get3A_11 = vector.shape_cast %get3A_10 : vector<1x1000x16xf32> to vector<1000x16xf32>
    %add3A = arith.addf %get3A_6, %get3A_11 : vector<1000x16xf32>
    %get3A_12 = arith.constant 0 : index
    %get3A_13 = arith.constant 0 : index
    %get3A_14 = vector.load %arg3[%get3A_12, %get3A_13] : memref<1000x16xf32, #tpu.memory_space<vmem>>, vector<1000x16xf32>
    %add3A_15 = arith.addf %add3A, %get3A_14 : vector<1000x16xf32>
    %mul3A = arith.mulf %get3A_1, %add3A_15 : vector<1000x16xf32>
    %get3A_16 = arith.constant 0 : index
    %get3A_17 = arith.constant 0 : index
    %get3A_18 = vector.load %arg5[%get3A_16, %get3A_17] : memref<1x16xf32, #tpu.memory_space<vmem>>, vector<1x16xf32>
    %add3A_19 = vector.broadcast %get3A_18 : vector<1x16xf32> to vector<1000x16xf32>
    %add3A_20 = arith.addf %mul3A, %add3A_19 : vector<1000x16xf32>
    %max3A = arith.constant 0.000000e+00 : f32
    %max3A_21 = vector.broadcast %max3A : f32 to vector<1000x16xf32>
    %max3A_22 = arith.maximumf %add3A_20, %max3A_21 : vector<1000x16xf32>
    %get3A_23 = arith.constant 0 : index
    %get3A_24 = arith.constant 0 : index
    %get3A_25 = vector.load %arg6[%get3A_23, %get3A_24] : memref<16x16xf32, #tpu.memory_space<vmem>>, vector<16x16xf32>
    %dot_general3A = arith.constant dense<0.000000e+00> : vector<1000x16xf32>
    %dot_general3A_26 = tpu.matmul %max3A_22, %get3A_25, %dot_general3A {dimension_numbers = #tpu.dot_dimension_numbers<[1], [0], [0], [1], [0, 0, 1, 1], [], []>, transpose_lhs_hint = false} : vector<1000x16xf32>, vector<16x16xf32>, vector<1000x16xf32> -> vector<1000x16xf32>
    %mul3A_27 = arith.mulf %dot_general3A_26, %get3A_1 : vector<1000x16xf32>
    %swap3A = arith.constant 0 : index
    %swap3A_28 = arith.constant 0 : index
    %swap3A_29 = vector.load %arg7[%swap3A, %swap3A_28] : memref<1000x16xf32, #tpu.memory_space<vmem>>, vector<1000x16xf32>
    tpu.vector_store %arg7[%swap3A, %swap3A_28], %mul3A_27 {strides = array<i32>} : memref<1000x16xf32, #tpu.memory_space<vmem>>, vector<1000x16xf32>,
    return
  }
  func.func @transform_0(%arg0: i32) -> (i32, i32, i32) {
    %c0_i32 = arith.constant 0 : i32
    %c0_i32_0 = arith.constant 0 : i32
    %c0_i32_1 = arith.constant 0 : i32
    return %c0_i32, %arg0, %c0_i32_0 : i32, i32, i32
  }
  func.func @transform_1(%arg0: i32) -> (i32, i32, i32) {
    %c1_i32 = arith.constant 1 : i32
    %c0_i32 = arith.constant 0 : i32
    %c0_i32_0 = arith.constant 0 : i32
    return %c1_i32, %arg0, %c0_i32 : i32, i32, i32
  }
  func.func @transform_2(%arg0: i32) -> (i32, i32) {
    %c0_i32 = arith.constant 0 : i32
    %c0_i32_0 = arith.constant 0 : i32
    return %arg0, %c0_i32 : i32, i32
  }
  func.func @transform_3(%arg0: i32) -> (i32, i32) {
    %c0_i32 = arith.constant 0 : i32
    %c0_i32_0 = arith.constant 0 : i32
    return %arg0, %c0_i32 : i32, i32
  }
  func.func @transform_4(%arg0: i32) -> (i32, i32) {
    %c0_i32 = arith.constant 0 : i32
    %c0_i32_0 = arith.constant 0 : i32
    %c0_i32_1 = arith.constant 0 : i32
    return %c0_i32, %c0_i32_0 : i32, i32
  }
  func.func @transform_5(%arg0: i32) -> (i32, i32) {
    %c0_i32 = arith.constant 0 : i32
    %c0_i32_0 = arith.constant 0 : i32
    %c0_i32_1 = arith.constant 0 : i32
    return %c0_i32, %c0_i32_0 : i32, i32
  }
  func.func @transform_6(%arg0: i32) -> (i32, i32) {
    %c0_i32 = arith.constant 0 : i32
    %c0_i32_0 = arith.constant 0 : i32
    return %arg0, %c0_i32 : i32, i32
  }
}

module attributes {stable_mosaic.version = 14 : i64} {
  func.func @_tc3_body(%arg0: i32, %arg1: memref<1x1000x16xf32, #tpu.memory_space<vmem>>, %arg2: memref<1x1000x16xf32, #tpu.memory_space<vmem>>, %arg3: memref<1000x16xf32, #tpu.memory_space<vmem>>, %arg4: memref<1000x16xf32, #tpu.memory_space<vmem>>, %arg5: memref<1x16xf32, #tpu.memory_space<vmem>>, %arg6: memref<1x1x1000xi32, #tpu.memory_space<vmem>>, %arg7: memref<16x10xf32, #tpu.memory_space<vmem>>, %arg8: memref<1x10xf32, #tpu.memory_space<vmem>>, %arg9: memref<64x10xf32, #tpu.memory_space<vmem>>, %arg10: memref<64x16xf32, #tpu.memory_space<vmem>>, %arg11: memref<64x16xf32, #tpu.memory_space<vmem>>) attributes {dimension_semantics = [#tpu.dimension_semantics<arbitrary>], iteration_bounds = array<i64: 10>, scalar_prefetch = 0 : i64, scratch_operands = 2 : i64, tpu.core_type = #tpu.core_type<tc>, window_params = [{transform_indices = @transform_0, window_bounds = array<i64: 1, 1000, 16>}, {transform_indices = @transform_1, window_bounds = array<i64: 1, 1000, 16>}, {transform_indices = @transform_2, window_bounds = array<i64: 1000, 16>}, {transform_indices = @transform_3, window_bounds = array<i64: 1000, 16>}, {pipeline_mode = #tpu.pipeline_mode<synchronous>, transform_indices = @transform_4, window_bounds = array<i64: 1, 16>}, {transform_indices = @transform_5, window_bounds = array<i64: 1, 1, 1000>}, {pipeline_mode = #tpu.pipeline_mode<synchronous>, transform_indices = @transform_6, window_bounds = array<i64: 16, 10>}, {pipeline_mode = #tpu.pipeline_mode<synchronous>, transform_indices = @transform_7, window_bounds = array<i64: 1, 10>}, {pipeline_mode = #tpu.pipeline_mode<synchronous>, transform_indices = @transform_8, window_bounds = array<i64: 64, 10>}]} {
    %eq3A = arith.constant 0 : i32
    %eq3A_0 = arith.cmpi eq, %arg0, %eq3A : i32
    %convert_element_type3A = arith.extui %eq3A_0 : i1 to i32
    %cond3A = arith.constant 0 : i32
    %cond3A_1 = arith.cmpi ne, %convert_element_type3A, %cond3A : i32
    scf.if %cond3A_1 {
      %broadcast_in_dim3A_53 = arith.constant 0.000000e+00 : f32
      %broadcast_in_dim3A_54 = vector.broadcast %broadcast_in_dim3A_53 : f32 to vector<64x16xf32>
      %swap3A_55 = arith.constant 0 : index
      %swap3A_56 = arith.constant 0 : index
      %swap3A_57 = vector.load %arg10[%swap3A_55, %swap3A_56] : memref<64x16xf32, #tpu.memory_space<vmem>>, vector<64x16xf32>
      tpu.vector_store %arg10[%swap3A_55, %swap3A_56], %broadcast_in_dim3A_54 {strides = array<i32>} : memref<64x16xf32, #tpu.memory_space<vmem>>, vector<64x16xf32>,
      %broadcast_in_dim3A_58 = arith.constant 0.000000e+00 : f32
      %broadcast_in_dim3A_59 = vector.broadcast %broadcast_in_dim3A_58 : f32 to vector<64x16xf32>
      %swap3A_60 = arith.constant 0 : index
      %swap3A_61 = arith.constant 0 : index
      %swap3A_62 = vector.load %arg11[%swap3A_60, %swap3A_61] : memref<64x16xf32, #tpu.memory_space<vmem>>, vector<64x16xf32>
      tpu.vector_store %arg11[%swap3A_60, %swap3A_61], %broadcast_in_dim3A_59 {strides = array<i32>} : memref<64x16xf32, #tpu.memory_space<vmem>>, vector<64x16xf32>,
    } else {
    }
    %get3A = arith.constant 0 : index
    %get3A_2 = arith.constant 0 : index
    %get3A_3 = vector.load %arg4[%get3A, %get3A_2] : memref<1000x16xf32, #tpu.memory_space<vmem>>, vector<1000x16xf32>
    %get3A_4 = arith.constant 0 : index
    %get3A_5 = arith.constant 0 : index
    %get3A_6 = arith.constant 0 : index
    %get3A_7 = vector.load %arg1[%get3A_4, %get3A_5, %get3A_6] : memref<1x1000x16xf32, #tpu.memory_space<vmem>>, vector<1x1000x16xf32>
    %get3A_8 = vector.shape_cast %get3A_7 : vector<1x1000x16xf32> to vector<1000x16xf32>
    %get3A_9 = arith.constant 0 : index
    %get3A_10 = arith.constant 0 : index
    %get3A_11 = arith.constant 0 : index
    %get3A_12 = vector.load %arg2[%get3A_9, %get3A_10, %get3A_11] : memref<1x1000x16xf32, #tpu.memory_space<vmem>>, vector<1x1000x16xf32>
    %get3A_13 = vector.shape_cast %get3A_12 : vector<1x1000x16xf32> to vector<1000x16xf32>
    %add3A = arith.addf %get3A_8, %get3A_13 : vector<1000x16xf32>
    %get3A_14 = arith.constant 0 : index
    %get3A_15 = arith.constant 0 : index
    %get3A_16 = vector.load %arg3[%get3A_14, %get3A_15] : memref<1000x16xf32, #tpu.memory_space<vmem>>, vector<1000x16xf32>
    %add3A_17 = arith.addf %add3A, %get3A_16 : vector<1000x16xf32>
    %mul3A = arith.mulf %get3A_3, %add3A_17 : vector<1000x16xf32>
    %get3A_18 = arith.constant 0 : index
    %get3A_19 = arith.constant 0 : index
    %get3A_20 = vector.load %arg5[%get3A_18, %get3A_19] : memref<1x16xf32, #tpu.memory_space<vmem>>, vector<1x16xf32>
    %add3A_21 = vector.broadcast %get3A_20 : vector<1x16xf32> to vector<1000x16xf32>
    %add3A_22 = arith.addf %mul3A, %add3A_21 : vector<1000x16xf32>
    %get3A_23 = arith.constant 0 : index
    %get3A_24 = arith.constant 0 : index
    %get3A_25 = arith.constant 0 : index
    %get3A_26 = vector.load %arg6[%get3A_23, %get3A_24, %get3A_25] : memref<1x1x1000xi32, #tpu.memory_space<vmem>>, vector<1x1x1000xi32>
    %reshape3A = vector.shape_cast %get3A_26 : vector<1x1x1000xi32> to vector<1x1000xi32>
    %iota3A = tpu.iota {dimensions = array<i32: 0>} : vector<64x1000xi32>
    %eq3A_27 = vector.broadcast %reshape3A : vector<1x1000xi32> to vector<64x1000xi32>
    %eq3A_28 = arith.cmpi eq, %iota3A, %eq3A_27 : vector<64x1000xi32>
    %convert_element_type3A_29 = arith.extui %eq3A_28 : vector<64x1000xi1> to vector<64x1000xi32>
    %convert_element_type3A_30 = arith.sitofp %convert_element_type3A_29 : vector<64x1000xi32> to vector<64x1000xf32>
    %get3A_31 = arith.constant 0 : index
    %get3A_32 = arith.constant 0 : index
    %get3A_33 = vector.load %arg10[%get3A_31, %get3A_32] : memref<64x16xf32, #tpu.memory_space<vmem>>, vector<64x16xf32>
    %dot_general3A = arith.constant dense<0.000000e+00> : vector<64x16xf32>
    %dot_general3A_34 = tpu.matmul %convert_element_type3A_30, %add3A_22, %dot_general3A {dimension_numbers = #tpu.dot_dimension_numbers<[1], [0], [0], [1], [0, 0, 1, 1], [], []>, transpose_lhs_hint = false} : vector<64x1000xf32>, vector<1000x16xf32>, vector<64x16xf32> -> vector<64x16xf32>
    %add3A_35 = arith.addf %get3A_33, %dot_general3A_34 : vector<64x16xf32>
    %swap3A = arith.constant 0 : index
    %swap3A_36 = arith.constant 0 : index
    %swap3A_37 = vector.load %arg10[%swap3A, %swap3A_36] : memref<64x16xf32, #tpu.memory_space<vmem>>, vector<64x16xf32>
    tpu.vector_store %arg10[%swap3A, %swap3A_36], %add3A_35 {strides = array<i32>} : memref<64x16xf32, #tpu.memory_space<vmem>>, vector<64x16xf32>,
    %get3A_38 = arith.constant 0 : index
    %get3A_39 = arith.constant 0 : index
    %get3A_40 = vector.load %arg11[%get3A_38, %get3A_39] : memref<64x16xf32, #tpu.memory_space<vmem>>, vector<64x16xf32>
    %broadcast_in_dim3A = arith.constant 1.000000e+00 : f32
    %broadcast_in_dim3A_41 = vector.broadcast %broadcast_in_dim3A : f32 to vector<1000x16xf32>
    %dot_general3A_42 = arith.constant dense<0.000000e+00> : vector<64x16xf32>
    %dot_general3A_43 = tpu.matmul %convert_element_type3A_30, %broadcast_in_dim3A_41, %dot_general3A_42 {dimension_numbers = #tpu.dot_dimension_numbers<[1], [0], [0], [1], [0, 0, 1, 1], [], []>, transpose_lhs_hint = false} : vector<64x1000xf32>, vector<1000x16xf32>, vector<64x16xf32> -> vector<64x16xf32>
    %add3A_44 = arith.addf %get3A_40, %dot_general3A_43 : vector<64x16xf32>
    %swap3A_45 = arith.constant 0 : index
    %swap3A_46 = arith.constant 0 : index
    %swap3A_47 = vector.load %arg11[%swap3A_45, %swap3A_46] : memref<64x16xf32, #tpu.memory_space<vmem>>, vector<64x16xf32>
    tpu.vector_store %arg11[%swap3A_45, %swap3A_46], %add3A_44 {strides = array<i32>} : memref<64x16xf32, #tpu.memory_space<vmem>>, vector<64x16xf32>,
    %eq3A_48 = arith.constant 9 : i32
    %eq3A_49 = arith.cmpi eq, %arg0, %eq3A_48 : i32
    %convert_element_type3A_50 = arith.extui %eq3A_49 : i1 to i32
    %cond3A_51 = arith.constant 0 : i32
    %cond3A_52 = arith.cmpi ne, %convert_element_type3A_50, %cond3A_51 : i32
    scf.if %cond3A_52 {
      %get3A_53 = arith.constant 0 : index
      %get3A_54 = arith.constant 0 : index
      %get3A_55 = vector.load %arg10[%get3A_53, %get3A_54] : memref<64x16xf32, #tpu.memory_space<vmem>>, vector<64x16xf32>
      %get3A_56 = arith.constant 0 : index
      %get3A_57 = arith.constant 0 : index
      %get3A_58 = vector.load %arg11[%get3A_56, %get3A_57] : memref<64x16xf32, #tpu.memory_space<vmem>>, vector<64x16xf32>
      %max3A = arith.constant 1.000000e+00 : f32
      %max3A_59 = vector.broadcast %max3A : f32 to vector<64x16xf32>
      %max3A_60 = arith.maximumf %get3A_58, %max3A_59 : vector<64x16xf32>
      %div3A = arith.divf %get3A_55, %max3A_60 : vector<64x16xf32>
      %get3A_61 = arith.constant 0 : index
      %get3A_62 = arith.constant 0 : index
      %get3A_63 = vector.load %arg7[%get3A_61, %get3A_62] : memref<16x10xf32, #tpu.memory_space<vmem>>, vector<16x10xf32>
      %dot_general3A_64 = arith.constant dense<0.000000e+00> : vector<64x10xf32>
      %dot_general3A_65 = tpu.matmul %div3A, %get3A_63, %dot_general3A_64 {dimension_numbers = #tpu.dot_dimension_numbers<[1], [0], [0], [1], [0, 0, 1, 1], [], []>, transpose_lhs_hint = false} : vector<64x16xf32>, vector<16x10xf32>, vector<64x10xf32> -> vector<64x10xf32>
      %get3A_66 = arith.constant 0 : index
      %get3A_67 = arith.constant 0 : index
      %get3A_68 = vector.load %arg8[%get3A_66, %get3A_67] : memref<1x10xf32, #tpu.memory_space<vmem>>, vector<1x10xf32>
      %add3A_69 = vector.broadcast %get3A_68 : vector<1x10xf32> to vector<64x10xf32>
      %add3A_70 = arith.addf %dot_general3A_65, %add3A_69 : vector<64x10xf32>
      %swap3A_71 = arith.constant 0 : index
      %swap3A_72 = arith.constant 0 : index
      %swap3A_73 = vector.load %arg9[%swap3A_71, %swap3A_72] : memref<64x10xf32, #tpu.memory_space<vmem>>, vector<64x10xf32>
      tpu.vector_store %arg9[%swap3A_71, %swap3A_72], %add3A_70 {strides = array<i32>} : memref<64x10xf32, #tpu.memory_space<vmem>>, vector<64x10xf32>,
    } else {
    }
    return
  }
  func.func @transform_0(%arg0: i32) -> (i32, i32, i32) {
    %c0_i32 = arith.constant 0 : i32
    %c0_i32_0 = arith.constant 0 : i32
    %c0_i32_1 = arith.constant 0 : i32
    return %c0_i32, %arg0, %c0_i32_0 : i32, i32, i32
  }
  func.func @transform_1(%arg0: i32) -> (i32, i32, i32) {
    %c1_i32 = arith.constant 1 : i32
    %c0_i32 = arith.constant 0 : i32
    %c0_i32_0 = arith.constant 0 : i32
    return %c1_i32, %arg0, %c0_i32 : i32, i32, i32
  }
  func.func @transform_2(%arg0: i32) -> (i32, i32) {
    %c0_i32 = arith.constant 0 : i32
    %c0_i32_0 = arith.constant 0 : i32
    return %arg0, %c0_i32 : i32, i32
  }
  func.func @transform_3(%arg0: i32) -> (i32, i32) {
    %c0_i32 = arith.constant 0 : i32
    %c0_i32_0 = arith.constant 0 : i32
    return %arg0, %c0_i32 : i32, i32
  }
  func.func @transform_4(%arg0: i32) -> (i32, i32) {
    %c0_i32 = arith.constant 0 : i32
    %c0_i32_0 = arith.constant 0 : i32
    %c0_i32_1 = arith.constant 0 : i32
    return %c0_i32, %c0_i32_0 : i32, i32
  }
  func.func @transform_5(%arg0: i32) -> (i32, i32, i32) {
    %c0_i32 = arith.constant 0 : i32
    %c0_i32_0 = arith.constant 0 : i32
    %c0_i32_1 = arith.constant 0 : i32
    return %arg0, %c0_i32, %c0_i32_0 : i32, i32, i32
  }
  func.func @transform_6(%arg0: i32) -> (i32, i32) {
    %c0_i32 = arith.constant 0 : i32
    %c0_i32_0 = arith.constant 0 : i32
    %c0_i32_1 = arith.constant 0 : i32
    return %c0_i32, %c0_i32_0 : i32, i32
  }
  func.func @transform_7(%arg0: i32) -> (i32, i32) {
    %c0_i32 = arith.constant 0 : i32
    %c0_i32_0 = arith.constant 0 : i32
    %c0_i32_1 = arith.constant 0 : i32
    return %c0_i32, %c0_i32_0 : i32, i32
  }
  func.func @transform_8(%arg0: i32) -> (i32, i32) {
    %c0_i32 = arith.constant 0 : i32
    %c0_i32_0 = arith.constant 0 : i32
    %c0_i32_1 = arith.constant 0 : i32
    return %c0_i32, %c0_i32_0 : i32, i32
  }
}

</mosaic_0001>

<sc_bundles>
// kernel: kernel.12.cloned.1.call-start
scs
__scs_entry_jumppad:
0x0: {  	(pc) =	sbr.rel $0x88, $3  }
0x1: {  	(tag) =	ssettag $0x0;
	lr =	simm.s32 $0x1  }
0x2: {  	[smem:$0x3F98] =	sst lr;
	_ =	strace $0xD0000000  }
0x3: {  	_ = 	snop  }
0x4: {  	_ = 	snop  }
0x5: {  	_ = 	snop  }
0x6: {  	_ = 	snop  }
0x7: {  	_ = 	snop  }
__scs_overlays_trampoline_lowered:
0x8: {  	[smem:$0x3FA7] =	sst s0  }
0x9: {  	[smem:$0x3FA8] =	sst s1  }
0xa: {  	[smem:$0x3FA9] =	sst s2  }
0xb: {  	[smem:$0x3FAA] =	sst s3  }
0xc: {  	[smem:$0x3FAB] =	sst s4  }
0xd: {  	[smem:$0x3FAC] =	sst s5  }
0xe: {  	[smem:$0x3FAD] =	sst s6  }
0xf: {  	[smem:$0x3FAE] =	sst s7  }
0x10: {  	[smem:$0x3FAF] =	sst s8  }
0x11: {  	[smem:$0x3FB0] =	sst s9;
	s0 =	simm.s32 @!p0 $0x0  }
0x12: {  	s1 =	sld [smem:$0x3F96];
	s0 =	simm.s32 @p0 $0x1  }
0x13: {  	[smem:$0x3FB1] =	sst s0;
	s0 =	simm.s32 @!p1 $0x0  }
0x14: {  	s2 =	sld [smem:$0x3F95];
	s0 =	simm.s32 @p1 $0x1  }
0x15: {  	[smem:$0x3FB2] =	sst s0;
	s0 =	simm.s32 @!p2 $0x0  }
0x16: {  	s3 =	sld [smem:$0x3FDB];
	s0 =	simm.s32 @p2 $0x1  }
0x17: {  	s4 =	simm.s32 $0x1BF5;
	[smem:$0x3FB4] =	sst s0  }
0x18: {  	s0 =	sld [smem:$0x3F97];
	_ =	swait.ge [sflag:s4], $0x0  }
0x19: {  	s7 =	sld [smem:$0x3F98]  }
0x1a: {  	s8 =	sadd.s32 $0xFFFFE003, lr  }
0x1b: {  	s9 =	sadd.s32 $0xFFFFFEF7, lr;
	s5 =	simm.s32 $0xFFFFFFFF;
	p2 =	slt.u32 s8, $0xFFFFF086  }
0x1c: {  	p1 =	slt.u32 s9, $0xF7A;
	s5 =	simm.s32 @!p2 $0x0  }
0x1d: {  	s5 =	simm.s32 @p1 $0x1;
	p0 =	seq.s32 s7, s2  }
0x1e: {  	s7 =	smul.u32 @!p0 $0xF7A, s2;
	p2 =	seq.s32 @!p0 s5, $0x0  }
0x1f: {  	s9 =	smul.u32 $0xF7A, s1;
	s8 =	simm.s32 @!p0 $0x1BF5;
	p2 =	por !p2, p0  }
0x20: {  	[sflag:s8] =	ssyncset.s32 @!p0 $0xFFFFF086;
	s6 =	sadd.s32 @!p0 s3, s7;
	s7 =	simm.s32 @!p0 $0x108  }
0x21: {  	s3 =	sadd.s32 s3, s9;
	s6 =	sadd.s32 @!p0 $0x88, s6;
	s7 =	simm.s32 @p2 $0x1082  }
0x22: {  	[simem:s7], [sflag:s8] =	dma.local @!p0 [hbm:s6], $0xF7A  }
0x23: {  	s9 =	sor.u32 $0xD0000000, s2;
	s6 =	simm.s32 $0x108;
	_ =	swait.ge @!p0 [sflag:s8], $0x0  }
0x24: {  	s3 =	sadd.s32 $0x88, s3;
	s6 =	simm.s32 @!p1 $0x1082;
	[sflag:s4] =	ssyncset.s32 $0xFFFFF086  }
0x25: {  	[simem:s6], [sflag:s4] =	dma.local [hbm:s3], $0xF7A  }
0x26: {  	[smem:$0x3F98] =	sst s1;
	(tag) =	ssettag s2;
	_ =	strace s9  }
0x27: {  	s1 =	sld [smem:$0x3FA8]  }
0x28: {  	s2 =	sld [smem:$0x3FA9]  }
0x29: {  	s4 =	sld [smem:$0x3FAB]  }
0x2a: {  	p0 =	seq.s32 s5, $0x0;
	s5 =	sld [smem:$0x3FAC]  }
0x2b: {  	s6 =	sld [smem:$0x3FAD]  }
0x2c: {  	s7 =	sld [smem:$0x3FAE]  }
0x2d: {  	s3 =	simm.s32 $0x108;
	s8 =	sld [smem:$0x3FAF]  }
0x2e: {  	s3 =	simm.s32 @!p0 $0x1082;
	s9 =	sld [smem:$0x3FB0]  }
0x2f: {  	lr =	sadd.s32 s0, s3;
	s0 =	sld [smem:$0x3FA7]  }
0x30: {  	s3 =	sld [smem:$0x3FAA]  }
0x31: {  	[smem:$0x3FB3] =	sst s10  }
0x32: {  	s10 =	sld [smem:$0x3FB1];
	_ =	sdelay $0x3  }
0x33: {  	p0 =	seq.s32 s10, $0x1;
	s10 =	sld [smem:$0x3FB3];
	_ =	sdelay $0x3  }
0x34: {  	[smem:$0x3FB3] =	sst s10  }
0x35: {  	s10 =	sld [smem:$0x3FB2];
	_ =	sdelay $0x3  }
0x36: {  	p1 =	seq.s32 s10, $0x1;
	s10 =	sld [smem:$0x3FB3];
	_ =	sdelay $0x3  }
0x37: {  	[smem:$0x3FB3] =	sst s10  }
0x38: {  	s10 =	sld [smem:$0x3FB4]  }
0x39: {  	_ = 	snop;
	(pc) =	sbr.ind lr, $3  }
0x3a: {  	_ = 	snop  }
0x3b: {  	_ = 	snop  }
0x3c: {  	p2 =	seq.s32 s10, $0x1;
	s10 =	sld [smem:$0x3FB3]  }
0x3d: {  	_ =	shalt  }
0x3e: {  	_ =	shalt  }
0x3f: {  	_ =	shalt  }
0x40: {  	_ =	shalt  }
0x41: {  	_ =	shalt  }
0x42: {  	_ =	shalt  }
0x43: {  	_ =	shalt  }
0x44: {  	_ =	shalt  }
0x45: {  	_ =	shalt  }
0x46: {  	_ =	shalt  }
0x47: {  	_ =	shalt  }
0x48: {  	_ =	shalt  }
0x49: {  	_ =	shalt  }
0x4a: {  	_ =	shalt  }
0x4b: {  	_ =	shalt  }
0x4c: {  	_ =	shalt  }
0x4d: {  	_ =	shalt  }
0x4e: {  	_ =	shalt  }
0x4f: {  	_ =	shalt  }
0x50: {  	_ =	shalt  }
0x51: {  	_ =	shalt  }
0x52: {  	_ =	shalt  }
0x53: {  	_ =	shalt  }
0x54: {  	_ =	shalt  }
0x55: {  	_ =	shalt  }
0x56: {  	_ =	shalt  }
0x57: {  	_ =	shalt  }
0x58: {  	_ =	shalt  }
0x59: {  	_ =	shalt  }
0x5a: {  	_ =	shalt  }
0x5b: {  	_ =	shalt  }
0x5c: {  	_ =	shalt  }
0x5d: {  	_ =	shalt  }
0x5e: {  	_ =	shalt  }
0x5f: {  	_ =	shalt  }
0x60: {  	_ =	shalt  }
0x61: {  	_ =	shalt  }
0x62: {  	_ =	shalt  }
0x63: {  	_ =	shalt  }
0x64: {  	_ =	shalt  }
0x65: {  	_ =	shalt  }
0x66: {  	_ =	shalt  }
0x67: {  	_ =	shalt  }
0x68: {  	_ =	shalt  }
0x69: {  	_ =	shalt  }
0x6a: {  	_ =	shalt  }
0x6b: {  	_ =	shalt  }
0x6c: {  	_ =	shalt  }
0x6d: {  	_ =	shalt  }
0x6e: {  	_ =	shalt  }
0x6f: {  	_ =	shalt  }
0x70: {  	_ =	shalt  }
0x71: {  	_ =	shalt  }
0x72: {  	_ =	shalt  }
0x73: {  	_ =	shalt  }
0x74: {  	_ =	shalt  }
0x75: {  	_ =	shalt  }
0x76: {  	_ =	shalt  }
0x77: {  	_ =	shalt  }
0x78: {  	_ =	shalt  }
0x79: {  	_ =	shalt  }
0x7a: {  	_ =	shalt  }
0x7b: {  	_ =	shalt  }
0x7c: {  	_ =	shalt  }
0x7d: {  	_ =	shalt  }
0x7e: {  	_ =	shalt  }
0x7f: {  	_ =	shalt  }
0x80: {  	_ =	shalt  }
0x81: {  	_ =	shalt  }
0x82: {  	_ =	shalt  }
0x83: {  	_ =	shalt  }
0x84: {  	_ =	shalt  }
0x85: {  	_ =	shalt  }
0x86: {  	_ =	shalt  }
0x87: {  	_ =	shalt  }
.Lfunc_end0:
.L_simem_size_0:
called_computation.1_lowered:
.L_overlay_start_0:
0x88: {  	s2 =	sld [smem:$0x3FD9]  }
0x89: {  	s3 =	sld [smem:$0x3FFE];
	_ =	sdelay $0x1  }
0x8a: {  	s1 =	srdreg.scid  }
0x8b: {  	s0 =	sand.u32 $0x1, s1  }
0x8c: {  	s16 =	sshll.u32 s0, $0xA;
	s2 =	sadd.s32 s3, s2  }
0x8d: {  	s2 =	sadd.s32 s2, s16  }
0x8e: {  	[smem:$0x3FBF] =	sst s2  }
0x8f: {  	_ = 	snop  }
0x90: {  	(tm) =	ssettm $0x1  }
0x91: {  	s17 =	sld [smem:$0x3FFB];
	_ =	sdelay $0x3  }
0x92: {  	_ =	strace s17  }
0x93: {  	s2 =	sld [smem:$0x3FFC];
	_ =	sdelay $0x3  }
0x94: {  	_ =	strace s2  }
0x95: {  	s2 =	sld [smem:$0x3FFD];
	_ =	sdelay $0x3  }
0x96: {  	_ =	strace s2  }
0x97: {  	_ =	strace $0x8FFFFFFF  }
0x98: {  	s18 =	sld [smem:$0x3FDB];
	_ =	sdelay $0x1  }
0x99: {  	s19 =	simm.s32 $_scs_section_size  }
0x9a: {  	s4 =	simm.s32 $_size__tile_overlayer_lowered;
	s5 =	simm.s32 $_tile_overlayer_lowered  }
0x9b: {  	s22 =	simm.s32 $0x1BFF;
	s21 =	sshll.u32 s5, $0x1;
	s2 =	sadd.s32 s19, s18  }
0x9c: {  	s6 =	simm.s32 $0x0;
	s20 =	sshll.u32 s4, $0x1;
	s4 =	sadd.s32 s21, s2  }
0x9d: {  	[timem:s6], [sflag:s22] =	dma.local [hbm:s4], s20  }
0x9e: {  	_ =	swait.ge [sflag:s22], s20  }
0x9f: {  	s3 =	ssub.s32 $0x0, s20;
	[sflag:s22] =	ssyncset.done $0x0  }
0xa0: {  	[sflag:s22] =	ssyncadd.s32 s3;
	_ =	sdelay $0x1  }
0xa1: {  	s23 =	simm.s32 $0x1B8B  }
0xa2: {  	_ =	swait.ge [sflag:s23], $0x1  }
0xa3: {  	[sflag:s23] =	ssyncset.done $0x0  }
0xa4: {  	s25 =	simm.s32 $0x1B8E;
	s24 =	sld [smem:$0x3FFE];
	[sflag:s23] =	ssyncadd.s32 $0xFFFFFFFF  }
0xa5: {  	s26 =	simm.s32 $execute0_lowered;
	[smem:$0x3FD2] =	sst s25  }
0xa6: {  	s4 =	sshll.u32 s26, $0x1;
	_ =	strace $0x80000049;
	[dreg:$0x1] =	wrdreg $0xFFFFFFFF  }
0xa7: {  	s28 =	simm.s32 $_size_execute0_lowered;
	s2 =	sadd.s32 s2, s4;
	[dreg:$0x0] =	wrdreg $0x0  }
0xa8: {  	s4 =	sshll.u32 s28, $0x1;
	[dreg:$0x2] =	wrdreg s2  }
0xa9: {  	[dreg:$0x3] =	wrdreg s4  }
0xaa: {  	[dreg:$0x4] =	wrdreg $0xC0  }
0xab: {  	_ =	task [dreg:s6], $0x5FFFF  }
0xac: {  	[dreg:$0x1] =	wrdreg $0xFFFFFFFF  }
0xad: {  	[dreg:$0x0] =	wrdreg $0x60  }
0xae: {  	[dreg:$0x2] =	wrdreg s24  }
0xaf: {  	[dreg:$0x3] =	wrdreg $0x90000  }
0xb0: {  	[dreg:$0x4] =	wrdreg $0xB8000  }
0xb1: {  	[dreg:$0x5] =	wrdreg $0x9  }
0xb2: {  	_ =	task.clear_ibuf [dreg:s6], $0x6FFFF;
	_ =	strace $0x90000049  }
0xb3: {  	s29 =	simm.s32 $0x9;
	_ =	strace $0x8000004B  }
0xb4: {  	_ =	swait.ge [sflag:s29], $0x1  }
0xb5: {  	[sflag:s29] =	ssyncadd.s32 $0xFFFFFFFF  }
0xb6: {  	_ =	strace $0x9000004B  }
0xb7: {  	_ =	sfence  }
0xb8: {  	s30 =	sld [smem:$0x0];
	_ =	sdelay $0x2  }
0xb9: {  	s31 =	sshll.u32 s1, $0xD;
	s1 =	sshrl.u32 s1, $0x2  }
0xba: {  	s3 =	sand.u32 $0x4000, s31;
	s1 =	sadd.s32 s1, s30  }
0xbb: {  	s0 =	sor.u32 s3, s0;
	s1 =	sshll.u32 s1, $0x11  }
0xbc: {  	s0 =	sor.u32 s1, s0  }
0xbd: {  	s0 =	sadd.s32 $0x8F2B, s0  }
0xbe: {  	[sflag:s0] =	ssyncadd.remote.s32 $0x1  }
0xbf: {  	_ =	sfence.sel $0xFFFF  }
0xc0: {  	[dreg:$0x0] =	wrdreg $0xFFFFFFFF;
	(pc) =	sbr.abs _section_cstart, $3  }
0xc1: {  	[dreg:$0x1] =	wrdreg $0xFFFFFFFF  }
0xc2: {  	_ =	task.clear_ibuf [dreg:s6], $0x2FFFF;
	_ =	strace $0x9FFFFFFF  }
0xc3: {  	(tm) =	ssettm $0x7FFFFFFF  }
tec
execute0_lowered:
.L_overlay_start_1:
0x0: {  	(tag) =	ssettag $0x1  }
0x1: {  	s0 =	rddreg [dreg:$0x0]  }
0x2: {  	s2 =	rddreg [dreg:$0x1]  }
0x3: {  	s3 =	rddreg [dreg:$0x2]  }
0x4: {  	s11 =	stileid.u32;
	s1 =	srdreg.scid;
	s5 =	simm.s32 $0x0  }
0x5: {  	s15 =	simm.s32 $0x11;
	s28 =	simm.s32 $0x1;
	s29 =	simm.s32 $0x7000  }
0x6: {  	s30 =	simm.s32 $0x2;
	s31 =	simm.s32 $0x7800;
	s17 =	simm.s32 $0x0  }
0x7: {  	s4 =	smul.u32 $0x2800, s11;
	s1 =	sand.u32 $0x1, s1;
	[smem:$0x7FF] =	sst s5  }
0x8: {  	s21 =	sshll.u32 s11, $0x6;
	s22 =	sadd.s32 $0x15700, s0;
	p0 =	seq.s32 s11, $0xF  }
0x9: {  	s19 =	sshll.u32 s1, $0x4;
	s6 =	smul.u32 $0x28000, s1;
	_ =	strace $0x8000004A  }
0xa: {  	s1 =	ssub.s32 $0x2, s1;
	[dreg:$0x6] =	wrdreg s22;
	s22 =	simm.s32 $0x5800  }
0xb: {  	s5 =	sor.u32 s11, s19;
	s7 =	sshrl.u32 s4, $0x3;
	s20 =	sshrl.u32 s1, $0x1  }
0xc: {  	s9 =	sadd.s32 s4, s2;
	s19 =	simm.s32 $0x4;
	s5 =	smul.u32 $0x500, s5  }
0xd: {  	s6 =	sadd.s32 s4, s6;
	s7 =	sadd.s32 s7, s0;
	s1 =	ssub.s32 s1, s20  }
0xe: {  	s4 =	sadd.s32 s4, s3;
	s14 =	sshrl.u32 s9, $0x3;
	s20 =	simm.s32 $0x80  }
0xf: {  	s9 =	simm.s32 $0x8;
	s6 =	sshrl.u32 s6, $0x3;
	s10 =	sadd.s32 $0xBC00, s7  }
0x10: {  	s7 =	sadd.s32 $0x10C00, s7;
	s26 =	smax.u32 s1, $0x1;
	s1 =	simm.s32 $0x8000  }
0x11: {  	s5 =	sadd.s32 s5, s0;
	s8 =	sadd.s32 s6, s0;
	[dreg:$0x4] =	wrdreg s10  }
0x12: {  	s6 =	sor.u32 $0x1C11, s21;
	[dreg:$0x5] =	wrdreg s7;
	s7 =	sadd.s32 $0x25800, s3  }
0x13: {  	s10 =	sadd.s32 $0x27100, s3;
	s0 =	sadd.s32 $0x10A20, s0;
	[dreg:$0xb] =	wrdreg s26  }
0x14: {  	s21 =	simm.s32 $0x5000;
	[dreg:$0x7] =	wrdreg s0;
	s23 =	sadd.s32 $0x1AC00, s5  }
0x15: {  	s26 =	simm.s32 $0x6800;
	s24 =	sadd.s32 $0x1C00, s5;
	[dreg:$0x8] =	wrdreg s23  }
0x16: {  	s25 =	sadd.s32 $0x24C00, s8;
	s0 =	sshrl.u32 @p0 s7, $0x3;
	[dreg:$0x9] =	wrdreg s24  }
.Ltmp0:
0x17: {  	s5 =	simm.s32 $0x9;
	[dreg:$0xa] =	wrdreg s25;
	(pc) =	sbr.rel .LBB2_1-.Ltmp0, $4  }
0x18: {  	s7 =	simm.s32 $0x7;
	s8 =	simm.s32 $0xB;
	[dreg:$0xc] =	wrdreg s0  }
0x19: {  	s0 =	sshrl.u32 @p0 s10, $0x3;
	s24 =	simm.s32 $0x6000;
	s23 =	simm.s32 $0x8800  }
0x1a: {  	s25 =	simm.s32 $0x5;
	[dreg:$0xd] =	wrdreg s0;
	s0 =	sshrl.u32 @!p0 s4, $0x3  }
0x1b: {  	s10 =	simm.s32 $0xC;
	[dreg:$0xe] =	wrdreg s0;
	s0 =	simm.s32 $0x3  }
.LBB2_4:
0x1c: {  	_ =	swait.ge [sflag:s9], $0x800  }
0x1d: {  	[sflag:s9] =	ssyncset.done $0x0  }
0x1e: {  	[sflag:s9] =	ssyncadd.s32 $0xFFFFF800  }
0x1f: {  	[spmem:s2] =	stream.indirect.scatter.add.f32 [tilespmem:s23], [sflag:$0x10], $0x10, s11, s20, $0xb8;
	[tilespmem:$0xE000] =	vst v63  }
0x20: {  	_ =	swait.ge [sflag:s10], $0x800  }
0x21: {  	[sflag:s10] =	ssyncset.done $0x0  }
0x22: {  	s4 =	simm.s32 $0xD;
	[sflag:s10] =	ssyncadd.s32 $0xFFFFF800  }
0x23: {  	_ =	swait.ge [sflag:s4], $0x800  }
0x24: {  	[sflag:s4] =	ssyncset.done $0x0  }
0x25: {  	s11 =	simm.s32 $0xE;
	[sflag:s4] =	ssyncadd.s32 $0xFFFFF800  }
0x26: {  	_ =	swait.ge [sflag:s11], $0x800  }
0x27: {  	[sflag:s11] =	ssyncset.done $0x0  }
0x28: {  	s12 =	simm.s32 $0xF;
	[sflag:s11] =	ssyncadd.s32 $0xFFFFF800  }
0x29: {  	_ =	swait.ge [sflag:s12], $0x800  }
0x2a: {  	[sflag:s12] =	ssyncset.done $0x0  }
0x2b: {  	s13 =	simm.s32 $0x10;
	[sflag:s12] =	ssyncadd.s32 $0xFFFFF800  }
0x2c: {  	_ =	swait.ge [sflag:s13], $0x800  }
0x2d: {  	[sflag:s13] =	ssyncset.done $0x0  }
0x2e: {  	[sflag:s13] =	ssyncadd.s32 $0xFFFFF800  }
0x2f: {  	[bflag:$0x0] =	sbarrier.arrive $0xFFFF  }
0x30: {  	s16 =	rddreg [dreg:$0xa]  }
0x31: {  	[hbm:s16], [sflag:s6] =	dma.local [spmem:s14], $0x500  }
0x32: {  	_ =	swait.ge [sflag:s15], $0x500  }
0x33: {  	s17 =	sadd.s32 $0x1, s17;
	s18 =	rddreg [dreg:$0xb]  }
0x34: {  	p1 =	sne.s32 s17, s18  }
.Ltmp1:
0x35: {  	_ = 	snop;
	(pc) =	sbr.rel @!p1 .LBB2_5-.Ltmp1, $3  }
0x36: {  	_ =	sdelay $0x1  }
0x37: {  	[sflag:s15] =	ssyncset.done $0x0  }
0x38: {  	[sflag:s15] =	ssyncadd.s32 $0xFFFFFB00  }
.LBB2_1:
0x39: {  	s4 =	rddreg [dreg:$0x4]  }
0x3a: {  	[spmem:s14], [sflag:s6] =	dma.local [hbm:s4], $0x500  }
0x3b: {  	_ =	swait.ge [sflag:s15], $0x500  }
0x3c: {  	[sflag:s15] =	ssyncset.done $0x0;
	s4 =	rddreg [dreg:$0x6]  }
0x3d: {  	s11 =	rddreg [dreg:$0xc];
	[sflag:s15] =	ssyncadd.s32 $0xFFFFFB00  }
0x3e: {  	[spmem:s11], [sflag:s6] =	dma.local @p0 [hbm:s4], $0x320  }
0x3f: {  	s4 =	simm.s32 @p0 $0x11  }
0x40: {  	_ =	swait.ge @p0 [sflag:s4], $0x320  }
0x41: {  	[sflag:s4] =	ssyncset.done @p0 $0x0;
	s11 =	rddreg [dreg:$0x7]  }
0x42: {  	s12 =	rddreg [dreg:$0xd];
	[sflag:s4] =	ssyncadd.s32 @p0 $0xFFFFFCE0  }
0x43: {  	[spmem:s12], [sflag:s6] =	dma.local @p0 [hbm:s11], $0x1E0  }
0x44: {  	_ =	swait.ge @p0 [sflag:s4], $0x1E0  }
0x45: {  	[sflag:s4] =	ssyncset.done @p0 $0x0;
	s11 =	rddreg [dreg:$0xe]  }
0x46: {  	[sflag:s4] =	ssyncadd.s32 @p0 $0xFFFFFE20;
	s4 =	rddreg [dreg:$0x5]  }
0x47: {  	[spmem:s11], [sflag:s6] =	dma.local @!p0 [hbm:s4], $0x500  }
0x48: {  	s4 =	simm.s32 @!p0 $0x11  }
0x49: {  	_ =	swait.ge @!p0 [sflag:s4], $0x500  }
0x4a: {  	[sflag:s4] =	ssyncset.done @!p0 $0x0  }
0x4b: {  	s16 =	simm.s32 $0x0;
	s18 =	rddreg [dreg:$0x8];
	[sflag:s4] =	ssyncadd.s32 @!p0 $0xFFFFFB00  }
0x4c: {  	[tilespmem:s16], [sflag:$0x11] =	stream.linear.gather [hbm4b:s18+s16], $0x2800, $0x38;
	[tilespmem:$0xE000] =	vst v63  }
0x4d: {  	_ =	swait.ge [sflag:s15], $0x2800  }
0x4e: {  	[sflag:s15] =	ssyncset.done $0x0  }
0x4f: {  	s13 =	simm.s32 $0x2800;
	s12 =	rddreg [dreg:$0x9];
	[sflag:s15] =	ssyncadd.s32 $0xFFFFD800  }
0x50: {  	[tilespmem:s13], [sflag:$0x11] =	stream.linear.gather [hbm4b:s12+s16], $0x2800, $0x38;
	[tilespmem:$0xE000] =	vst v63  }
0x51: {  	_ =	swait.ge [sflag:s15], $0x2800  }
0x52: {  	[sflag:s15] =	ssyncset.done $0x0  }
0x53: {  	[sflag:s15] =	ssyncadd.s32 $0xFFFFD800  }
0x54: {  	[bflag:$0x0] =	sbarrier.arrive $0xFFFF  }
0x55: {  	[tilespmem:s21], [sflag:$0x1] =	stream.indirect.gather [spmem:s3], $0x10, s16, s20, $0xb8;
	[tilespmem:$0xE000] =	vst v63  }
0x56: {  	_ = 	snop  }
0x57: {  	[tilespmem:s22], [sflag:$0x2] =	stream.indirect.gather [spmem:s3], $0x10, s20, s20, $0xb8;
	[tilespmem:$0xE000] =	vst v63  }
0x58: {  	s16 =	simm.s32 $0x100  }
0x59: {  	[tilespmem:s24], [sflag:$0x3] =	stream.indirect.gather [spmem:s3], $0x10, s16, s20, $0xb8;
	[tilespmem:$0xE000] =	vst v63  }
0x5a: {  	s18 =	simm.s32 $0x180  }
0x5b: {  	[tilespmem:s26], [sflag:$0x4] =	stream.indirect.gather [spmem:s3], $0x10, s18, s20, $0xb8;
	[tilespmem:$0xE000] =	vst v63  }
0x5c: {  	s18 =	simm.s32 $0x0  }
.LBB2_2:
0x5d: {  	_ =	swait.ge [sflag:s28], $0x800  }
0x5e: {  	s4 =	sshra.s32 s18, $0x2;
	[sflag:s28] =	ssyncset.done $0x0  }
0x5f: {  	p1 =	seq.s32 s18, $0x0;
	s11 =	sadd.s32 $0x2800, s4;
	[sflag:s28] =	ssyncadd.s32 $0xFFFFF800  }
0x60: {  	[spmem:s2] =	stream.indirect.scatter.add.f32 [tilespmem:s21], [sflag:$0x9], $0x10, s11, s20, $0xb8;
	[tilespmem:$0xE000] =	vst v63  }
0x61: {  	s11 =	simm.s32 @!p1 $0xD  }
0x62: {  	_ =	swait.ge @!p1 [sflag:s11], $0x800  }
0x63: {  	[sflag:s11] =	ssyncset.done @!p1 $0x0  }
0x64: {  	s12 =	sadd.s32 $0x200, s4;
	[sflag:s11] =	ssyncadd.s32 @!p1 $0xFFFFF800  }
0x65: {  	[tilespmem:s29], [sflag:$0x5] =	stream.indirect.gather [spmem:s3], $0x10, s12, s20, $0xb8;
	[tilespmem:$0xE000] =	vst v63  }
0x66: {  	_ =	swait.ge [sflag:s30], $0x800  }
0x67: {  	[sflag:s30] =	ssyncset.done $0x0  }
0x68: {  	s13 =	sadd.s32 $0x2880, s4;
	s11 =	simm.s32 @!p1 $0xE;
	[sflag:s30] =	ssyncadd.s32 $0xFFFFF800  }
0x69: {  	[spmem:s2] =	stream.indirect.scatter.add.f32 [tilespmem:s22], [sflag:$0xA], $0x10, s13, s20, $0xb8;
	[tilespmem:$0xE000] =	vst v63  }
0x6a: {  	_ =	swait.ge @!p1 [sflag:s11], $0x800  }
0x6b: {  	[sflag:s11] =	ssyncset.done @!p1 $0x0  }
0x6c: {  	s16 =	sadd.s32 $0x280, s4;
	[sflag:s11] =	ssyncadd.s32 @!p1 $0xFFFFF800  }
0x6d: {  	[tilespmem:s31], [sflag:$0x6] =	stream.indirect.gather [spmem:s3], $0x10, s16, s20, $0xb8;
	[tilespmem:$0xE000] =	vst v63  }
0x6e: {  	_ =	swait.ge [sflag:s0], $0x800  }
0x6f: {  	[sflag:s0] =	ssyncset.done $0x0  }
0x70: {  	s12 =	sadd.s32 $0x2900, s4;
	s11 =	simm.s32 @!p1 $0xF;
	[sflag:s0] =	ssyncadd.s32 $0xFFFFF800  }
0x71: {  	[spmem:s2] =	stream.indirect.scatter.add.f32 [tilespmem:s24], [sflag:$0xB], $0x10, s12, s20, $0xb8;
	[tilespmem:$0xE000] =	vst v63  }
0x72: {  	_ =	swait.ge @!p1 [sflag:s11], $0x800  }
0x73: {  	[sflag:s11] =	ssyncset.done @!p1 $0x0  }
0x74: {  	s13 =	sadd.s32 $0x300, s4;
	[sflag:s11] =	ssyncadd.s32 @!p1 $0xFFFFF800  }
0x75: {  	[tilespmem:s1], [sflag:$0x7] =	stream.indirect.gather [spmem:s3], $0x10, s13, s20, $0xb8;
	[tilespmem:$0xE000] =	vst v63  }
0x76: {  	_ =	swait.ge [sflag:s19], $0x800  }
0x77: {  	[sflag:s19] =	ssyncset.done $0x0  }
0x78: {  	s16 =	sadd.s32 $0x2980, s4;
	s11 =	simm.s32 @!p1 $0x10;
	[sflag:s19] =	ssyncadd.s32 $0xFFFFF800  }
0x79: {  	[spmem:s2] =	stream.indirect.scatter.add.f32 [tilespmem:s26], [sflag:$0xC], $0x10, s16, s20, $0xb8;
	[tilespmem:$0xE000] =	vst v63  }
0x7a: {  	_ =	swait.ge @!p1 [sflag:s11], $0x800  }
0x7b: {  	[sflag:s11] =	ssyncset.done @!p1 $0x0  }
0x7c: {  	s12 =	sadd.s32 $0x380, s4;
	[sflag:s11] =	ssyncadd.s32 @!p1 $0xFFFFF800  }
0x7d: {  	[tilespmem:s23], [sflag:$0x8] =	stream.indirect.gather [spmem:s3], $0x10, s12, s20, $0xb8;
	[tilespmem:$0xE000] =	vst v63  }
0x7e: {  	_ =	swait.ge [sflag:s25], $0x800  }
0x7f: {  	[sflag:s25] =	ssyncset.done $0x0  }
0x80: {  	s13 =	sadd.s32 $0x2A00, s4;
	[sflag:s25] =	ssyncadd.s32 $0xFFFFF800  }
0x81: {  	[spmem:s2] =	stream.indirect.scatter.add.f32 [tilespmem:s29], [sflag:$0xD], $0x10, s13, s20, $0xb8;
	[tilespmem:$0xE000] =	vst v63  }
0x82: {  	_ =	swait.ge [sflag:s5], $0x800  }
0x83: {  	p1 =	seq.s32 s18, $0x9000;
	[sflag:s5] =	ssyncset.done $0x0  }
0x84: {  	s11 =	simm.s32 @p1 $0x6;
	[sflag:s5] =	ssyncadd.s32 $0xFFFFF800  }
0x85: {  	_ =	swait.ge @p1 [sflag:s11], $0x800  }
0x86: {  	[sflag:s11] =	ssyncset.done @p1 $0x0  }
0x87: {  	[sflag:s11] =	ssyncadd.s32 @p1 $0xFFFFF800;
	s11 =	sshra.s32 @p1 s18, $0x2  }
0x88: {  	s12 =	simm.s32 @p1 $0x80;
	s13 =	simm.s32 @p1 $0x7800;
	s11 =	sadd.s32 @p1 $0x2A80, s11  }
0x89: {  	[spmem:s2] =	stream.indirect.scatter.add.f32 @p1 [tilespmem:s13], [sflag:$0xE], $0x10, s11, s12, $0xb8;
	[tilespmem:$0xE000] =	vst v63  }
0x8a: {  	s11 =	simm.s32 @p1 $0xA  }
0x8b: {  	_ =	swait.ge @p1 [sflag:s11], $0x800  }
0x8c: {  	[sflag:s11] =	ssyncset.done @p1 $0x0  }
0x8d: {  	[sflag:s11] =	ssyncadd.s32 @p1 $0xFFFFF800;
	s11 =	sshra.s32 @!p1 s18, $0x2  }
0x8e: {  	s16 =	simm.s32 @!p1 $0x5000;
	s13 =	simm.s32 @!p1 $0x80;
	s12 =	sadd.s32 @!p1 $0x400, s11  }
0x8f: {  	[tilespmem:s16], [sflag:$0x1] =	stream.indirect.gather @!p1 [spmem:s3], $0x10, s12, s13, $0xb8;
	[tilespmem:$0xE000] =	vst v63  }
0x90: {  	s12 =	simm.s32 @!p1 $0x6  }
0x91: {  	_ =	swait.ge @!p1 [sflag:s12], $0x800  }
0x92: {  	[sflag:s12] =	ssyncset.done @!p1 $0x0  }
0x93: {  	s16 =	simm.s32 @!p1 $0x7800;
	[sflag:s12] =	ssyncadd.s32 @!p1 $0xFFFFF800;
	s12 =	sadd.s32 @!p1 $0x2A80, s11  }
0x94: {  	[spmem:s2] =	stream.indirect.scatter.add.f32 @!p1 [tilespmem:s16], [sflag:$0xE], $0x10, s12, s13, $0xb8;
	[tilespmem:$0xE000] =	vst v63  }
0x95: {  	s12 =	simm.s32 @!p1 $0xA  }
0x96: {  	_ =	swait.ge @!p1 [sflag:s12], $0x800  }
0x97: {  	[sflag:s12] =	ssyncset.done @!p1 $0x0  }
0x98: {  	s11 =	sadd.s32 @!p1 $0x480, s11;
	[sflag:s12] =	ssyncadd.s32 @!p1 $0xFFFFF800;
	s12 =	simm.s32 @!p1 $0x5800  }
0x99: {  	[tilespmem:s12], [sflag:$0x2] =	stream.indirect.gather @!p1 [spmem:s3], $0x10, s11, s13, $0xb8;
	[tilespmem:$0xE000] =	vst v63  }
0x9a: {  	_ =	swait.ge [sflag:s7], $0x800  }
0x9b: {  	[sflag:s7] =	ssyncset.done $0x0  }
.Ltmp2:
0x9c: {  	s16 =	sadd.s32 $0x2B00, s4;
	[sflag:s7] =	ssyncadd.s32 $0xFFFFF800;
	(pc) =	sbr.rel @p1 .LBB2_4-.Ltmp2, $4  }
0x9d: {  	[spmem:s2] =	stream.indirect.scatter.add.f32 [tilespmem:s1], [sflag:$0xF], $0x10, s16, s20, $0xb8;
	[tilespmem:$0xE000] =	vst v63  }
0x9e: {  	_ =	swait.ge [sflag:s8], $0x800  }
0x9f: {  	[sflag:s8] =	ssyncset.done $0x0  }
0xa0: {  	s11 =	sadd.s32 $0x2B80, s4;
	[sflag:s8] =	ssyncadd.s32 $0xFFFFF800  }
0xa1: {  	s12 =	sadd.s32 $0x500, s4  }
0xa2: {  	[tilespmem:s24], [sflag:$0x3] =	stream.indirect.gather [spmem:s3], $0x10, s12, s20, $0xb8;
	[tilespmem:$0xE000] =	vst v63  }
0xa3: {  	_ =	swait.ge [sflag:s9], $0x800  }
0xa4: {  	[sflag:s9] =	ssyncset.done $0x0  }
0xa5: {  	[sflag:s9] =	ssyncadd.s32 $0xFFFFF800  }
0xa6: {  	[spmem:s2] =	stream.indirect.scatter.add.f32 [tilespmem:s23], [sflag:$0x10], $0x10, s11, s20, $0xb8;
	[tilespmem:$0xE000] =	vst v63  }
.Ltmp3:
0xa7: {  	_ = 	snop;
	(pc) =	sbr.rel .LBB2_2-.Ltmp3, $4  }
0xa8: {  	_ =	swait.ge [sflag:s10], $0x800  }
0xa9: {  	[sflag:s10] =	ssyncset.done $0x0  }
0xaa: {  	s16 =	sadd.s32 $0x580, s4;
	s18 =	sadd.s32 $0x1000, s18;
	[sflag:s10] =	ssyncadd.s32 $0xFFFFF800  }
0xab: {  	[tilespmem:s26], [sflag:$0x4] =	stream.indirect.gather [spmem:s3], $0x10, s16, s20, $0xb8;
	[tilespmem:$0xE000] =	vst v63  }
.LBB2_5:
0xac: {  	_ =	sfence.sel $0x180000  }
0xad: {  	[bflag:$0x0] =	sbarrier.arrive $0xFFFF  }
0xae: {  	_ =	strace $0x9000004A  }
0xaf: {  	s0 =	stileid.u32;
	[bflag:$0x2] =	sbarrier.arrive $0xFFFF  }
0xb0: {  	p0 =	sne.s32 s0, $0x0;
	s0 =	rddreg [dreg:$0x3]  }
0xb1: {  	s0 =	sadd.s32 @!p0 $0x100000, s0  }
0xb2: {  	[sflag:s0] =	ssyncadd.tile.s32 @!p0 $0x1;
	_ =	shalt  }
.Lfunc_end2:
_tile_overlayer_lowered:
.L_overlay_start_2:
0xb3: {  	(tag) =	ssettag $0x2  }
0xb4: {  	s0 =	rddreg [dreg:$0x0];
	s2 =	stileid.u32  }
0xb5: {  	s1 =	rddreg [dreg:$0x1];
	p0 =	sne.s32 s2, $0x0  }
0xb6: {  	s3 =	rddreg [dreg:$0x2];
	[bflag:$0x3] =	sbarrier.arrive $0xFFFF;
	s2 =	simm.s32 @!p0 $0x1C11  }
0xb7: {  	[timem:s3], [sflag:s2] =	dma.local @!p0 [hbm:s0], s1  }
0xb8: {  	s0 =	simm.s32 @!p0 $0x11  }
0xb9: {  	_ =	swait.ge @!p0 [sflag:s0], s1  }
0xba: {  	s1 =	ssub.s32 @!p0 $0x0, s1;
	[sflag:s0] =	ssyncset.done @!p0 $0x0  }
0xbb: {  	[sflag:s0] =	ssyncadd.s32 @!p0 s1  }
0xbc: {  	[bflag:$0x3] =	sbarrier.arrive $0xFFFF  }
0xbd: {  	_ =	shalt  }

// kernel: kernel.15.cloned.1.call-start
scs
__scs_entry_jumppad:
0x0: {  	(pc) =	sbr.rel $0x88, $3  }
0x1: {  	(tag) =	ssettag $0x0;
	lr =	simm.s32 $0x1  }
0x2: {  	[smem:$0x3F98] =	sst lr;
	_ =	strace $0xD0000000  }
0x3: {  	_ = 	snop  }
0x4: {  	_ = 	snop  }
0x5: {  	_ = 	snop  }
0x6: {  	_ = 	snop  }
0x7: {  	_ = 	snop  }
__scs_overlays_trampoline_lowered:
0x8: {  	[smem:$0x3FA7] =	sst s0  }
0x9: {  	[smem:$0x3FA8] =	sst s1  }
0xa: {  	[smem:$0x3FA9] =	sst s2  }
0xb: {  	[smem:$0x3FAA] =	sst s3  }
0xc: {  	[smem:$0x3FAB] =	sst s4  }
0xd: {  	[smem:$0x3FAC] =	sst s5  }
0xe: {  	[smem:$0x3FAD] =	sst s6  }
0xf: {  	[smem:$0x3FAE] =	sst s7  }
0x10: {  	[smem:$0x3FAF] =	sst s8  }
0x11: {  	[smem:$0x3FB0] =	sst s9;
	s0 =	simm.s32 @!p0 $0x0  }
0x12: {  	s1 =	sld [smem:$0x3F96];
	s0 =	simm.s32 @p0 $0x1  }
0x13: {  	[smem:$0x3FB1] =	sst s0;
	s0 =	simm.s32 @!p1 $0x0  }
0x14: {  	s2 =	sld [smem:$0x3F95];
	s0 =	simm.s32 @p1 $0x1  }
0x15: {  	[smem:$0x3FB2] =	sst s0;
	s0 =	simm.s32 @!p2 $0x0  }
0x16: {  	s3 =	sld [smem:$0x3FDB];
	s0 =	simm.s32 @p2 $0x1  }
0x17: {  	s4 =	simm.s32 $0x1BF5;
	[smem:$0x3FB4] =	sst s0  }
0x18: {  	s0 =	sld [smem:$0x3F97];
	_ =	swait.ge [sflag:s4], $0x0  }
0x19: {  	s7 =	sld [smem:$0x3F98]  }
0x1a: {  	s8 =	sadd.s32 $0xFFFFE003, lr  }
0x1b: {  	s9 =	sadd.s32 $0xFFFFFEF7, lr;
	s5 =	simm.s32 $0xFFFFFFFF;
	p2 =	slt.u32 s8, $0xFFFFF086  }
0x1c: {  	p1 =	slt.u32 s9, $0xF7A;
	s5 =	simm.s32 @!p2 $0x0  }
0x1d: {  	s5 =	simm.s32 @p1 $0x1;
	p0 =	seq.s32 s7, s2  }
0x1e: {  	s7 =	smul.u32 @!p0 $0xF7A, s2;
	p2 =	seq.s32 @!p0 s5, $0x0  }
0x1f: {  	s9 =	smul.u32 $0xF7A, s1;
	s8 =	simm.s32 @!p0 $0x1BF5;
	p2 =	por !p2, p0  }
0x20: {  	[sflag:s8] =	ssyncset.s32 @!p0 $0xFFFFF086;
	s6 =	sadd.s32 @!p0 s3, s7;
	s7 =	simm.s32 @!p0 $0x108  }
0x21: {  	s3 =	sadd.s32 s3, s9;
	s6 =	sadd.s32 @!p0 $0x88, s6;
	s7 =	simm.s32 @p2 $0x1082  }
0x22: {  	[simem:s7], [sflag:s8] =	dma.local @!p0 [hbm:s6], $0xF7A  }
0x23: {  	s9 =	sor.u32 $0xD0000000, s2;
	s6 =	simm.s32 $0x108;
	_ =	swait.ge @!p0 [sflag:s8], $0x0  }
0x24: {  	s3 =	sadd.s32 $0x88, s3;
	s6 =	simm.s32 @!p1 $0x1082;
	[sflag:s4] =	ssyncset.s32 $0xFFFFF086  }
0x25: {  	[simem:s6], [sflag:s4] =	dma.local [hbm:s3], $0xF7A  }
0x26: {  	[smem:$0x3F98] =	sst s1;
	(tag) =	ssettag s2;
	_ =	strace s9  }
0x27: {  	s1 =	sld [smem:$0x3FA8]  }
0x28: {  	s2 =	sld [smem:$0x3FA9]  }
0x29: {  	s4 =	sld [smem:$0x3FAB]  }
0x2a: {  	p0 =	seq.s32 s5, $0x0;
	s5 =	sld [smem:$0x3FAC]  }
0x2b: {  	s6 =	sld [smem:$0x3FAD]  }
0x2c: {  	s7 =	sld [smem:$0x3FAE]  }
0x2d: {  	s3 =	simm.s32 $0x108;
	s8 =	sld [smem:$0x3FAF]  }
0x2e: {  	s3 =	simm.s32 @!p0 $0x1082;
	s9 =	sld [smem:$0x3FB0]  }
0x2f: {  	lr =	sadd.s32 s0, s3;
	s0 =	sld [smem:$0x3FA7]  }
0x30: {  	s3 =	sld [smem:$0x3FAA]  }
0x31: {  	[smem:$0x3FB3] =	sst s10  }
0x32: {  	s10 =	sld [smem:$0x3FB1];
	_ =	sdelay $0x3  }
0x33: {  	p0 =	seq.s32 s10, $0x1;
	s10 =	sld [smem:$0x3FB3];
	_ =	sdelay $0x3  }
0x34: {  	[smem:$0x3FB3] =	sst s10  }
0x35: {  	s10 =	sld [smem:$0x3FB2];
	_ =	sdelay $0x3  }
0x36: {  	p1 =	seq.s32 s10, $0x1;
	s10 =	sld [smem:$0x3FB3];
	_ =	sdelay $0x3  }
0x37: {  	[smem:$0x3FB3] =	sst s10  }
0x38: {  	s10 =	sld [smem:$0x3FB4]  }
0x39: {  	_ = 	snop;
	(pc) =	sbr.ind lr, $3  }
0x3a: {  	_ = 	snop  }
0x3b: {  	_ = 	snop  }
0x3c: {  	p2 =	seq.s32 s10, $0x1;
	s10 =	sld [smem:$0x3FB3]  }
0x3d: {  	_ =	shalt  }
0x3e: {  	_ =	shalt  }
0x3f: {  	_ =	shalt  }
0x40: {  	_ =	shalt  }
0x41: {  	_ =	shalt  }
0x42: {  	_ =	shalt  }
0x43: {  	_ =	shalt  }
0x44: {  	_ =	shalt  }
0x45: {  	_ =	shalt  }
0x46: {  	_ =	shalt  }
0x47: {  	_ =	shalt  }
0x48: {  	_ =	shalt  }
0x49: {  	_ =	shalt  }
0x4a: {  	_ =	shalt  }
0x4b: {  	_ =	shalt  }
0x4c: {  	_ =	shalt  }
0x4d: {  	_ =	shalt  }
0x4e: {  	_ =	shalt  }
0x4f: {  	_ =	shalt  }
0x50: {  	_ =	shalt  }
0x51: {  	_ =	shalt  }
0x52: {  	_ =	shalt  }
0x53: {  	_ =	shalt  }
0x54: {  	_ =	shalt  }
0x55: {  	_ =	shalt  }
0x56: {  	_ =	shalt  }
0x57: {  	_ =	shalt  }
0x58: {  	_ =	shalt  }
0x59: {  	_ =	shalt  }
0x5a: {  	_ =	shalt  }
0x5b: {  	_ =	shalt  }
0x5c: {  	_ =	shalt  }
0x5d: {  	_ =	shalt  }
0x5e: {  	_ =	shalt  }
0x5f: {  	_ =	shalt  }
0x60: {  	_ =	shalt  }
0x61: {  	_ =	shalt  }
0x62: {  	_ =	shalt  }
0x63: {  	_ =	shalt  }
0x64: {  	_ =	shalt  }
0x65: {  	_ =	shalt  }
0x66: {  	_ =	shalt  }
0x67: {  	_ =	shalt  }
0x68: {  	_ =	shalt  }
0x69: {  	_ =	shalt  }
0x6a: {  	_ =	shalt  }
0x6b: {  	_ =	shalt  }
0x6c: {  	_ =	shalt  }
0x6d: {  	_ =	shalt  }
0x6e: {  	_ =	shalt  }
0x6f: {  	_ =	shalt  }
0x70: {  	_ =	shalt  }
0x71: {  	_ =	shalt  }
0x72: {  	_ =	shalt  }
0x73: {  	_ =	shalt  }
0x74: {  	_ =	shalt  }
0x75: {  	_ =	shalt  }
0x76: {  	_ =	shalt  }
0x77: {  	_ =	shalt  }
0x78: {  	_ =	shalt  }
0x79: {  	_ =	shalt  }
0x7a: {  	_ =	shalt  }
0x7b: {  	_ =	shalt  }
0x7c: {  	_ =	shalt  }
0x7d: {  	_ =	shalt  }
0x7e: {  	_ =	shalt  }
0x7f: {  	_ =	shalt  }
0x80: {  	_ =	shalt  }
0x81: {  	_ =	shalt  }
0x82: {  	_ =	shalt  }
0x83: {  	_ =	shalt  }
0x84: {  	_ =	shalt  }
0x85: {  	_ =	shalt  }
0x86: {  	_ =	shalt  }
0x87: {  	_ =	shalt  }
.Lfunc_end0:
.L_simem_size_0:
called_computation.2_lowered:
.L_overlay_start_0:
0x88: {  	s2 =	sld [smem:$0x3FD9]  }
0x89: {  	s3 =	sld [smem:$0x3FFE];
	_ =	sdelay $0x1  }
0x8a: {  	s1 =	srdreg.scid  }
0x8b: {  	s0 =	sand.u32 $0x1, s1  }
0x8c: {  	s16 =	sshll.u32 s0, $0xA;
	s2 =	sadd.s32 s3, s2  }
0x8d: {  	s2 =	sadd.s32 s2, s16  }
0x8e: {  	[smem:$0x3FBF] =	sst s2  }
0x8f: {  	_ = 	snop  }
0x90: {  	(tm) =	ssettm $0x1  }
0x91: {  	s17 =	sld [smem:$0x3FFB];
	_ =	sdelay $0x3  }
0x92: {  	_ =	strace s17  }
0x93: {  	s2 =	sld [smem:$0x3FFC];
	_ =	sdelay $0x3  }
0x94: {  	_ =	strace s2  }
0x95: {  	s2 =	sld [smem:$0x3FFD];
	_ =	sdelay $0x3  }
0x96: {  	_ =	strace s2  }
0x97: {  	_ =	strace $0x8FFFFFFF  }
0x98: {  	s18 =	sld [smem:$0x3FDB];
	_ =	sdelay $0x1  }
0x99: {  	s19 =	simm.s32 $_scs_section_size  }
0x9a: {  	s4 =	simm.s32 $_size__tile_overlayer_lowered;
	s5 =	simm.s32 $_tile_overlayer_lowered  }
0x9b: {  	s22 =	simm.s32 $0x1BFF;
	s21 =	sshll.u32 s5, $0x1;
	s2 =	sadd.s32 s19, s18  }
0x9c: {  	s6 =	simm.s32 $0x0;
	s20 =	sshll.u32 s4, $0x1;
	s4 =	sadd.s32 s21, s2  }
0x9d: {  	[timem:s6], [sflag:s22] =	dma.local [hbm:s4], s20  }
0x9e: {  	_ =	swait.ge [sflag:s22], s20  }
0x9f: {  	s3 =	ssub.s32 $0x0, s20;
	[sflag:s22] =	ssyncset.done $0x0  }
0xa0: {  	[sflag:s22] =	ssyncadd.s32 s3;
	_ =	sdelay $0x1  }
0xa1: {  	s23 =	simm.s32 $0x1B8B  }
0xa2: {  	_ =	swait.ge [sflag:s23], $0x1  }
0xa3: {  	[sflag:s23] =	ssyncset.done $0x0  }
0xa4: {  	s25 =	simm.s32 $0x1B8E;
	s24 =	sld [smem:$0x3FFE];
	[sflag:s23] =	ssyncadd.s32 $0xFFFFFFFF  }
0xa5: {  	s26 =	simm.s32 $execute0_lowered;
	[smem:$0x3FD2] =	sst s25  }
0xa6: {  	s4 =	sshll.u32 s26, $0x1;
	_ =	strace $0x8000004C;
	[dreg:$0x1] =	wrdreg $0xFFFFFFFF  }
0xa7: {  	s28 =	simm.s32 $_size_execute0_lowered;
	s2 =	sadd.s32 s2, s4;
	[dreg:$0x0] =	wrdreg $0x0  }
0xa8: {  	s4 =	sshll.u32 s28, $0x1;
	[dreg:$0x2] =	wrdreg s2  }
0xa9: {  	[dreg:$0x3] =	wrdreg s4  }
0xaa: {  	[dreg:$0x4] =	wrdreg $0xC0  }
0xab: {  	_ =	task [dreg:s6], $0x5FFFF  }
0xac: {  	[dreg:$0x1] =	wrdreg $0xFFFFFFFF  }
0xad: {  	[dreg:$0x0] =	wrdreg $0x60  }
0xae: {  	[dreg:$0x2] =	wrdreg s24  }
0xaf: {  	[dreg:$0x3] =	wrdreg $0x90000  }
0xb0: {  	[dreg:$0x4] =	wrdreg $0xB8000  }
0xb1: {  	[dreg:$0x5] =	wrdreg $0x9  }
0xb2: {  	_ =	task.clear_ibuf [dreg:s6], $0x6FFFF;
	_ =	strace $0x9000004C  }
0xb3: {  	s29 =	simm.s32 $0x9;
	_ =	strace $0x8000004E  }
0xb4: {  	_ =	swait.ge [sflag:s29], $0x1  }
0xb5: {  	[sflag:s29] =	ssyncadd.s32 $0xFFFFFFFF  }
0xb6: {  	_ =	strace $0x9000004E  }
0xb7: {  	_ =	sfence  }
0xb8: {  	s30 =	sld [smem:$0x0];
	_ =	sdelay $0x2  }
0xb9: {  	s31 =	sshll.u32 s1, $0xD;
	s1 =	sshrl.u32 s1, $0x2  }
0xba: {  	s3 =	sand.u32 $0x4000, s31;
	s1 =	sadd.s32 s1, s30  }
0xbb: {  	s0 =	sor.u32 s3, s0;
	s1 =	sshll.u32 s1, $0x11  }
0xbc: {  	s0 =	sor.u32 s1, s0  }
0xbd: {  	s0 =	sadd.s32 $0x8F2B, s0  }
0xbe: {  	[sflag:s0] =	ssyncadd.remote.s32 $0x1  }
0xbf: {  	_ =	sfence.sel $0xFFFF  }
0xc0: {  	[dreg:$0x0] =	wrdreg $0xFFFFFFFF;
	(pc) =	sbr.abs _section_cstart, $3  }
0xc1: {  	[dreg:$0x1] =	wrdreg $0xFFFFFFFF  }
0xc2: {  	_ =	task.clear_ibuf [dreg:s6], $0x2FFFF;
	_ =	strace $0x9FFFFFFF  }
0xc3: {  	(tm) =	ssettm $0x7FFFFFFF  }
tec
execute0_lowered:
.L_overlay_start_1:
0x0: {  	(tag) =	ssettag $0x1  }
0x1: {  	s0 =	rddreg [dreg:$0x0]  }
0x2: {  	s2 =	rddreg [dreg:$0x1]  }
0x3: {  	s3 =	rddreg [dreg:$0x2]  }
0x4: {  	s11 =	stileid.u32;
	s1 =	srdreg.scid;
	s5 =	simm.s32 $0x0  }
0x5: {  	s15 =	simm.s32 $0x11;
	s28 =	simm.s32 $0x1;
	s29 =	simm.s32 $0x7000  }
0x6: {  	s30 =	simm.s32 $0x2;
	s31 =	simm.s32 $0x7800;
	s17 =	simm.s32 $0x0  }
0x7: {  	s4 =	smul.u32 $0x2800, s11;
	s1 =	sand.u32 $0x1, s1;
	[smem:$0x7FF] =	sst s5  }
0x8: {  	s21 =	sshll.u32 s11, $0x6;
	s22 =	sadd.s32 $0x15700, s0;
	p0 =	seq.s32 s11, $0xF  }
0x9: {  	s19 =	sshll.u32 s1, $0x4;
	s6 =	smul.u32 $0x28000, s1;
	_ =	strace $0x8000004D  }
0xa: {  	s1 =	ssub.s32 $0x2, s1;
	[dreg:$0x6] =	wrdreg s22;
	s22 =	simm.s32 $0x5800  }
0xb: {  	s5 =	sor.u32 s11, s19;
	s7 =	sshrl.u32 s4, $0x3;
	s20 =	sshrl.u32 s1, $0x1  }
0xc: {  	s9 =	sadd.s32 s4, s2;
	s19 =	simm.s32 $0x4;
	s5 =	smul.u32 $0x500, s5  }
0xd: {  	s6 =	sadd.s32 s4, s6;
	s7 =	sadd.s32 s7, s0;
	s1 =	ssub.s32 s1, s20  }
0xe: {  	s4 =	sadd.s32 s4, s3;
	s14 =	sshrl.u32 s9, $0x3;
	s20 =	simm.s32 $0x80  }
0xf: {  	s9 =	simm.s32 $0x8;
	s6 =	sshrl.u32 s6, $0x3;
	s10 =	sadd.s32 $0xBC00, s7  }
0x10: {  	s7 =	sadd.s32 $0x10C00, s7;
	s26 =	smax.u32 s1, $0x1;
	s1 =	simm.s32 $0x8000  }
0x11: {  	s5 =	sadd.s32 s5, s0;
	s8 =	sadd.s32 s6, s0;
	[dreg:$0x4] =	wrdreg s10  }
0x12: {  	s6 =	sor.u32 $0x1C11, s21;
	[dreg:$0x5] =	wrdreg s7;
	s7 =	sadd.s32 $0x25800, s3  }
0x13: {  	s10 =	sadd.s32 $0x27100, s3;
	s0 =	sadd.s32 $0x10A20, s0;
	[dreg:$0xb] =	wrdreg s26  }
0x14: {  	s21 =	simm.s32 $0x5000;
	[dreg:$0x7] =	wrdreg s0;
	s23 =	sadd.s32 $0x1AC00, s5  }
0x15: {  	s26 =	simm.s32 $0x6800;
	s24 =	sadd.s32 $0x1C00, s5;
	[dreg:$0x8] =	wrdreg s23  }
0x16: {  	s25 =	sadd.s32 $0x24C00, s8;
	s0 =	sshrl.u32 @p0 s7, $0x3;
	[dreg:$0x9] =	wrdreg s24  }
.Ltmp0:
0x17: {  	s5 =	simm.s32 $0x9;
	[dreg:$0xa] =	wrdreg s25;
	(pc) =	sbr.rel .LBB2_1-.Ltmp0, $4  }
0x18: {  	s7 =	simm.s32 $0x7;
	s8 =	simm.s32 $0xB;
	[dreg:$0xc] =	wrdreg s0  }
0x19: {  	s0 =	sshrl.u32 @p0 s10, $0x3;
	s24 =	simm.s32 $0x6000;
	s23 =	simm.s32 $0x8800  }
0x1a: {  	s25 =	simm.s32 $0x5;
	[dreg:$0xd] =	wrdreg s0;
	s0 =	sshrl.u32 @!p0 s4, $0x3  }
0x1b: {  	s10 =	simm.s32 $0xC;
	[dreg:$0xe] =	wrdreg s0;
	s0 =	simm.s32 $0x3  }
.LBB2_4:
0x1c: {  	_ =	swait.ge [sflag:s9], $0x800  }
0x1d: {  	[sflag:s9] =	ssyncset.done $0x0  }
0x1e: {  	[sflag:s9] =	ssyncadd.s32 $0xFFFFF800  }
0x1f: {  	[spmem:s2] =	stream.indirect.scatter.add.f32 [tilespmem:s23], [sflag:$0x10], $0x10, s11, s20, $0xb8;
	[tilespmem:$0xE000] =	vst v63  }
0x20: {  	_ =	swait.ge [sflag:s10], $0x800  }
0x21: {  	[sflag:s10] =	ssyncset.done $0x0  }
0x22: {  	s4 =	simm.s32 $0xD;
	[sflag:s10] =	ssyncadd.s32 $0xFFFFF800  }
0x23: {  	_ =	swait.ge [sflag:s4], $0x800  }
0x24: {  	[sflag:s4] =	ssyncset.done $0x0  }
0x25: {  	s11 =	simm.s32 $0xE;
	[sflag:s4] =	ssyncadd.s32 $0xFFFFF800  }
0x26: {  	_ =	swait.ge [sflag:s11], $0x800  }
0x27: {  	[sflag:s11] =	ssyncset.done $0x0  }
0x28: {  	s12 =	simm.s32 $0xF;
	[sflag:s11] =	ssyncadd.s32 $0xFFFFF800  }
0x29: {  	_ =	swait.ge [sflag:s12], $0x800  }
0x2a: {  	[sflag:s12] =	ssyncset.done $0x0  }
0x2b: {  	s13 =	simm.s32 $0x10;
	[sflag:s12] =	ssyncadd.s32 $0xFFFFF800  }
0x2c: {  	_ =	swait.ge [sflag:s13], $0x800  }
0x2d: {  	[sflag:s13] =	ssyncset.done $0x0  }
0x2e: {  	[sflag:s13] =	ssyncadd.s32 $0xFFFFF800  }
0x2f: {  	[bflag:$0x0] =	sbarrier.arrive $0xFFFF  }
0x30: {  	s16 =	rddreg [dreg:$0xa]  }
0x31: {  	[hbm:s16], [sflag:s6] =	dma.local [spmem:s14], $0x500  }
0x32: {  	_ =	swait.ge [sflag:s15], $0x500  }
0x33: {  	s17 =	sadd.s32 $0x1, s17;
	s18 =	rddreg [dreg:$0xb]  }
0x34: {  	p1 =	sne.s32 s17, s18  }
.Ltmp1:
0x35: {  	_ = 	snop;
	(pc) =	sbr.rel @!p1 .LBB2_5-.Ltmp1, $3  }
0x36: {  	_ =	sdelay $0x1  }
0x37: {  	[sflag:s15] =	ssyncset.done $0x0  }
0x38: {  	[sflag:s15] =	ssyncadd.s32 $0xFFFFFB00  }
.LBB2_1:
0x39: {  	s4 =	rddreg [dreg:$0x4]  }
0x3a: {  	[spmem:s14], [sflag:s6] =	dma.local [hbm:s4], $0x500  }
0x3b: {  	_ =	swait.ge [sflag:s15], $0x500  }
0x3c: {  	[sflag:s15] =	ssyncset.done $0x0;
	s4 =	rddreg [dreg:$0x6]  }
0x3d: {  	s11 =	rddreg [dreg:$0xc];
	[sflag:s15] =	ssyncadd.s32 $0xFFFFFB00  }
0x3e: {  	[spmem:s11], [sflag:s6] =	dma.local @p0 [hbm:s4], $0x320  }
0x3f: {  	s4 =	simm.s32 @p0 $0x11  }
0x40: {  	_ =	swait.ge @p0 [sflag:s4], $0x320  }
0x41: {  	[sflag:s4] =	ssyncset.done @p0 $0x0;
	s11 =	rddreg [dreg:$0x7]  }
0x42: {  	s12 =	rddreg [dreg:$0xd];
	[sflag:s4] =	ssyncadd.s32 @p0 $0xFFFFFCE0  }
0x43: {  	[spmem:s12], [sflag:s6] =	dma.local @p0 [hbm:s11], $0x1E0  }
0x44: {  	_ =	swait.ge @p0 [sflag:s4], $0x1E0  }
0x45: {  	[sflag:s4] =	ssyncset.done @p0 $0x0;
	s11 =	rddreg [dreg:$0xe]  }
0x46: {  	[sflag:s4] =	ssyncadd.s32 @p0 $0xFFFFFE20;
	s4 =	rddreg [dreg:$0x5]  }
0x47: {  	[spmem:s11], [sflag:s6] =	dma.local @!p0 [hbm:s4], $0x500  }
0x48: {  	s4 =	simm.s32 @!p0 $0x11  }
0x49: {  	_ =	swait.ge @!p0 [sflag:s4], $0x500  }
0x4a: {  	[sflag:s4] =	ssyncset.done @!p0 $0x0  }
0x4b: {  	s16 =	simm.s32 $0x0;
	s18 =	rddreg [dreg:$0x8];
	[sflag:s4] =	ssyncadd.s32 @!p0 $0xFFFFFB00  }
0x4c: {  	[tilespmem:s16], [sflag:$0x11] =	stream.linear.gather [hbm4b:s18+s16], $0x2800, $0x38;
	[tilespmem:$0xE000] =	vst v63  }
0x4d: {  	_ =	swait.ge [sflag:s15], $0x2800  }
0x4e: {  	[sflag:s15] =	ssyncset.done $0x0  }
0x4f: {  	s13 =	simm.s32 $0x2800;
	s12 =	rddreg [dreg:$0x9];
	[sflag:s15] =	ssyncadd.s32 $0xFFFFD800  }
0x50: {  	[tilespmem:s13], [sflag:$0x11] =	stream.linear.gather [hbm4b:s12+s16], $0x2800, $0x38;
	[tilespmem:$0xE000] =	vst v63  }
0x51: {  	_ =	swait.ge [sflag:s15], $0x2800  }
0x52: {  	[sflag:s15] =	ssyncset.done $0x0  }
0x53: {  	[sflag:s15] =	ssyncadd.s32 $0xFFFFD800  }
0x54: {  	[bflag:$0x0] =	sbarrier.arrive $0xFFFF  }
0x55: {  	[tilespmem:s21], [sflag:$0x1] =	stream.indirect.gather [spmem:s3], $0x10, s16, s20, $0xb8;
	[tilespmem:$0xE000] =	vst v63  }
0x56: {  	_ = 	snop  }
0x57: {  	[tilespmem:s22], [sflag:$0x2] =	stream.indirect.gather [spmem:s3], $0x10, s20, s20, $0xb8;
	[tilespmem:$0xE000] =	vst v63  }
0x58: {  	s16 =	simm.s32 $0x100  }
0x59: {  	[tilespmem:s24], [sflag:$0x3] =	stream.indirect.gather [spmem:s3], $0x10, s16, s20, $0xb8;
	[tilespmem:$0xE000] =	vst v63  }
0x5a: {  	s18 =	simm.s32 $0x180  }
0x5b: {  	[tilespmem:s26], [sflag:$0x4] =	stream.indirect.gather [spmem:s3], $0x10, s18, s20, $0xb8;
	[tilespmem:$0xE000] =	vst v63  }
0x5c: {  	s18 =	simm.s32 $0x0  }
.LBB2_2:
0x5d: {  	_ =	swait.ge [sflag:s28], $0x800  }
0x5e: {  	s4 =	sshra.s32 s18, $0x2;
	[sflag:s28] =	ssyncset.done $0x0  }
0x5f: {  	p1 =	seq.s32 s18, $0x0;
	s11 =	sadd.s32 $0x2800, s4;
	[sflag:s28] =	ssyncadd.s32 $0xFFFFF800  }
0x60: {  	[spmem:s2] =	stream.indirect.scatter.add.f32 [tilespmem:s21], [sflag:$0x9], $0x10, s11, s20, $0xb8;
	[tilespmem:$0xE000] =	vst v63  }
0x61: {  	s11 =	simm.s32 @!p1 $0xD  }
0x62: {  	_ =	swait.ge @!p1 [sflag:s11], $0x800  }
0x63: {  	[sflag:s11] =	ssyncset.done @!p1 $0x0  }
0x64: {  	s12 =	sadd.s32 $0x200, s4;
	[sflag:s11] =	ssyncadd.s32 @!p1 $0xFFFFF800  }
0x65: {  	[tilespmem:s29], [sflag:$0x5] =	stream.indirect.gather [spmem:s3], $0x10, s12, s20, $0xb8;
	[tilespmem:$0xE000] =	vst v63  }
0x66: {  	_ =	swait.ge [sflag:s30], $0x800  }
0x67: {  	[sflag:s30] =	ssyncset.done $0x0  }
0x68: {  	s13 =	sadd.s32 $0x2880, s4;
	s11 =	simm.s32 @!p1 $0xE;
	[sflag:s30] =	ssyncadd.s32 $0xFFFFF800  }
0x69: {  	[spmem:s2] =	stream.indirect.scatter.add.f32 [tilespmem:s22], [sflag:$0xA], $0x10, s13, s20, $0xb8;
	[tilespmem:$0xE000] =	vst v63  }
0x6a: {  	_ =	swait.ge @!p1 [sflag:s11], $0x800  }
0x6b: {  	[sflag:s11] =	ssyncset.done @!p1 $0x0  }
0x6c: {  	s16 =	sadd.s32 $0x280, s4;
	[sflag:s11] =	ssyncadd.s32 @!p1 $0xFFFFF800  }
0x6d: {  	[tilespmem:s31], [sflag:$0x6] =	stream.indirect.gather [spmem:s3], $0x10, s16, s20, $0xb8;
	[tilespmem:$0xE000] =	vst v63  }
0x6e: {  	_ =	swait.ge [sflag:s0], $0x800  }
0x6f: {  	[sflag:s0] =	ssyncset.done $0x0  }
0x70: {  	s12 =	sadd.s32 $0x2900, s4;
	s11 =	simm.s32 @!p1 $0xF;
	[sflag:s0] =	ssyncadd.s32 $0xFFFFF800  }
0x71: {  	[spmem:s2] =	stream.indirect.scatter.add.f32 [tilespmem:s24], [sflag:$0xB], $0x10, s12, s20, $0xb8;
	[tilespmem:$0xE000] =	vst v63  }
0x72: {  	_ =	swait.ge @!p1 [sflag:s11], $0x800  }
0x73: {  	[sflag:s11] =	ssyncset.done @!p1 $0x0  }
0x74: {  	s13 =	sadd.s32 $0x300, s4;
	[sflag:s11] =	ssyncadd.s32 @!p1 $0xFFFFF800  }
0x75: {  	[tilespmem:s1], [sflag:$0x7] =	stream.indirect.gather [spmem:s3], $0x10, s13, s20, $0xb8;
	[tilespmem:$0xE000] =	vst v63  }
0x76: {  	_ =	swait.ge [sflag:s19], $0x800  }
0x77: {  	[sflag:s19] =	ssyncset.done $0x0  }
0x78: {  	s16 =	sadd.s32 $0x2980, s4;
	s11 =	simm.s32 @!p1 $0x10;
	[sflag:s19] =	ssyncadd.s32 $0xFFFFF800  }
0x79: {  	[spmem:s2] =	stream.indirect.scatter.add.f32 [tilespmem:s26], [sflag:$0xC], $0x10, s16, s20, $0xb8;
	[tilespmem:$0xE000] =	vst v63  }
0x7a: {  	_ =	swait.ge @!p1 [sflag:s11], $0x800  }
0x7b: {  	[sflag:s11] =	ssyncset.done @!p1 $0x0  }
0x7c: {  	s12 =	sadd.s32 $0x380, s4;
	[sflag:s11] =	ssyncadd.s32 @!p1 $0xFFFFF800  }
0x7d: {  	[tilespmem:s23], [sflag:$0x8] =	stream.indirect.gather [spmem:s3], $0x10, s12, s20, $0xb8;
	[tilespmem:$0xE000] =	vst v63  }
0x7e: {  	_ =	swait.ge [sflag:s25], $0x800  }
0x7f: {  	[sflag:s25] =	ssyncset.done $0x0  }
0x80: {  	s13 =	sadd.s32 $0x2A00, s4;
	[sflag:s25] =	ssyncadd.s32 $0xFFFFF800  }
0x81: {  	[spmem:s2] =	stream.indirect.scatter.add.f32 [tilespmem:s29], [sflag:$0xD], $0x10, s13, s20, $0xb8;
	[tilespmem:$0xE000] =	vst v63  }
0x82: {  	_ =	swait.ge [sflag:s5], $0x800  }
0x83: {  	p1 =	seq.s32 s18, $0x9000;
	[sflag:s5] =	ssyncset.done $0x0  }
0x84: {  	s11 =	simm.s32 @p1 $0x6;
	[sflag:s5] =	ssyncadd.s32 $0xFFFFF800  }
0x85: {  	_ =	swait.ge @p1 [sflag:s11], $0x800  }
0x86: {  	[sflag:s11] =	ssyncset.done @p1 $0x0  }
0x87: {  	[sflag:s11] =	ssyncadd.s32 @p1 $0xFFFFF800;
	s11 =	sshra.s32 @p1 s18, $0x2  }
0x88: {  	s12 =	simm.s32 @p1 $0x80;
	s13 =	simm.s32 @p1 $0x7800;
	s11 =	sadd.s32 @p1 $0x2A80, s11  }
0x89: {  	[spmem:s2] =	stream.indirect.scatter.add.f32 @p1 [tilespmem:s13], [sflag:$0xE], $0x10, s11, s12, $0xb8;
	[tilespmem:$0xE000] =	vst v63  }
0x8a: {  	s11 =	simm.s32 @p1 $0xA  }
0x8b: {  	_ =	swait.ge @p1 [sflag:s11], $0x800  }
0x8c: {  	[sflag:s11] =	ssyncset.done @p1 $0x0  }
0x8d: {  	[sflag:s11] =	ssyncadd.s32 @p1 $0xFFFFF800;
	s11 =	sshra.s32 @!p1 s18, $0x2  }
0x8e: {  	s16 =	simm.s32 @!p1 $0x5000;
	s13 =	simm.s32 @!p1 $0x80;
	s12 =	sadd.s32 @!p1 $0x400, s11  }
0x8f: {  	[tilespmem:s16], [sflag:$0x1] =	stream.indirect.gather @!p1 [spmem:s3], $0x10, s12, s13, $0xb8;
	[tilespmem:$0xE000] =	vst v63  }
0x90: {  	s12 =	simm.s32 @!p1 $0x6  }
0x91: {  	_ =	swait.ge @!p1 [sflag:s12], $0x800  }
0x92: {  	[sflag:s12] =	ssyncset.done @!p1 $0x0  }
0x93: {  	s16 =	simm.s32 @!p1 $0x7800;
	[sflag:s12] =	ssyncadd.s32 @!p1 $0xFFFFF800;
	s12 =	sadd.s32 @!p1 $0x2A80, s11  }
0x94: {  	[spmem:s2] =	stream.indirect.scatter.add.f32 @!p1 [tilespmem:s16], [sflag:$0xE], $0x10, s12, s13, $0xb8;
	[tilespmem:$0xE000] =	vst v63  }
0x95: {  	s12 =	simm.s32 @!p1 $0xA  }
0x96: {  	_ =	swait.ge @!p1 [sflag:s12], $0x800  }
0x97: {  	[sflag:s12] =	ssyncset.done @!p1 $0x0  }
0x98: {  	s11 =	sadd.s32 @!p1 $0x480, s11;
	[sflag:s12] =	ssyncadd.s32 @!p1 $0xFFFFF800;
	s12 =	simm.s32 @!p1 $0x5800  }
0x99: {  	[tilespmem:s12], [sflag:$0x2] =	stream.indirect.gather @!p1 [spmem:s3], $0x10, s11, s13, $0xb8;
	[tilespmem:$0xE000] =	vst v63  }
0x9a: {  	_ =	swait.ge [sflag:s7], $0x800  }
0x9b: {  	[sflag:s7] =	ssyncset.done $0x0  }
.Ltmp2:
0x9c: {  	s16 =	sadd.s32 $0x2B00, s4;
	[sflag:s7] =	ssyncadd.s32 $0xFFFFF800;
	(pc) =	sbr.rel @p1 .LBB2_4-.Ltmp2, $4  }
0x9d: {  	[spmem:s2] =	stream.indirect.scatter.add.f32 [tilespmem:s1], [sflag:$0xF], $0x10, s16, s20, $0xb8;
	[tilespmem:$0xE000] =	vst v63  }
0x9e: {  	_ =	swait.ge [sflag:s8], $0x800  }
0x9f: {  	[sflag:s8] =	ssyncset.done $0x0  }
0xa0: {  	s11 =	sadd.s32 $0x2B80, s4;
	[sflag:s8] =	ssyncadd.s32 $0xFFFFF800  }
0xa1: {  	s12 =	sadd.s32 $0x500, s4  }
0xa2: {  	[tilespmem:s24], [sflag:$0x3] =	stream.indirect.gather [spmem:s3], $0x10, s12, s20, $0xb8;
	[tilespmem:$0xE000] =	vst v63  }
0xa3: {  	_ =	swait.ge [sflag:s9], $0x800  }
0xa4: {  	[sflag:s9] =	ssyncset.done $0x0  }
0xa5: {  	[sflag:s9] =	ssyncadd.s32 $0xFFFFF800  }
0xa6: {  	[spmem:s2] =	stream.indirect.scatter.add.f32 [tilespmem:s23], [sflag:$0x10], $0x10, s11, s20, $0xb8;
	[tilespmem:$0xE000] =	vst v63  }
.Ltmp3:
0xa7: {  	_ = 	snop;
	(pc) =	sbr.rel .LBB2_2-.Ltmp3, $4  }
0xa8: {  	_ =	swait.ge [sflag:s10], $0x800  }
0xa9: {  	[sflag:s10] =	ssyncset.done $0x0  }
0xaa: {  	s16 =	sadd.s32 $0x580, s4;
	s18 =	sadd.s32 $0x1000, s18;
	[sflag:s10] =	ssyncadd.s32 $0xFFFFF800  }
0xab: {  	[tilespmem:s26], [sflag:$0x4] =	stream.indirect.gather [spmem:s3], $0x10, s16, s20, $0xb8;
	[tilespmem:$0xE000] =	vst v63  }
.LBB2_5:
0xac: {  	_ =	sfence.sel $0x180000  }
0xad: {  	[bflag:$0x0] =	sbarrier.arrive $0xFFFF  }
0xae: {  	_ =	strace $0x9000004D  }
0xaf: {  	s0 =	stileid.u32;
	[bflag:$0x2] =	sbarrier.arrive $0xFFFF  }
0xb0: {  	p0 =	sne.s32 s0, $0x0;
	s0 =	rddreg [dreg:$0x3]  }
0xb1: {  	s0 =	sadd.s32 @!p0 $0x100000, s0  }
0xb2: {  	[sflag:s0] =	ssyncadd.tile.s32 @!p0 $0x1;
	_ =	shalt  }
.Lfunc_end2:
_tile_overlayer_lowered:
.L_overlay_start_2:
0xb3: {  	(tag) =	ssettag $0x2  }
0xb4: {  	s0 =	rddreg [dreg:$0x0];
	s2 =	stileid.u32  }
0xb5: {  	s1 =	rddreg [dreg:$0x1];
	p0 =	sne.s32 s2, $0x0  }
0xb6: {  	s3 =	rddreg [dreg:$0x2];
	[bflag:$0x3] =	sbarrier.arrive $0xFFFF;
	s2 =	simm.s32 @!p0 $0x1C11  }
0xb7: {  	[timem:s3], [sflag:s2] =	dma.local @!p0 [hbm:s0], s1  }
0xb8: {  	s0 =	simm.s32 @!p0 $0x11  }
0xb9: {  	_ =	swait.ge @!p0 [sflag:s0], s1  }
0xba: {  	s1 =	ssub.s32 @!p0 $0x0, s1;
	[sflag:s0] =	ssyncset.done @!p0 $0x0  }
0xbb: {  	[sflag:s0] =	ssyncadd.s32 @!p0 s1  }
0xbc: {  	[bflag:$0x3] =	sbarrier.arrive $0xFFFF  }
0xbd: {  	_ =	shalt  }

// kernel: kernel.9.cloned.1.call-start
scs
__scs_entry_jumppad:
0x0: {  	(pc) =	sbr.rel $0x88, $3  }
0x1: {  	(tag) =	ssettag $0x0;
	lr =	simm.s32 $0x1  }
0x2: {  	[smem:$0x3F98] =	sst lr;
	_ =	strace $0xD0000000  }
0x3: {  	_ = 	snop  }
0x4: {  	_ = 	snop  }
0x5: {  	_ = 	snop  }
0x6: {  	_ = 	snop  }
0x7: {  	_ = 	snop  }
__scs_overlays_trampoline_lowered:
0x8: {  	[smem:$0x3FA7] =	sst s0  }
0x9: {  	[smem:$0x3FA8] =	sst s1  }
0xa: {  	[smem:$0x3FA9] =	sst s2  }
0xb: {  	[smem:$0x3FAA] =	sst s3  }
0xc: {  	[smem:$0x3FAB] =	sst s4  }
0xd: {  	[smem:$0x3FAC] =	sst s5  }
0xe: {  	[smem:$0x3FAD] =	sst s6  }
0xf: {  	[smem:$0x3FAE] =	sst s7  }
0x10: {  	[smem:$0x3FAF] =	sst s8  }
0x11: {  	[smem:$0x3FB0] =	sst s9;
	s0 =	simm.s32 @!p0 $0x0  }
0x12: {  	s1 =	sld [smem:$0x3F96];
	s0 =	simm.s32 @p0 $0x1  }
0x13: {  	[smem:$0x3FB1] =	sst s0;
	s0 =	simm.s32 @!p1 $0x0  }
0x14: {  	s2 =	sld [smem:$0x3F95];
	s0 =	simm.s32 @p1 $0x1  }
0x15: {  	[smem:$0x3FB2] =	sst s0;
	s0 =	simm.s32 @!p2 $0x0  }
0x16: {  	s3 =	sld [smem:$0x3FDB];
	s0 =	simm.s32 @p2 $0x1  }
0x17: {  	s4 =	simm.s32 $0x1BF5;
	[smem:$0x3FB4] =	sst s0  }
0x18: {  	s0 =	sld [smem:$0x3F97];
	_ =	swait.ge [sflag:s4], $0x0  }
0x19: {  	s7 =	sld [smem:$0x3F98]  }
0x1a: {  	s8 =	sadd.s32 $0xFFFFE003, lr  }
0x1b: {  	s9 =	sadd.s32 $0xFFFFFEF7, lr;
	s5 =	simm.s32 $0xFFFFFFFF;
	p2 =	slt.u32 s8, $0xFFFFF086  }
0x1c: {  	p1 =	slt.u32 s9, $0xF7A;
	s5 =	simm.s32 @!p2 $0x0  }
0x1d: {  	s5 =	simm.s32 @p1 $0x1;
	p0 =	seq.s32 s7, s2  }
0x1e: {  	s7 =	smul.u32 @!p0 $0xF7A, s2;
	p2 =	seq.s32 @!p0 s5, $0x0  }
0x1f: {  	s9 =	smul.u32 $0xF7A, s1;
	s8 =	simm.s32 @!p0 $0x1BF5;
	p2 =	por !p2, p0  }
0x20: {  	[sflag:s8] =	ssyncset.s32 @!p0 $0xFFFFF086;
	s6 =	sadd.s32 @!p0 s3, s7;
	s7 =	simm.s32 @!p0 $0x108  }
0x21: {  	s3 =	sadd.s32 s3, s9;
	s6 =	sadd.s32 @!p0 $0x88, s6;
	s7 =	simm.s32 @p2 $0x1082  }
0x22: {  	[simem:s7], [sflag:s8] =	dma.local @!p0 [hbm:s6], $0xF7A  }
0x23: {  	s9 =	sor.u32 $0xD0000000, s2;
	s6 =	simm.s32 $0x108;
	_ =	swait.ge @!p0 [sflag:s8], $0x0  }
0x24: {  	s3 =	sadd.s32 $0x88, s3;
	s6 =	simm.s32 @!p1 $0x1082;
	[sflag:s4] =	ssyncset.s32 $0xFFFFF086  }
0x25: {  	[simem:s6], [sflag:s4] =	dma.local [hbm:s3], $0xF7A  }
0x26: {  	[smem:$0x3F98] =	sst s1;
	(tag) =	ssettag s2;
	_ =	strace s9  }
0x27: {  	s1 =	sld [smem:$0x3FA8]  }
0x28: {  	s2 =	sld [smem:$0x3FA9]  }
0x29: {  	s4 =	sld [smem:$0x3FAB]  }
0x2a: {  	p0 =	seq.s32 s5, $0x0;
	s5 =	sld [smem:$0x3FAC]  }
0x2b: {  	s6 =	sld [smem:$0x3FAD]  }
0x2c: {  	s7 =	sld [smem:$0x3FAE]  }
0x2d: {  	s3 =	simm.s32 $0x108;
	s8 =	sld [smem:$0x3FAF]  }
0x2e: {  	s3 =	simm.s32 @!p0 $0x1082;
	s9 =	sld [smem:$0x3FB0]  }
0x2f: {  	lr =	sadd.s32 s0, s3;
	s0 =	sld [smem:$0x3FA7]  }
0x30: {  	s3 =	sld [smem:$0x3FAA]  }
0x31: {  	[smem:$0x3FB3] =	sst s10  }
0x32: {  	s10 =	sld [smem:$0x3FB1];
	_ =	sdelay $0x3  }
0x33: {  	p0 =	seq.s32 s10, $0x1;
	s10 =	sld [smem:$0x3FB3];
	_ =	sdelay $0x3  }
0x34: {  	[smem:$0x3FB3] =	sst s10  }
0x35: {  	s10 =	sld [smem:$0x3FB2];
	_ =	sdelay $0x3  }
0x36: {  	p1 =	seq.s32 s10, $0x1;
	s10 =	sld [smem:$0x3FB3];
	_ =	sdelay $0x3  }
0x37: {  	[smem:$0x3FB3] =	sst s10  }
0x38: {  	s10 =	sld [smem:$0x3FB4]  }
0x39: {  	_ = 	snop;
	(pc) =	sbr.ind lr, $3  }
0x3a: {  	_ = 	snop  }
0x3b: {  	_ = 	snop  }
0x3c: {  	p2 =	seq.s32 s10, $0x1;
	s10 =	sld [smem:$0x3FB3]  }
0x3d: {  	_ =	shalt  }
0x3e: {  	_ =	shalt  }
0x3f: {  	_ =	shalt  }
0x40: {  	_ =	shalt  }
0x41: {  	_ =	shalt  }
0x42: {  	_ =	shalt  }
0x43: {  	_ =	shalt  }
0x44: {  	_ =	shalt  }
0x45: {  	_ =	shalt  }
0x46: {  	_ =	shalt  }
0x47: {  	_ =	shalt  }
0x48: {  	_ =	shalt  }
0x49: {  	_ =	shalt  }
0x4a: {  	_ =	shalt  }
0x4b: {  	_ =	shalt  }
0x4c: {  	_ =	shalt  }
0x4d: {  	_ =	shalt  }
0x4e: {  	_ =	shalt  }
0x4f: {  	_ =	shalt  }
0x50: {  	_ =	shalt  }
0x51: {  	_ =	shalt  }
0x52: {  	_ =	shalt  }
0x53: {  	_ =	shalt  }
0x54: {  	_ =	shalt  }
0x55: {  	_ =	shalt  }
0x56: {  	_ =	shalt  }
0x57: {  	_ =	shalt  }
0x58: {  	_ =	shalt  }
0x59: {  	_ =	shalt  }
0x5a: {  	_ =	shalt  }
0x5b: {  	_ =	shalt  }
0x5c: {  	_ =	shalt  }
0x5d: {  	_ =	shalt  }
0x5e: {  	_ =	shalt  }
0x5f: {  	_ =	shalt  }
0x60: {  	_ =	shalt  }
0x61: {  	_ =	shalt  }
0x62: {  	_ =	shalt  }
0x63: {  	_ =	shalt  }
0x64: {  	_ =	shalt  }
0x65: {  	_ =	shalt  }
0x66: {  	_ =	shalt  }
0x67: {  	_ =	shalt  }
0x68: {  	_ =	shalt  }
0x69: {  	_ =	shalt  }
0x6a: {  	_ =	shalt  }
0x6b: {  	_ =	shalt  }
0x6c: {  	_ =	shalt  }
0x6d: {  	_ =	shalt  }
0x6e: {  	_ =	shalt  }
0x6f: {  	_ =	shalt  }
0x70: {  	_ =	shalt  }
0x71: {  	_ =	shalt  }
0x72: {  	_ =	shalt  }
0x73: {  	_ =	shalt  }
0x74: {  	_ =	shalt  }
0x75: {  	_ =	shalt  }
0x76: {  	_ =	shalt  }
0x77: {  	_ =	shalt  }
0x78: {  	_ =	shalt  }
0x79: {  	_ =	shalt  }
0x7a: {  	_ =	shalt  }
0x7b: {  	_ =	shalt  }
0x7c: {  	_ =	shalt  }
0x7d: {  	_ =	shalt  }
0x7e: {  	_ =	shalt  }
0x7f: {  	_ =	shalt  }
0x80: {  	_ =	shalt  }
0x81: {  	_ =	shalt  }
0x82: {  	_ =	shalt  }
0x83: {  	_ =	shalt  }
0x84: {  	_ =	shalt  }
0x85: {  	_ =	shalt  }
0x86: {  	_ =	shalt  }
0x87: {  	_ =	shalt  }
.Lfunc_end0:
.L_simem_size_0:
called_computation_lowered:
.L_overlay_start_0:
0x88: {  	s2 =	sld [smem:$0x3FD9]  }
0x89: {  	s3 =	sld [smem:$0x3FFE];
	_ =	sdelay $0x1  }
0x8a: {  	s1 =	srdreg.scid  }
0x8b: {  	s0 =	sand.u32 $0x1, s1  }
0x8c: {  	s17 =	sshll.u32 s0, $0xA;
	s2 =	sadd.s32 s3, s2  }
0x8d: {  	s2 =	sadd.s32 s2, s17  }
0x8e: {  	[smem:$0x3FBF] =	sst s2  }
0x8f: {  	_ = 	snop  }
0x90: {  	s2 =	sld [smem:$0x3FD0];
	(tm) =	ssettm $0x1  }
0x91: {  	s18 =	sld [smem:$0x3FFB];
	_ =	sdelay $0x3  }
0x92: {  	_ =	strace s18  }
0x93: {  	s3 =	sld [smem:$0x3FFC];
	_ =	sdelay $0x3  }
0x94: {  	_ =	strace s3  }
0x95: {  	s3 =	sld [smem:$0x3FFD];
	_ =	sdelay $0x3  }
0x96: {  	_ =	strace s3  }
0x97: {  	_ =	strace $0x8FFFFFFF  }
0x98: {  	s19 =	sld [smem:$0x3FDB];
	_ =	sdelay $0x1  }
0x99: {  	s4 =	simm.s32 $_scs_section_size  }
0x9a: {  	s5 =	simm.s32 $_size__tile_overlayer_lowered;
	s6 =	simm.s32 $_tile_overlayer_lowered  }
0x9b: {  	s22 =	simm.s32 $0x1BFF;
	s21 =	sshll.u32 s6, $0x1;
	s3 =	sadd.s32 s4, s19  }
0x9c: {  	s7 =	simm.s32 $0x0;
	s20 =	sshll.u32 s5, $0x1;
	s5 =	sadd.s32 s21, s3  }
0x9d: {  	[timem:s7], [sflag:s22] =	dma.local [hbm:s5], s20  }
0x9e: {  	_ =	swait.ge [sflag:s22], s20  }
0x9f: {  	s4 =	ssub.s32 $0x0, s20;
	[sflag:s22] =	ssyncset.done $0x0  }
0xa0: {  	[sflag:s22] =	ssyncadd.s32 s4;
	_ =	sdelay $0x1  }
0xa1: {  	s23 =	simm.s32 $0x1B8B  }
0xa2: {  	_ =	swait.ge [sflag:s23], $0x1  }
0xa3: {  	[sflag:s23] =	ssyncset.done $0x0  }
0xa4: {  	s25 =	simm.s32 $0x1B8E;
	s24 =	sld [smem:$0x3FFE];
	[sflag:s23] =	ssyncadd.s32 $0xFFFFFFFF  }
0xa5: {  	s26 =	simm.s32 $execute0_lowered;
	[smem:$0x3FD2] =	sst s25  }
0xa6: {  	s5 =	sshll.u32 s26, $0x1;
	_ =	strace $0x80000046;
	[dreg:$0x1] =	wrdreg $0xFFFFFFFF  }
0xa7: {  	s28 =	simm.s32 $_size_execute0_lowered;
	s3 =	sadd.s32 s3, s5;
	[dreg:$0x0] =	wrdreg $0x0  }
0xa8: {  	s5 =	sshll.u32 s28, $0x1;
	[dreg:$0x2] =	wrdreg s3  }
0xa9: {  	[dreg:$0x3] =	wrdreg s5  }
0xaa: {  	[dreg:$0x4] =	wrdreg $0xC0  }
0xab: {  	_ =	task [dreg:s7], $0x5FFFF  }
0xac: {  	[dreg:$0x1] =	wrdreg $0xFFFFFFFF  }
0xad: {  	[dreg:$0x0] =	wrdreg $0x60  }
0xae: {  	[dreg:$0x2] =	wrdreg s24  }
0xaf: {  	[dreg:$0x3] =	wrdreg s2  }
0xb0: {  	[dreg:$0x4] =	wrdreg $0x30000  }
0xb1: {  	[dreg:$0x5] =	wrdreg $0x9  }
0xb2: {  	_ =	task.clear_ibuf [dreg:s7], $0x6FFFF;
	_ =	strace $0x90000046  }
0xb3: {  	s29 =	simm.s32 $0x9;
	_ =	strace $0x80000048  }
0xb4: {  	_ =	swait.ge [sflag:s29], $0x1  }
0xb5: {  	[sflag:s29] =	ssyncadd.s32 $0xFFFFFFFF  }
0xb6: {  	_ =	strace $0x90000048  }
0xb7: {  	_ =	sfence  }
0xb8: {  	s30 =	sld [smem:$0x0];
	_ =	sdelay $0x2  }
0xb9: {  	s31 =	sshll.u32 s1, $0xD;
	s1 =	sshrl.u32 s1, $0x2  }
0xba: {  	s3 =	sand.u32 $0x4000, s31;
	s1 =	sadd.s32 s1, s30  }
0xbb: {  	s0 =	sor.u32 s3, s0;
	s1 =	sshll.u32 s1, $0x11  }
0xbc: {  	s0 =	sor.u32 s1, s0  }
0xbd: {  	s0 =	sadd.s32 $0x8F2B, s0  }
0xbe: {  	[sflag:s0] =	ssyncadd.remote.s32 $0x1  }
0xbf: {  	_ =	sfence.sel $0xFFFF  }
0xc0: {  	[dreg:$0x0] =	wrdreg $0xFFFFFFFF;
	(pc) =	sbr.abs _section_cstart, $3  }
0xc1: {  	[dreg:$0x1] =	wrdreg $0xFFFFFFFF  }
0xc2: {  	_ =	task.clear_ibuf [dreg:s7], $0x2FFFF;
	_ =	strace $0x9FFFFFFF  }
0xc3: {  	(tm) =	ssettm $0x7FFFFFFF  }
tec
execute0_lowered:
.L_overlay_start_1:
0x0: {  	(tag) =	ssettag $0x1  }
0x1: {  	s6 =	rddreg [dreg:$0x0]  }
0x2: {  	s2 =	rddreg [dreg:$0x1]  }
0x3: {  	s0 =	srdreg.scid;
	s3 =	rddreg [dreg:$0x2]  }
0x4: {  	s4 =	simm.s32 $0x0;
	s13 =	simm.s32 $0x80;
	s14 =	simm.s32 $0x100  }
0x5: {  	s15 =	simm.s32 $0x180;
	s16 =	simm.s32 $0x200;
	s17 =	simm.s32 $0x280  }
0x6: {  	s18 =	simm.s32 $0x300;
	s19 =	simm.s32 $0x380;
	s20 =	simm.s32 $0x1  }
0x7: {  	s21 =	simm.s32 $0x2;
	s22 =	simm.s32 $0x3;
	s23 =	simm.s32 $0x4  }
0x8: {  	s24 =	simm.s32 $0x5;
	s25 =	simm.s32 $0x6;
	s26 =	simm.s32 $0x7  }
0x9: {  	s28 =	simm.s32 $0x8;
	s5 =	sand.u32 $0x1, s0;
	s0 =	stileid.u32  }
0xa: {  	s29 =	simm.s32 $0x0;
	[smem:$0x7FF] =	sst s4;
	s8 =	smul.u32 $0x2800, s0  }
0xb: {  	s1 =	sshll.u32 s5, $0x4;
	s9 =	smul.u32 $0x28000, s5;
	_ =	strace $0x80000047  }
0xc: {  	s5 =	ssub.s32 $0x2, s5;
	s31 =	sshll.u32 s0, $0x6;
	s1 =	sor.u32 s0, s1  }
0xd: {  	s30 =	sshrl.u32 s5, $0x1;
	s7 =	smul.u32 $0x500, s1;
	s9 =	sadd.s32 s8, s9  }
0xe: {  	s10 =	sshrl.u32 s8, $0x3;
	s11 =	ssub.s32 s5, s30;
	s12 =	sadd.s32 s8, s3  }
0xf: {  	s9 =	sshrl.u32 s9, $0x3;
	s10 =	sadd.s32 s10, s6;
	s7 =	sadd.s32 s7, s6  }
0x10: {  	s9 =	sadd.s32 s9, s6;
	s5 =	sadd.s32 $0xBC00, s10;
	s6 =	sor.u32 $0x1C09, s31  }
0x11: {  	s10 =	sshrl.u32 s12, $0x3;
	s12 =	simm.s32 $0x2800;
	s7 =	sadd.s32 $0x1C00, s7  }
0x12: {  	s8 =	sadd.s32 $0x10C00, s9;
	s9 =	smax.u32 s11, $0x1;
	s11 =	simm.s32 $0x9  }
.LBB2_1:
0x13: {  	[spmem:s10], [sflag:s6] =	dma.local [hbm:s5], $0x500  }
0x14: {  	_ =	swait.ge [sflag:s11], $0x500  }
0x15: {  	[sflag:s11] =	ssyncset.done $0x0  }
0x16: {  	[sflag:s11] =	ssyncadd.s32 $0xFFFFFB00  }
0x17: {  	[tilespmem:s12], [sflag:$0x9] =	stream.linear.gather [hbm4b:s2+s4], $0x800, $0x38;
	[tilespmem:$0x5800] =	vst v63  }
0x18: {  	_ =	swait.ge [sflag:s11], $0x800  }
0x19: {  	[sflag:s11] =	ssyncset.done $0x0  }
0x1a: {  	[sflag:s11] =	ssyncadd.s32 $0xFFFFF800  }
0x1b: {  	[tilespmem:s4], [sflag:$0x9] =	stream.linear.gather [hbm4b:s7+s4], $0x2800, $0x38;
	[tilespmem:$0x5800] =	vst v63  }
0x1c: {  	_ =	swait.ge [sflag:s11], $0x2800  }
0x1d: {  	[sflag:s11] =	ssyncset.done $0x0  }
0x1e: {  	[sflag:s11] =	ssyncadd.s32 $0xFFFFD800  }
0x1f: {  	[bflag:$0x0] =	sbarrier.arrive $0xFFFF  }
0x20: {  	[spmem:s3] =	stream.indirect.scatter.add.f32 [tilespmem:s12], [sflag:$0x1], $0x10, s4, s13, $0xb8;
	[tilespmem:$0x5800] =	vst v63  }
0x21: {  	_ = 	snop  }
0x22: {  	[spmem:s3] =	stream.indirect.scatter.add.f32 [tilespmem:s12], [sflag:$0x2], $0x10, s13, s13, $0xb8;
	[tilespmem:$0x5800] =	vst v63  }
0x23: {  	_ = 	snop  }
0x24: {  	[spmem:s3] =	stream.indirect.scatter.add.f32 [tilespmem:s12], [sflag:$0x3], $0x10, s14, s13, $0xb8;
	[tilespmem:$0x5800] =	vst v63  }
0x25: {  	_ = 	snop  }
0x26: {  	[spmem:s3] =	stream.indirect.scatter.add.f32 [tilespmem:s12], [sflag:$0x4], $0x10, s15, s13, $0xb8;
	[tilespmem:$0x5800] =	vst v63  }
0x27: {  	_ = 	snop  }
0x28: {  	[spmem:s3] =	stream.indirect.scatter.add.f32 [tilespmem:s12], [sflag:$0x5], $0x10, s16, s13, $0xb8;
	[tilespmem:$0x5800] =	vst v63  }
0x29: {  	_ = 	snop  }
0x2a: {  	[spmem:s3] =	stream.indirect.scatter.add.f32 [tilespmem:s12], [sflag:$0x6], $0x10, s17, s13, $0xb8;
	[tilespmem:$0x5800] =	vst v63  }
0x2b: {  	_ = 	snop  }
0x2c: {  	[spmem:s3] =	stream.indirect.scatter.add.f32 [tilespmem:s12], [sflag:$0x7], $0x10, s18, s13, $0xb8;
	[tilespmem:$0x5800] =	vst v63  }
0x2d: {  	_ = 	snop  }
0x2e: {  	[spmem:s3] =	stream.indirect.scatter.add.f32 [tilespmem:s12], [sflag:$0x8], $0x10, s19, s13, $0xb8;
	[tilespmem:$0x5800] =	vst v63  }
0x2f: {  	_ =	swait.ge [sflag:s20], $0x800  }
0x30: {  	[sflag:s20] =	ssyncset.done $0x0  }
0x31: {  	s30 =	simm.s32 $0x400;
	[sflag:s20] =	ssyncadd.s32 $0xFFFFF800  }
0x32: {  	[spmem:s3] =	stream.indirect.scatter.add.f32 [tilespmem:s12], [sflag:$0x1], $0x10, s30, s13, $0xb8;
	[tilespmem:$0x5800] =	vst v63  }
0x33: {  	_ =	swait.ge [sflag:s21], $0x800  }
0x34: {  	[sflag:s21] =	ssyncset.done $0x0  }
0x35: {  	s30 =	simm.s32 $0x480;
	[sflag:s21] =	ssyncadd.s32 $0xFFFFF800  }
0x36: {  	[spmem:s3] =	stream.indirect.scatter.add.f32 [tilespmem:s12], [sflag:$0x2], $0x10, s30, s13, $0xb8;
	[tilespmem:$0x5800] =	vst v63  }
0x37: {  	_ =	swait.ge [sflag:s22], $0x800  }
0x38: {  	[sflag:s22] =	ssyncset.done $0x0  }
0x39: {  	s30 =	simm.s32 $0x500;
	[sflag:s22] =	ssyncadd.s32 $0xFFFFF800  }
0x3a: {  	[spmem:s3] =	stream.indirect.scatter.add.f32 [tilespmem:s12], [sflag:$0x3], $0x10, s30, s13, $0xb8;
	[tilespmem:$0x5800] =	vst v63  }
0x3b: {  	_ =	swait.ge [sflag:s23], $0x800  }
0x3c: {  	[sflag:s23] =	ssyncset.done $0x0  }
0x3d: {  	s30 =	simm.s32 $0x580;
	[sflag:s23] =	ssyncadd.s32 $0xFFFFF800  }
0x3e: {  	[spmem:s3] =	stream.indirect.scatter.add.f32 [tilespmem:s12], [sflag:$0x4], $0x10, s30, s13, $0xb8;
	[tilespmem:$0x5800] =	vst v63  }
0x3f: {  	_ =	swait.ge [sflag:s24], $0x800  }
0x40: {  	[sflag:s24] =	ssyncset.done $0x0  }
0x41: {  	s30 =	simm.s32 $0x600;
	[sflag:s24] =	ssyncadd.s32 $0xFFFFF800  }
0x42: {  	[spmem:s3] =	stream.indirect.scatter.add.f32 [tilespmem:s12], [sflag:$0x5], $0x10, s30, s13, $0xb8;
	[tilespmem:$0x5800] =	vst v63  }
0x43: {  	_ =	swait.ge [sflag:s25], $0x800  }
0x44: {  	[sflag:s25] =	ssyncset.done $0x0  }
0x45: {  	s30 =	simm.s32 $0x680;
	[sflag:s25] =	ssyncadd.s32 $0xFFFFF800  }
0x46: {  	[spmem:s3] =	stream.indirect.scatter.add.f32 [tilespmem:s12], [sflag:$0x6], $0x10, s30, s13, $0xb8;
	[tilespmem:$0x5800] =	vst v63  }
0x47: {  	_ =	swait.ge [sflag:s26], $0x800  }
0x48: {  	[sflag:s26] =	ssyncset.done $0x0  }
0x49: {  	s30 =	simm.s32 $0x700;
	[sflag:s26] =	ssyncadd.s32 $0xFFFFF800  }
0x4a: {  	[spmem:s3] =	stream.indirect.scatter.add.f32 [tilespmem:s12], [sflag:$0x7], $0x10, s30, s13, $0xb8;
	[tilespmem:$0x5800] =	vst v63  }
0x4b: {  	_ =	swait.ge [sflag:s28], $0x800  }
0x4c: {  	[sflag:s28] =	ssyncset.done $0x0  }
0x4d: {  	s31 =	simm.s32 $0x780;
	s30 =	simm.s32 $0x1000;
	[sflag:s28] =	ssyncadd.s32 $0xFFFFF800  }
.LBB2_2:
0x4e: {  	[spmem:s3] =	stream.indirect.scatter.add.f32 [tilespmem:s12], [sflag:$0x8], $0x10, s31, s13, $0xb8;
	[tilespmem:$0x5800] =	vst v63  }
0x4f: {  	s31 =	smov.u32 s30  }
0x50: {  	p0 =	sne.s32 s30, $0x8000;
	s30 =	sadd.s32 $0x1000, s30;
	_ =	swait.ge [sflag:s20], $0x800  }
0x51: {  	s31 =	sshra.s32 s31, $0x2;
	[sflag:s20] =	ssyncset.done $0x0  }
0x52: {  	s1 =	sadd.s32 $0x400, s31;
	[sflag:s20] =	ssyncadd.s32 $0xFFFFF800  }
0x53: {  	[spmem:s3] =	stream.indirect.scatter.add.f32 [tilespmem:s12], [sflag:$0x1], $0x10, s1, s13, $0xb8;
	[tilespmem:$0x5800] =	vst v63  }
0x54: {  	_ =	swait.ge [sflag:s21], $0x800  }
0x55: {  	[sflag:s21] =	ssyncset.done $0x0  }
0x56: {  	s1 =	sadd.s32 $0x480, s31;
	[sflag:s21] =	ssyncadd.s32 $0xFFFFF800  }
0x57: {  	[spmem:s3] =	stream.indirect.scatter.add.f32 [tilespmem:s12], [sflag:$0x2], $0x10, s1, s13, $0xb8;
	[tilespmem:$0x5800] =	vst v63  }
0x58: {  	_ =	swait.ge [sflag:s22], $0x800  }
0x59: {  	[sflag:s22] =	ssyncset.done $0x0  }
0x5a: {  	s1 =	sadd.s32 $0x500, s31;
	[sflag:s22] =	ssyncadd.s32 $0xFFFFF800  }
0x5b: {  	[spmem:s3] =	stream.indirect.scatter.add.f32 [tilespmem:s12], [sflag:$0x3], $0x10, s1, s13, $0xb8;
	[tilespmem:$0x5800] =	vst v63  }
0x5c: {  	_ =	swait.ge [sflag:s23], $0x800  }
0x5d: {  	[sflag:s23] =	ssyncset.done $0x0  }
0x5e: {  	s1 =	sadd.s32 $0x580, s31;
	[sflag:s23] =	ssyncadd.s32 $0xFFFFF800  }
0x5f: {  	[spmem:s3] =	stream.indirect.scatter.add.f32 [tilespmem:s12], [sflag:$0x4], $0x10, s1, s13, $0xb8;
	[tilespmem:$0x5800] =	vst v63  }
0x60: {  	_ =	swait.ge [sflag:s24], $0x800  }
0x61: {  	[sflag:s24] =	ssyncset.done $0x0  }
0x62: {  	s1 =	sadd.s32 $0x600, s31;
	[sflag:s24] =	ssyncadd.s32 $0xFFFFF800  }
0x63: {  	[spmem:s3] =	stream.indirect.scatter.add.f32 [tilespmem:s12], [sflag:$0x5], $0x10, s1, s13, $0xb8;
	[tilespmem:$0x5800] =	vst v63  }
0x64: {  	_ =	swait.ge [sflag:s25], $0x800  }
0x65: {  	[sflag:s25] =	ssyncset.done $0x0  }
0x66: {  	s1 =	sadd.s32 $0x680, s31;
	[sflag:s25] =	ssyncadd.s32 $0xFFFFF800  }
0x67: {  	[spmem:s3] =	stream.indirect.scatter.add.f32 [tilespmem:s12], [sflag:$0x6], $0x10, s1, s13, $0xb8;
	[tilespmem:$0x5800] =	vst v63  }
0x68: {  	_ =	swait.ge [sflag:s26], $0x800  }
0x69: {  	[sflag:s26] =	ssyncset.done $0x0  }
.Ltmp0:
0x6a: {  	s1 =	sadd.s32 $0x700, s31;
	[sflag:s26] =	ssyncadd.s32 $0xFFFFF800;
	(pc) =	sbr.rel @p0 .LBB2_2-.Ltmp0, $4  }
0x6b: {  	[spmem:s3] =	stream.indirect.scatter.add.f32 [tilespmem:s12], [sflag:$0x7], $0x10, s1, s13, $0xb8;
	[tilespmem:$0x5800] =	vst v63  }
0x6c: {  	_ =	swait.ge [sflag:s28], $0x800  }
0x6d: {  	[sflag:s28] =	ssyncset.done $0x0  }
0x6e: {  	s31 =	sadd.s32 $0x780, s31;
	[sflag:s28] =	ssyncadd.s32 $0xFFFFF800  }
0x6f: {  	[spmem:s3] =	stream.indirect.scatter.add.f32 [tilespmem:s12], [sflag:$0x8], $0x10, s31, s13, $0xb8;
	[tilespmem:$0x5800] =	vst v63  }
0x70: {  	_ =	swait.ge [sflag:s20], $0x800  }
0x71: {  	[sflag:s20] =	ssyncset.done $0x0  }
0x72: {  	[sflag:s20] =	ssyncadd.s32 $0xFFFFF800  }
0x73: {  	_ =	swait.ge [sflag:s21], $0x800  }
0x74: {  	[sflag:s21] =	ssyncset.done $0x0  }
0x75: {  	[sflag:s21] =	ssyncadd.s32 $0xFFFFF800  }
0x76: {  	_ =	swait.ge [sflag:s22], $0x800  }
0x77: {  	[sflag:s22] =	ssyncset.done $0x0  }
0x78: {  	[sflag:s22] =	ssyncadd.s32 $0xFFFFF800  }
0x79: {  	_ =	swait.ge [sflag:s23], $0x800  }
0x7a: {  	[sflag:s23] =	ssyncset.done $0x0  }
0x7b: {  	[sflag:s23] =	ssyncadd.s32 $0xFFFFF800  }
0x7c: {  	_ =	swait.ge [sflag:s24], $0x800  }
0x7d: {  	[sflag:s24] =	ssyncset.done $0x0  }
0x7e: {  	[sflag:s24] =	ssyncadd.s32 $0xFFFFF800  }
0x7f: {  	_ =	swait.ge [sflag:s25], $0x800  }
0x80: {  	[sflag:s25] =	ssyncset.done $0x0  }
0x81: {  	[sflag:s25] =	ssyncadd.s32 $0xFFFFF800  }
0x82: {  	_ =	swait.ge [sflag:s26], $0x800  }
0x83: {  	[sflag:s26] =	ssyncset.done $0x0  }
0x84: {  	[sflag:s26] =	ssyncadd.s32 $0xFFFFF800  }
0x85: {  	_ =	swait.ge [sflag:s28], $0x800  }
0x86: {  	s29 =	sadd.s32 $0x1, s29;
	[sflag:s28] =	ssyncset.done $0x0  }
0x87: {  	p0 =	sne.s32 s29, s9;
	[sflag:s28] =	ssyncadd.s32 $0xFFFFF800  }
.Ltmp1:
0x88: {  	[bflag:$0x0] =	sbarrier.arrive $0xFFFF;
	(pc) =	sbr.rel @p0 .LBB2_1-.Ltmp1, $4  }
0x89: {  	[hbm:s8], [sflag:s6] =	dma.local [spmem:s10], $0x500  }
0x8a: {  	_ =	swait.ge [sflag:s11], $0x500  }
0x8b: {  	[sflag:s11] =	ssyncset.done $0x0  }
0x8c: {  	[sflag:s11] =	ssyncadd.s32 $0xFFFFFB00  }
0x8d: {  	_ =	sfence.sel $0x180000  }
0x8e: {  	[bflag:$0x0] =	sbarrier.arrive $0xFFFF  }
0x8f: {  	_ =	strace $0x90000047  }
0x90: {  	[bflag:$0x2] =	sbarrier.arrive $0xFFFF  }
0x91: {  	p0 =	sne.s32 s0, $0x0;
	s0 =	rddreg [dreg:$0x3]  }
0x92: {  	s0 =	sadd.s32 @!p0 $0x100000, s0  }
0x93: {  	[sflag:s0] =	ssyncadd.tile.s32 @!p0 $0x1;
	_ =	shalt  }
.Lfunc_end2:
_tile_overlayer_lowered:
.L_overlay_start_2:
0x94: {  	(tag) =	ssettag $0x2  }
0x95: {  	s0 =	rddreg [dreg:$0x0];
	s2 =	stileid.u32  }
0x96: {  	s1 =	rddreg [dreg:$0x1];
	p0 =	sne.s32 s2, $0x0  }
0x97: {  	s3 =	rddreg [dreg:$0x2];
	[bflag:$0x3] =	sbarrier.arrive $0xFFFF;
	s2 =	simm.s32 @!p0 $0x1C09  }
0x98: {  	[timem:s3], [sflag:s2] =	dma.local @!p0 [hbm:s0], s1  }
0x99: {  	s0 =	simm.s32 @!p0 $0x9  }
0x9a: {  	_ =	swait.ge @!p0 [sflag:s0], s1  }
0x9b: {  	s1 =	ssub.s32 @!p0 $0x0, s1;
	[sflag:s0] =	ssyncset.done @!p0 $0x0  }
0x9c: {  	[sflag:s0] =	ssyncadd.s32 @!p0 s1  }
0x9d: {  	[bflag:$0x3] =	sbarrier.arrive $0xFFFF  }
0x9e: {  	_ =	shalt  }

</sc_bundles>
